<compile_context>
chip_gen: v7x
topology: tpu7x:2x2x1
jax: 0.10.2.dev20260603
libtpu: 0.0.44.dev20260713+nightly
codegen_flags: <defaults>
</compile_context>

<pallas_src>
import functools

import jax
import jax.numpy as jnp
from jax import lax
from jax.experimental import pallas as pl
from jax.experimental.pallas import tpu as pltpu
from jax.experimental.pallas import tpu_sc as plsc

N_VOC = 1000000
D = 32
N_B = 16384
N_F = 26

_info = plsc.get_sparse_core_info()
_NC, _NS = _info.num_cores, _info.num_subcores
_NW = _NC * _NS
_B_PER_W = N_B // _NW

_mesh = plsc.VectorSubcoreMesh(core_axis_name="c", subcore_axis_name="s")


_T_COLS = 32768
_T_GRID = -(-N_VOC // _T_COLS)
_T_ROWS = _T_GRID * (_T_COLS // 4)


_T_Q = _T_COLS // 4


def _t1_body(x_ref, o_ref):
    x = x_ref[...]
    o_ref[...] = jnp.concatenate(
        [x[:, q * _T_Q:(q + 1) * _T_Q].T for q in range(4)], axis=1
    )


_stage1 = pl.pallas_call(
    _t1_body,
    grid=(_T_GRID,),
    in_specs=[pl.BlockSpec((D, _T_COLS), lambda i: (0, i))],
    out_specs=pl.BlockSpec((_T_COLS // 4, 128), lambda i: (i, 0)),
    out_shape=jax.ShapeDtypeStruct((_T_ROWS, 128), jnp.float32),
)



@functools.partial(
    pl.kernel,
    mesh=_mesh,
    compiler_params=pltpu.CompilerParams(use_tc_tiling_on_sc=False),
    out_type=jax.ShapeDtypeStruct((N_F, N_B // 4, 128), jnp.float32),
    scratch_types=[
        pltpu.VMEM((N_F, _B_PER_W), jnp.int32),
        pltpu.VMEM((2, _B_PER_W, D), jnp.float32),
        pltpu.SemaphoreType.DMA,
        pltpu.SemaphoreType.DMA,
        pltpu.SemaphoreType.DMA,
        pltpu.SemaphoreType.DMA,
    ],
)
def _stage2(idx_hbm, table_hbm, out_hbm, idx_all, rows, gs0, gs1, ws0, ws1):
    wid = lax.axis_index("s") * _NC + lax.axis_index("c")
    b0 = wid * _B_PER_W
    prow = (wid % 8) * _B_PER_W
    pcol = (wid // 8) * D
    pltpu.sync_copy(idx_hbm.at[:, pl.ds(b0, _B_PER_W)], idx_all)

    gsem = (gs0, gs1)
    wsem = (ws0, ws1)
    gh = [None] * N_F
    wh = [None] * N_F
    for f in range(N_F):
        b = f % 2
        if f >= 2:
            wh[f - 2].wait()
        gh[f] = pltpu.async_copy(table_hbm.at[idx_all.at[f]], rows.at[b], gsem[b])
        gh[f].wait()
        wh[f] = pltpu.async_copy(
            rows.at[b],
            out_hbm.at[f, pl.ds(prow, _B_PER_W), pl.ds(pcol, D)],
            wsem[b],
        )
    wh[N_F - 2].wait()
    wh[N_F - 1].wait()




def _t3_body(x_ref, o_ref):
    x = x_ref[0]
    o_ref[0] = jnp.concatenate(
        [x[:, q * D:(q + 1) * D].T for q in range(4)], axis=1
    )


_stage3 = pl.pallas_call(
    _t3_body,
    grid=(N_F,),
    in_specs=[pl.BlockSpec((1, N_B // 4, 128), lambda f: (f, 0, 0))],
    out_specs=pl.BlockSpec((1, D, N_B), lambda f: (f, 0, 0)),
    out_shape=jax.ShapeDtypeStruct((N_F, D, N_B), jnp.float32),
)


def kernel(indices, table):
    idx = indices.T.astype(jnp.int32)
    blk = idx >> 15
    q = (idx >> 13) & 3
    r = idx & 8191
    idx_m = ((blk << 13) + r) * 4 + q
    table_w = _stage1(table.T)
    table_l = table_w.reshape(_T_ROWS * 4, D)
    planes = _stage2(idx_m, table_l)
    out3 = _stage3(planes)
    return out3.transpose(2, 0, 1)

# --- scband reference (transcript-rebuilt; emitter-appended) ---
"""Pipeline reference for scband-field-embeddings-59210419142847 (READ-ONLY COPY).

The authoritative reference and input builder live on the scoring server;
editing this copy changes nothing except your own understanding.
"""

import jax, jax.numpy as jnp
import numpy as np

N_VOCAB = 1000000
EMBED_DIM = 32
BATCH = 16384
N_FIELDS = 26


def setup_inputs(seed: int = 0) -> dict:
    key = jax.random.key(seed)
    k_idx, k_tab = jax.random.split(key)
    indices = jax.random.randint(k_idx, (BATCH, N_FIELDS), 0, N_VOCAB, dtype=jnp.int64 if jax.config.jax_enable_x64 else jnp.int32)
    table = jax.random.normal(k_tab, (N_VOCAB, EMBED_DIM), dtype=jnp.float32)
    # padding_idx=0 -> row 0 is zeros (as in nn.Embedding with padding_idx=0)
    table = table.at[0].set(0.0)
    return {"indices": indices, "table": table}


def reference(indices, table):
    # nn.Embedding(n_vocab, embedding_dim, padding_idx=0) lookup
    emb = jnp.take(table, indices, axis=0)
    # mask positions hitting padding_idx (row 0 is zero anyway; this also
    # matches padding_idx gradient semantics in the fwdbwd variant)
    mask = (indices != 0)[..., None].astype(emb.dtype)
    return emb * mask

if __name__ == "__main__":
    import jax
    _d = setup_inputs()
    print(jax.jit(kernel)(*tuple(_d.values())))

</pallas_src>

<mosaic_0001>
#map = affine_map<(d0, d1) -> (0, 0)>
#map1 = affine_map<(d0, d1) -> (0, 0, 0)>
module attributes {stable_mosaic.version = 14 : i64} {
  func.func @_stage2(%arg0: i32, %arg1: i32, %arg2: memref<26x16384xi32, #tpu.memory_space<hbm>>, %arg3: memref<1015808x32xf32, #tpu.memory_space<hbm>>, %arg4: memref<26x4096x128xf32, #tpu.memory_space<hbm>>, %arg5: memref<26x512xi32, #tpu.memory_space<vmem>>, %arg6: memref<2x512x32xf32, #tpu.memory_space<vmem>>, %arg7: memref<!tpu.dma_semaphore, #tpu.memory_space<semaphore_mem>>, %arg8: memref<!tpu.dma_semaphore, #tpu.memory_space<semaphore_mem>>, %arg9: memref<!tpu.dma_semaphore, #tpu.memory_space<semaphore_mem>>, %arg10: memref<!tpu.dma_semaphore, #tpu.memory_space<semaphore_mem>>) attributes {dimension_semantics = [#tpu.dimension_semantics<core_parallel>, #tpu.dimension_semantics<subcore_parallel>], iteration_bounds = array<i64: 2, 16>, scalar_prefetch = 0 : i64, scratch_operands = 6 : i64, tpu.core_type = #tpu.core_type<sc_vector_subcore>, window_params = [{transform_indices = #map}, {transform_indices = #map}, {transform_indices = #map1}]} {
    %mul3A = arith.constant 2 : i32
    %mul3A_0 = arith.muli %arg1, %mul3A : i32
    %add3A = arith.addi %mul3A_0, %arg0 : i32
    %mul3A_1 = arith.constant 512 : i32
    %mul3A_2 = arith.muli %add3A, %mul3A_1 : i32
    %jit3A = arith.constant 8 : i32
    %eq3A = arith.constant 0 : i32
    %eq3A_3 = arith.cmpi eq, %jit3A, %eq3A : i32
    %jit3A_4 = arith.constant 1 : i32
    %select_n3A = arith.select %eq3A_3, %jit3A_4, %jit3A : i32
    %rem3A = arith.remsi %add3A, %select_n3A : i32
    %ne3A = arith.constant 0 : i32
    %ne3A_5 = arith.cmpi ne, %rem3A, %ne3A : i32
    %lt3A = arith.constant 0 : i32
    %lt3A_6 = arith.cmpi slt, %rem3A, %lt3A : i32
    %lt3A_7 = arith.constant 0 : i32
    %lt3A_8 = arith.cmpi slt, %select_n3A, %lt3A_7 : i32
    %ne3A_9 = arith.xori %lt3A_6, %lt3A_8 : i1
    %and3A = arith.andi %ne3A_9, %ne3A_5 : i1
    %add3A_10 = arith.addi %rem3A, %select_n3A : i32
    %select_n3A_11 = arith.select %and3A, %add3A_10, %rem3A : i32
    %mul3A_12 = arith.constant 512 : i32
    %mul3A_13 = arith.muli %select_n3A_11, %mul3A_12 : i32
    %jit3A_14 = arith.constant 8 : i32
    %div3A = arith.divsi %add3A, %jit3A_14 : i32
    %sign3A = arith.constant 0 : i32
    %sign3A_15 = arith.cmpi sgt, %add3A, %sign3A : i32
    %sign3A_16 = arith.extui %sign3A_15 : i1 to i32
    %sign3A_17 = arith.constant 0 : i32
    %sign3A_18 = arith.cmpi slt, %add3A, %sign3A_17 : i32
    %sign3A_19 = arith.extui %sign3A_18 : i1 to i32
    %sign3A_20 = arith.subi %sign3A_16, %sign3A_19 : i32
    %sign3A_21 = arith.constant 0 : i32
    %sign3A_22 = arith.cmpi sgt, %jit3A_14, %sign3A_21 : i32
    %sign3A_23 = arith.extui %sign3A_22 : i1 to i32
    %sign3A_24 = arith.constant 0 : i32
    %sign3A_25 = arith.cmpi slt, %jit3A_14, %sign3A_24 : i32
    %sign3A_26 = arith.extui %sign3A_25 : i1 to i32
    %sign3A_27 = arith.subi %sign3A_23, %sign3A_26 : i32
    %ne3A_28 = arith.cmpi ne, %sign3A_20, %sign3A_27 : i32
    %rem3A_29 = arith.remsi %add3A, %jit3A_14 : i32
    %ne3A_30 = arith.constant 0 : i32
    %ne3A_31 = arith.cmpi ne, %rem3A_29, %ne3A_30 : i32
    %and3A_32 = arith.andi %ne3A_28, %ne3A_31 : i1
    %sub3A = arith.constant 1 : i32
    %sub3A_33 = arith.subi %div3A, %sub3A : i32
    %select_n3A_34 = arith.select %and3A_32, %sub3A_33, %div3A : i32
    %mul3A_35 = arith.constant 32 : i32
    %mul3A_36 = arith.muli %select_n3A_34, %mul3A_35 : i32
    "tpu.region"() ({
      %run_scoped3A = tpu.sem_alloc : memref<!tpu.dma_semaphore, #tpu.memory_space<semaphore_mem>>
      %dma_start3A_1387 = arith.constant 0 : i32
      %dma_start3A_1388 = tpu.memref_slice %arg2[%dma_start3A_1387, %mul3A_2] : memref<26x16384xi32, #tpu.memory_space<hbm>> -> memref<26x512xi32, #tpu.memory_space<hbm>>
      %dma_start3A_1389 = arith.constant 0 : i32
      %dma_start3A_1390 = tpu.memref_slice %arg2[%dma_start3A_1389, %mul3A_2] : memref<26x16384xi32, #tpu.memory_space<hbm>> -> memref<26x512xi32, #tpu.memory_space<hbm>>
      tpu.enqueue_dma source(%dma_start3A_1390 : memref<26x512xi32, #tpu.memory_space<hbm>>) target(%arg5 : memref<26x512xi32, #tpu.memory_space<vmem>>) target_semaphore(%run_scoped3A : memref<!tpu.dma_semaphore, #tpu.memory_space<semaphore_mem>>)
      %dma_wait3A_1391 = arith.constant 0 : i32
      %dma_wait3A_1392 = tpu.memref_slice %arg2[%dma_wait3A_1391, %mul3A_2] : memref<26x16384xi32, #tpu.memory_space<hbm>> -> memref<26x512xi32, #tpu.memory_space<hbm>>
      %dma_wait3A_1393 = arith.constant 0 : i32
      %dma_wait3A_1394 = tpu.memref_slice %arg2[%dma_wait3A_1393, %mul3A_2] : memref<26x16384xi32, #tpu.memory_space<hbm>> -> memref<26x512xi32, #tpu.memory_space<hbm>>
      tpu.wait_dma2 semaphore(%run_scoped3A : memref<!tpu.dma_semaphore, #tpu.memory_space<semaphore_mem>>) src(%dma_wait3A_1394 : memref<26x512xi32, #tpu.memory_space<hbm>>) dst(%arg5 : memref<26x512xi32, #tpu.memory_space<vmem>>)
      tpu.yield
    }) : () -> ()
    %dma_start3A = arith.constant 0 : i32
    %dma_start3A_37 = arith.constant 0 : i32
    %dma_start3A_38 = arith.constant 0 : i32
    %dma_start3A_39 = arith.constant 0 : i32
    %dma_start3A_40 = tpu.memref_slice %arg6[%dma_start3A_37, %dma_start3A_38, %dma_start3A_39] : memref<2x512x32xf32, #tpu.memory_space<vmem>> -> memref<1x512x32xf32, #tpu.memory_space<vmem>>
    %dma_start3A_41 = tpu.memref_squeeze %dma_start3A_40 : memref<1x512x32xf32, #tpu.memory_space<vmem>> -> memref<512x32xf32, #tpu.memory_space<vmem>>
    %dma_start3A_42 = arith.constant 0 : i32
    %dma_start3A_43 = tpu.memref_slice %arg5[%dma_start3A, %dma_start3A_42] : memref<26x512xi32, #tpu.memory_space<vmem>> -> memref<1x512xi32, #tpu.memory_space<vmem>>
    %dma_start3A_44 = tpu.memref_squeeze %dma_start3A_43 : memref<1x512xi32, #tpu.memory_space<vmem>> -> memref<512xi32, #tpu.memory_space<vmem>>
    %dma_start3A_45 = arith.constant 0 : i32
    %dma_start3A_46 = arith.constant 0 : i32
    %dma_start3A_47 = tpu.memref_slice %arg3[%dma_start3A_45, %dma_start3A_46] : memref<1015808x32xf32, #tpu.memory_space<hbm>> -> memref<1015808x32xf32, #tpu.memory_space<hbm>>
    tpu.enqueue_indirect_dma source(%dma_start3A_47 : memref<1015808x32xf32, #tpu.memory_space<hbm>>) target(%dma_start3A_41 : memref<512x32xf32, #tpu.memory_space<vmem>>) offsets(%dma_start3A_44 : memref<512xi32, #tpu.memory_space<vmem>>) semaphore(%arg7 : memref<!tpu.dma_semaphore, #tpu.memory_space<semaphore_mem>>)
    %dma_wait3A = arith.constant 0 : i32
    %dma_wait3A_48 = arith.constant 0 : i32
    %dma_wait3A_49 = arith.constant 0 : i32
    %dma_wait3A_50 = arith.constant 0 : i32
    %dma_wait3A_51 = tpu.memref_slice %arg6[%dma_wait3A_48, %dma_wait3A_49, %dma_wait3A_50] : memref<2x512x32xf32, #tpu.memory_space<vmem>> -> memref<1x512x32xf32, #tpu.memory_space<vmem>>
    %dma_wait3A_52 = tpu.memref_squeeze %dma_wait3A_51 : memref<1x512x32xf32, #tpu.memory_space<vmem>> -> memref<512x32xf32, #tpu.memory_space<vmem>>
    %dma_wait3A_53 = arith.constant 0 : i32
    %dma_wait3A_54 = tpu.memref_slice %arg5[%dma_wait3A, %dma_wait3A_53] : memref<26x512xi32, #tpu.memory_space<vmem>> -> memref<1x512xi32, #tpu.memory_space<vmem>>
    %dma_wait3A_55 = tpu.memref_squeeze %dma_wait3A_54 : memref<1x512xi32, #tpu.memory_space<vmem>> -> memref<512xi32, #tpu.memory_space<vmem>>
    %dma_wait3A_56 = arith.constant 0 : i32
    %dma_wait3A_57 = arith.constant 0 : i32
    %dma_wait3A_58 = tpu.memref_slice %arg3[%dma_wait3A_56, %dma_wait3A_57] : memref<1015808x32xf32, #tpu.memory_space<hbm>> -> memref<1015808x32xf32, #tpu.memory_space<hbm>>
    tpu.wait_indirect_dma semaphore(%arg7 : memref<!tpu.dma_semaphore, #tpu.memory_space<semaphore_mem>>) src(%dma_wait3A_58 : memref<1015808x32xf32, #tpu.memory_space<hbm>>) dst(%dma_wait3A_52 : memref<512x32xf32, #tpu.memory_space<vmem>>)
    %dma_start3A_59 = arith.constant 0 : i32
    %dma_start3A_60 = arith.constant 0 : i32
    %dma_start3A_61 = arith.constant 0 : i32
    %dma_start3A_62 = arith.constant 0 : i32
    %dma_start3A_63 = tpu.memref_slice %arg6[%dma_start3A_59, %dma_start3A_61, %dma_start3A_62] : memref<2x512x32xf32, #tpu.memory_space<vmem>> -> memref<1x512x32xf32, #tpu.memory_space<vmem>>
    %dma_start3A_64 = tpu.memref_squeeze %dma_start3A_63 : memref<1x512x32xf32, #tpu.memory_space<vmem>> -> memref<512x32xf32, #tpu.memory_space<vmem>>
    %dma_start3A_65 = tpu.memref_slice %arg4[%dma_start3A_60, %mul3A_13, %mul3A_36] : memref<26x4096x128xf32, #tpu.memory_space<hbm>> -> memref<1x512x32xf32, #tpu.memory_space<hbm>>
    %dma_start3A_66 = tpu.memref_squeeze %dma_start3A_65 : memref<1x512x32xf32, #tpu.memory_space<hbm>> -> memref<512x32xf32, #tpu.memory_space<hbm>>
    %dma_start3A_67 = tpu.memref_slice %arg4[%dma_start3A_60, %mul3A_13, %mul3A_36] : memref<26x4096x128xf32, #tpu.memory_space<hbm>> -> memref<1x512x32xf32, #tpu.memory_space<hbm>>
    %dma_start3A_68 = tpu.memref_squeeze %dma_start3A_67 : memref<1x512x32xf32, #tpu.memory_space<hbm>> -> memref<512x32xf32, #tpu.memory_space<hbm>>
    %dma_start3A_69 = arith.constant 0 : i32
    %dma_start3A_70 = arith.constant 0 : i32
    %dma_start3A_71 = tpu.memref_slice %arg6[%dma_start3A_59, %dma_start3A_69, %dma_start3A_70] : memref<2x512x32xf32, #tpu.memory_space<vmem>> -> memref<1x512x32xf32, #tpu.memory_space<vmem>>
    %dma_start3A_72 = tpu.memref_squeeze %dma_start3A_71 : memref<1x512x32xf32, #tpu.memory_space<vmem>> -> memref<512x32xf32, #tpu.memory_space<vmem>>
    tpu.enqueue_dma source(%dma_start3A_72 : memref<512x32xf32, #tpu.memory_space<vmem>>) target(%dma_start3A_68 : memref<512x32xf32, #tpu.memory_space<hbm>>) target_semaphore(%arg9 : memref<!tpu.dma_semaphore, #tpu.memory_space<semaphore_mem>>)
    %dma_start3A_73 = arith.constant 1 : i32
    %dma_start3A_74 = arith.constant 1 : i32
    %dma_start3A_75 = arith.constant 0 : i32
    %dma_start3A_76 = arith.constant 0 : i32
    %dma_start3A_77 = tpu.memref_slice %arg6[%dma_start3A_74, %dma_start3A_75, %dma_start3A_76] : memref<2x512x32xf32, #tpu.memory_space<vmem>> -> memref<1x512x32xf32, #tpu.memory_space<vmem>>
    %dma_start3A_78 = tpu.memref_squeeze %dma_start3A_77 : memref<1x512x32xf32, #tpu.memory_space<vmem>> -> memref<512x32xf32, #tpu.memory_space<vmem>>
    %dma_start3A_79 = arith.constant 0 : i32
    %dma_start3A_80 = tpu.memref_slice %arg5[%dma_start3A_73, %dma_start3A_79] : memref<26x512xi32, #tpu.memory_space<vmem>> -> memref<1x512xi32, #tpu.memory_space<vmem>>
    %dma_start3A_81 = tpu.memref_squeeze %dma_start3A_80 : memref<1x512xi32, #tpu.memory_space<vmem>> -> memref<512xi32, #tpu.memory_space<vmem>>
    %dma_start3A_82 = arith.constant 0 : i32
    %dma_start3A_83 = arith.constant 0 : i32
    %dma_start3A_84 = tpu.memref_slice %arg3[%dma_start3A_82, %dma_start3A_83] : memref<1015808x32xf32, #tpu.memory_space<hbm>> -> memref<1015808x32xf32, #tpu.memory_space<hbm>>
    tpu.enqueue_indirect_dma source(%dma_start3A_84 : memref<1015808x32xf32, #tpu.memory_space<hbm>>) target(%dma_start3A_78 : memref<512x32xf32, #tpu.memory_space<vmem>>) offsets(%dma_start3A_81 : memref<512xi32, #tpu.memory_space<vmem>>) semaphore(%arg8 : memref<!tpu.dma_semaphore, #tpu.memory_space<semaphore_mem>>)
    %dma_wait3A_85 = arith.constant 1 : i32
    %dma_wait3A_86 = arith.constant 1 : i32
    %dma_wait3A_87 = arith.constant 0 : i32
    %dma_wait3A_88 = arith.constant 0 : i32
    %dma_wait3A_89 = tpu.memref_slice %arg6[%dma_wait3A_86, %dma_wait3A_87, %dma_wait3A_88] : memref<2x512x32xf32, #tpu.memory_space<vmem>> -> memref<1x512x32xf32, #tpu.memory_space<vmem>>
    %dma_wait3A_90 = tpu.memref_squeeze %dma_wait3A_89 : memref<1x512x32xf32, #tpu.memory_space<vmem>> -> memref<512x32xf32, #tpu.memory_space<vmem>>
    %dma_wait3A_91 = arith.constant 0 : i32
    %dma_wait3A_92 = tpu.memref_slice %arg5[%dma_wait3A_85, %dma_wait3A_91] : memref<26x512xi32, #tpu.memory_space<vmem>> -> memref<1x512xi32, #tpu.memory_space<vmem>>
    %dma_wait3A_93 = tpu.memref_squeeze %dma_wait3A_92 : memref<1x512xi32, #tpu.memory_space<vmem>> -> memref<512xi32, #tpu.memory_space<vmem>>
    %dma_wait3A_94 = arith.constant 0 : i32
    %dma_wait3A_95 = arith.constant 0 : i32
    %dma_wait3A_96 = tpu.memref_slice %arg3[%dma_wait3A_94, %dma_wait3A_95] : memref<1015808x32xf32, #tpu.memory_space<hbm>> -> memref<1015808x32xf32, #tpu.memory_space<hbm>>
    tpu.wait_indirect_dma semaphore(%arg8 : memref<!tpu.dma_semaphore, #tpu.memory_space<semaphore_mem>>) src(%dma_wait3A_96 : memref<1015808x32xf32, #tpu.memory_space<hbm>>) dst(%dma_wait3A_90 : memref<512x32xf32, #tpu.memory_space<vmem>>)
    %dma_start3A_97 = arith.constant 1 : i32
    %dma_start3A_98 = arith.constant 1 : i32
    %dma_start3A_99 = arith.constant 0 : i32
    %dma_start3A_100 = arith.constant 0 : i32
    %dma_start3A_101 = tpu.memref_slice %arg6[%dma_start3A_97, %dma_start3A_99, %dma_start3A_100] : memref<2x512x32xf32, #tpu.memory_space<vmem>> -> memref<1x512x32xf32, #tpu.memory_space<vmem>>
    %dma_start3A_102 = tpu.memref_squeeze %dma_start3A_101 : memref<1x512x32xf32, #tpu.memory_space<vmem>> -> memref<512x32xf32, #tpu.memory_space<vmem>>
    %dma_start3A_103 = tpu.memref_slice %arg4[%dma_start3A_98, %mul3A_13, %mul3A_36] : memref<26x4096x128xf32, #tpu.memory_space<hbm>> -> memref<1x512x32xf32, #tpu.memory_space<hbm>>
    %dma_start3A_104 = tpu.memref_squeeze %dma_start3A_103 : memref<1x512x32xf32, #tpu.memory_space<hbm>> -> memref<512x32xf32, #tpu.memory_space<hbm>>
    %dma_start3A_105 = tpu.memref_slice %arg4[%dma_start3A_98, %mul3A_13, %mul3A_36] : memref<26x4096x128xf32, #tpu.memory_space<hbm>> -> memref<1x512x32xf32, #tpu.memory_space<hbm>>
    %dma_start3A_106 = tpu.memref_squeeze %dma_start3A_105 : memref<1x512x32xf32, #tpu.memory_space<hbm>> -> memref<512x32xf32, #tpu.memory_space<hbm>>
    %dma_start3A_107 = arith.constant 0 : i32
    %dma_start3A_108 = arith.constant 0 : i32
    %dma_start3A_109 = tpu.memref_slice %arg6[%dma_start3A_97, %dma_start3A_107, %dma_start3A_108] : memref<2x512x32xf32, #tpu.memory_space<vmem>> -> memref<1x512x32xf32, #tpu.memory_space<vmem>>
    %dma_start3A_110 = tpu.memref_squeeze %dma_start3A_109 : memref<1x512x32xf32, #tpu.memory_space<vmem>> -> memref<512x32xf32, #tpu.memory_space<vmem>>
    tpu.enqueue_dma source(%dma_start3A_110 : memref<512x32xf32, #tpu.memory_space<vmem>>) target(%dma_start3A_106 : memref<512x32xf32, #tpu.memory_space<hbm>>) target_semaphore(%arg10 : memref<!tpu.dma_semaphore, #tpu.memory_space<semaphore_mem>>)
    %dma_wait3A_111 = arith.constant 0 : i32
    %dma_wait3A_112 = arith.constant 0 : i32
    %dma_wait3A_113 = arith.constant 0 : i32
    %dma_wait3A_114 = arith.constant 0 : i32
    %dma_wait3A_115 = tpu.memref_slice %arg6[%dma_wait3A_111, %dma_wait3A_113, %dma_wait3A_114] : memref<2x512x32xf32, #tpu.memory_space<vmem>> -> memref<1x512x32xf32, #tpu.memory_space<vmem>>
    %dma_wait3A_116 = tpu.memref_squeeze %dma_wait3A_115 : memref<1x512x32xf32, #tpu.memory_space<vmem>> -> memref<512x32xf32, #tpu.memory_space<vmem>>
    %dma_wait3A_117 = tpu.memref_slice %arg4[%dma_wait3A_112, %mul3A_13, %mul3A_36] : memref<26x4096x128xf32, #tpu.memory_space<hbm>> -> memref<1x512x32xf32, #tpu.memory_space<hbm>>
    %dma_wait3A_118 = tpu.memref_squeeze %dma_wait3A_117 : memref<1x512x32xf32, #tpu.memory_space<hbm>> -> memref<512x32xf32, #tpu.memory_space<hbm>>
    %dma_wait3A_119 = tpu.memref_slice %arg4[%dma_wait3A_112, %mul3A_13, %mul3A_36] : memref<26x4096x128xf32, #tpu.memory_space<hbm>> -> memref<1x512x32xf32, #tpu.memory_space<hbm>>
    %dma_wait3A_120 = tpu.memref_squeeze %dma_wait3A_119 : memref<1x512x32xf32, #tpu.memory_space<hbm>> -> memref<512x32xf32, #tpu.memory_space<hbm>>
    %dma_wait3A_121 = arith.constant 0 : i32
    %dma_wait3A_122 = arith.constant 0 : i32
    %dma_wait3A_123 = tpu.memref_slice %arg6[%dma_wait3A_111, %dma_wait3A_121, %dma_wait3A_122] : memref<2x512x32xf32, #tpu.memory_space<vmem>> -> memref<1x512x32xf32, #tpu.memory_space<vmem>>
    %dma_wait3A_124 = tpu.memref_squeeze %dma_wait3A_123 : memref<1x512x32xf32, #tpu.memory_space<vmem>> -> memref<512x32xf32, #tpu.memory_space<vmem>>
    tpu.wait_dma2 semaphore(%arg9 : memref<!tpu.dma_semaphore, #tpu.memory_space<semaphore_mem>>) src(%dma_wait3A_124 : memref<512x32xf32, #tpu.memory_space<vmem>>) dst(%dma_wait3A_120 : memref<512x32xf32, #tpu.memory_space<hbm>>)
    %dma_start3A_125 = arith.constant 2 : i32
    %dma_start3A_126 = arith.constant 0 : i32
    %dma_start3A_127 = arith.constant 0 : i32
    %dma_start3A_128 = arith.constant 0 : i32
    %dma_start3A_129 = tpu.memref_slice %arg6[%dma_start3A_126, %dma_start3A_127, %dma_start3A_128] : memref<2x512x32xf32, #tpu.memory_space<vmem>> -> memref<1x512x32xf32, #tpu.memory_space<vmem>>
    %dma_start3A_130 = tpu.memref_squeeze %dma_start3A_129 : memref<1x512x32xf32, #tpu.memory_space<vmem>> -> memref<512x32xf32, #tpu.memory_space<vmem>>
    %dma_start3A_131 = arith.constant 0 : i32
    %dma_start3A_132 = tpu.memref_slice %arg5[%dma_start3A_125, %dma_start3A_131] : memref<26x512xi32, #tpu.memory_space<vmem>> -> memref<1x512xi32, #tpu.memory_space<vmem>>
    %dma_start3A_133 = tpu.memref_squeeze %dma_start3A_132 : memref<1x512xi32, #tpu.memory_space<vmem>> -> memref<512xi32, #tpu.memory_space<vmem>>
    %dma_start3A_134 = arith.constant 0 : i32
    %dma_start3A_135 = arith.constant 0 : i32
    %dma_start3A_136 = tpu.memref_slice %arg3[%dma_start3A_134, %dma_start3A_135] : memref<1015808x32xf32, #tpu.memory_space<hbm>> -> memref<1015808x32xf32, #tpu.memory_space<hbm>>
    tpu.enqueue_indirect_dma source(%dma_start3A_136 : memref<1015808x32xf32, #tpu.memory_space<hbm>>) target(%dma_start3A_130 : memref<512x32xf32, #tpu.memory_space<vmem>>) offsets(%dma_start3A_133 : memref<512xi32, #tpu.memory_space<vmem>>) semaphore(%arg7 : memref<!tpu.dma_semaphore, #tpu.memory_space<semaphore_mem>>)
    %dma_wait3A_137 = arith.constant 2 : i32
    %dma_wait3A_138 = arith.constant 0 : i32
    %dma_wait3A_139 = arith.constant 0 : i32
    %dma_wait3A_140 = arith.constant 0 : i32
    %dma_wait3A_141 = tpu.memref_slice %arg6[%dma_wait3A_138, %dma_wait3A_139, %dma_wait3A_140] : memref<2x512x32xf32, #tpu.memory_space<vmem>> -> memref<1x512x32xf32, #tpu.memory_space<vmem>>
    %dma_wait3A_142 = tpu.memref_squeeze %dma_wait3A_141 : memref<1x512x32xf32, #tpu.memory_space<vmem>> -> memref<512x32xf32, #tpu.memory_space<vmem>>
    %dma_wait3A_143 = arith.constant 0 : i32
    %dma_wait3A_144 = tpu.memref_slice %arg5[%dma_wait3A_137, %dma_wait3A_143] : memref<26x512xi32, #tpu.memory_space<vmem>> -> memref<1x512xi32, #tpu.memory_space<vmem>>
    %dma_wait3A_145 = tpu.memref_squeeze %dma_wait3A_144 : memref<1x512xi32, #tpu.memory_space<vmem>> -> memref<512xi32, #tpu.memory_space<vmem>>
    %dma_wait3A_146 = arith.constant 0 : i32
    %dma_wait3A_147 = arith.constant 0 : i32
    %dma_wait3A_148 = tpu.memref_slice %arg3[%dma_wait3A_146, %dma_wait3A_147] : memref<1015808x32xf32, #tpu.memory_space<hbm>> -> memref<1015808x32xf32, #tpu.memory_space<hbm>>
    tpu.wait_indirect_dma semaphore(%arg7 : memref<!tpu.dma_semaphore, #tpu.memory_space<semaphore_mem>>) src(%dma_wait3A_148 : memref<1015808x32xf32, #tpu.memory_space<hbm>>) dst(%dma_wait3A_142 : memref<512x32xf32, #tpu.memory_space<vmem>>)
    %dma_start3A_149 = arith.constant 0 : i32
    %dma_start3A_150 = arith.constant 2 : i32
    %dma_start3A_151 = arith.constant 0 : i32
    %dma_start3A_152 = arith.constant 0 : i32
    %dma_start3A_153 = tpu.memref_slice %arg6[%dma_start3A_149, %dma_start3A_151, %dma_start3A_152] : memref<2x512x32xf32, #tpu.memory_space<vmem>> -> memref<1x512x32xf32, #tpu.memory_space<vmem>>
    %dma_start3A_154 = tpu.memref_squeeze %dma_start3A_153 : memref<1x512x32xf32, #tpu.memory_space<vmem>> -> memref<512x32xf32, #tpu.memory_space<vmem>>
    %dma_start3A_155 = tpu.memref_slice %arg4[%dma_start3A_150, %mul3A_13, %mul3A_36] : memref<26x4096x128xf32, #tpu.memory_space<hbm>> -> memref<1x512x32xf32, #tpu.memory_space<hbm>>
    %dma_start3A_156 = tpu.memref_squeeze %dma_start3A_155 : memref<1x512x32xf32, #tpu.memory_space<hbm>> -> memref<512x32xf32, #tpu.memory_space<hbm>>
    %dma_start3A_157 = tpu.memref_slice %arg4[%dma_start3A_150, %mul3A_13, %mul3A_36] : memref<26x4096x128xf32, #tpu.memory_space<hbm>> -> memref<1x512x32xf32, #tpu.memory_space<hbm>>
    %dma_start3A_158 = tpu.memref_squeeze %dma_start3A_157 : memref<1x512x32xf32, #tpu.memory_space<hbm>> -> memref<512x32xf32, #tpu.memory_space<hbm>>
    %dma_start3A_159 = arith.constant 0 : i32
    %dma_start3A_160 = arith.constant 0 : i32
    %dma_start3A_161 = tpu.memref_slice %arg6[%dma_start3A_149, %dma_start3A_159, %dma_start3A_160] : memref<2x512x32xf32, #tpu.memory_space<vmem>> -> memref<1x512x32xf32, #tpu.memory_space<vmem>>
    %dma_start3A_162 = tpu.memref_squeeze %dma_start3A_161 : memref<1x512x32xf32, #tpu.memory_space<vmem>> -> memref<512x32xf32, #tpu.memory_space<vmem>>
    tpu.enqueue_dma source(%dma_start3A_162 : memref<512x32xf32, #tpu.memory_space<vmem>>) target(%dma_start3A_158 : memref<512x32xf32, #tpu.memory_space<hbm>>) target_semaphore(%arg9 : memref<!tpu.dma_semaphore, #tpu.memory_space<semaphore_mem>>)
    %dma_wait3A_163 = arith.constant 1 : i32
    %dma_wait3A_164 = arith.constant 1 : i32
    %dma_wait3A_165 = arith.constant 0 : i32
    %dma_wait3A_166 = arith.constant 0 : i32
    %dma_wait3A_167 = tpu.memref_slice %arg6[%dma_wait3A_163, %dma_wait3A_165, %dma_wait3A_166] : memref<2x512x32xf32, #tpu.memory_space<vmem>> -> memref<1x512x32xf32, #tpu.memory_space<vmem>>
    %dma_wait3A_168 = tpu.memref_squeeze %dma_wait3A_167 : memref<1x512x32xf32, #tpu.memory_space<vmem>> -> memref<512x32xf32, #tpu.memory_space<vmem>>
    %dma_wait3A_169 = tpu.memref_slice %arg4[%dma_wait3A_164, %mul3A_13, %mul3A_36] : memref<26x4096x128xf32, #tpu.memory_space<hbm>> -> memref<1x512x32xf32, #tpu.memory_space<hbm>>
    %dma_wait3A_170 = tpu.memref_squeeze %dma_wait3A_169 : memref<1x512x32xf32, #tpu.memory_space<hbm>> -> memref<512x32xf32, #tpu.memory_space<hbm>>
    %dma_wait3A_171 = tpu.memref_slice %arg4[%dma_wait3A_164, %mul3A_13, %mul3A_36] : memref<26x4096x128xf32, #tpu.memory_space<hbm>> -> memref<1x512x32xf32, #tpu.memory_space<hbm>>
    %dma_wait3A_172 = tpu.memref_squeeze %dma_wait3A_171 : memref<1x512x32xf32, #tpu.memory_space<hbm>> -> memref<512x32xf32, #tpu.memory_space<hbm>>
    %dma_wait3A_173 = arith.constant 0 : i32
    %dma_wait3A_174 = arith.constant 0 : i32
    %dma_wait3A_175 = tpu.memref_slice %arg6[%dma_wait3A_163, %dma_wait3A_173, %dma_wait3A_174] : memref<2x512x32xf32, #tpu.memory_space<vmem>> -> memref<1x512x32xf32, #tpu.memory_space<vmem>>
    %dma_wait3A_176 = tpu.memref_squeeze %dma_wait3A_175 : memref<1x512x32xf32, #tpu.memory_space<vmem>> -> memref<512x32xf32, #tpu.memory_space<vmem>>
    tpu.wait_dma2 semaphore(%arg10 : memref<!tpu.dma_semaphore, #tpu.memory_space<semaphore_mem>>) src(%dma_wait3A_176 : memref<512x32xf32, #tpu.memory_space<vmem>>) dst(%dma_wait3A_172 : memref<512x32xf32, #tpu.memory_space<hbm>>)
    %dma_start3A_177 = arith.constant 3 : i32
    %dma_start3A_178 = arith.constant 1 : i32
    %dma_start3A_179 = arith.constant 0 : i32
    %dma_start3A_180 = arith.constant 0 : i32
    %dma_start3A_181 = tpu.memref_slice %arg6[%dma_start3A_178, %dma_start3A_179, %dma_start3A_180] : memref<2x512x32xf32, #tpu.memory_space<vmem>> -> memref<1x512x32xf32, #tpu.memory_space<vmem>>
    %dma_start3A_182 = tpu.memref_squeeze %dma_start3A_181 : memref<1x512x32xf32, #tpu.memory_space<vmem>> -> memref<512x32xf32, #tpu.memory_space<vmem>>
    %dma_start3A_183 = arith.constant 0 : i32
    %dma_start3A_184 = tpu.memref_slice %arg5[%dma_start3A_177, %dma_start3A_183] : memref<26x512xi32, #tpu.memory_space<vmem>> -> memref<1x512xi32, #tpu.memory_space<vmem>>
    %dma_start3A_185 = tpu.memref_squeeze %dma_start3A_184 : memref<1x512xi32, #tpu.memory_space<vmem>> -> memref<512xi32, #tpu.memory_space<vmem>>
    %dma_start3A_186 = arith.constant 0 : i32
    %dma_start3A_187 = arith.constant 0 : i32
    %dma_start3A_188 = tpu.memref_slice %arg3[%dma_start3A_186, %dma_start3A_187] : memref<1015808x32xf32, #tpu.memory_space<hbm>> -> memref<1015808x32xf32, #tpu.memory_space<hbm>>
    tpu.enqueue_indirect_dma source(%dma_start3A_188 : memref<1015808x32xf32, #tpu.memory_space<hbm>>) target(%dma_start3A_182 : memref<512x32xf32, #tpu.memory_space<vmem>>) offsets(%dma_start3A_185 : memref<512xi32, #tpu.memory_space<vmem>>) semaphore(%arg8 : memref<!tpu.dma_semaphore, #tpu.memory_space<semaphore_mem>>)
    %dma_wait3A_189 = arith.constant 3 : i32
    %dma_wait3A_190 = arith.constant 1 : i32
    %dma_wait3A_191 = arith.constant 0 : i32
    %dma_wait3A_192 = arith.constant 0 : i32
    %dma_wait3A_193 = tpu.memref_slice %arg6[%dma_wait3A_190, %dma_wait3A_191, %dma_wait3A_192] : memref<2x512x32xf32, #tpu.memory_space<vmem>> -> memref<1x512x32xf32, #tpu.memory_space<vmem>>
    %dma_wait3A_194 = tpu.memref_squeeze %dma_wait3A_193 : memref<1x512x32xf32, #tpu.memory_space<vmem>> -> memref<512x32xf32, #tpu.memory_space<vmem>>
    %dma_wait3A_195 = arith.constant 0 : i32
    %dma_wait3A_196 = tpu.memref_slice %arg5[%dma_wait3A_189, %dma_wait3A_195] : memref<26x512xi32, #tpu.memory_space<vmem>> -> memref<1x512xi32, #tpu.memory_space<vmem>>
    %dma_wait3A_197 = tpu.memref_squeeze %dma_wait3A_196 : memref<1x512xi32, #tpu.memory_space<vmem>> -> memref<512xi32, #tpu.memory_space<vmem>>
    %dma_wait3A_198 = arith.constant 0 : i32
    %dma_wait3A_199 = arith.constant 0 : i32
    %dma_wait3A_200 = tpu.memref_slice %arg3[%dma_wait3A_198, %dma_wait3A_199] : memref<1015808x32xf32, #tpu.memory_space<hbm>> -> memref<1015808x32xf32, #tpu.memory_space<hbm>>
    tpu.wait_indirect_dma semaphore(%arg8 : memref<!tpu.dma_semaphore, #tpu.memory_space<semaphore_mem>>) src(%dma_wait3A_200 : memref<1015808x32xf32, #tpu.memory_space<hbm>>) dst(%dma_wait3A_194 : memref<512x32xf32, #tpu.memory_space<vmem>>)
    %dma_start3A_201 = arith.constant 1 : i32
    %dma_start3A_202 = arith.constant 3 : i32
    %dma_start3A_203 = arith.constant 0 : i32
    %dma_start3A_204 = arith.constant 0 : i32
    %dma_start3A_205 = tpu.memref_slice %arg6[%dma_start3A_201, %dma_start3A_203, %dma_start3A_204] : memref<2x512x32xf32, #tpu.memory_space<vmem>> -> memref<1x512x32xf32, #tpu.memory_space<vmem>>
    %dma_start3A_206 = tpu.memref_squeeze %dma_start3A_205 : memref<1x512x32xf32, #tpu.memory_space<vmem>> -> memref<512x32xf32, #tpu.memory_space<vmem>>
    %dma_start3A_207 = tpu.memref_slice %arg4[%dma_start3A_202, %mul3A_13, %mul3A_36] : memref<26x4096x128xf32, #tpu.memory_space<hbm>> -> memref<1x512x32xf32, #tpu.memory_space<hbm>>
    %dma_start3A_208 = tpu.memref_squeeze %dma_start3A_207 : memref<1x512x32xf32, #tpu.memory_space<hbm>> -> memref<512x32xf32, #tpu.memory_space<hbm>>
    %dma_start3A_209 = tpu.memref_slice %arg4[%dma_start3A_202, %mul3A_13, %mul3A_36] : memref<26x4096x128xf32, #tpu.memory_space<hbm>> -> memref<1x512x32xf32, #tpu.memory_space<hbm>>
    %dma_start3A_210 = tpu.memref_squeeze %dma_start3A_209 : memref<1x512x32xf32, #tpu.memory_space<hbm>> -> memref<512x32xf32, #tpu.memory_space<hbm>>
    %dma_start3A_211 = arith.constant 0 : i32
    %dma_start3A_212 = arith.constant 0 : i32
    %dma_start3A_213 = tpu.memref_slice %arg6[%dma_start3A_201, %dma_start3A_211, %dma_start3A_212] : memref<2x512x32xf32, #tpu.memory_space<vmem>> -> memref<1x512x32xf32, #tpu.memory_space<vmem>>
    %dma_start3A_214 = tpu.memref_squeeze %dma_start3A_213 : memref<1x512x32xf32, #tpu.memory_space<vmem>> -> memref<512x32xf32, #tpu.memory_space<vmem>>
    tpu.enqueue_dma source(%dma_start3A_214 : memref<512x32xf32, #tpu.memory_space<vmem>>) target(%dma_start3A_210 : memref<512x32xf32, #tpu.memory_space<hbm>>) target_semaphore(%arg10 : memref<!tpu.dma_semaphore, #tpu.memory_space<semaphore_mem>>)
    %dma_wait3A_215 = arith.constant 0 : i32
    %dma_wait3A_216 = arith.constant 2 : i32
    %dma_wait3A_217 = arith.constant 0 : i32
    %dma_wait3A_218 = arith.constant 0 : i32
    %dma_wait3A_219 = tpu.memref_slice %arg6[%dma_wait3A_215, %dma_wait3A_217, %dma_wait3A_218] : memref<2x512x32xf32, #tpu.memory_space<vmem>> -> memref<1x512x32xf32, #tpu.memory_space<vmem>>
    %dma_wait3A_220 = tpu.memref_squeeze %dma_wait3A_219 : memref<1x512x32xf32, #tpu.memory_space<vmem>> -> memref<512x32xf32, #tpu.memory_space<vmem>>
    %dma_wait3A_221 = tpu.memref_slice %arg4[%dma_wait3A_216, %mul3A_13, %mul3A_36] : memref<26x4096x128xf32, #tpu.memory_space<hbm>> -> memref<1x512x32xf32, #tpu.memory_space<hbm>>
    %dma_wait3A_222 = tpu.memref_squeeze %dma_wait3A_221 : memref<1x512x32xf32, #tpu.memory_space<hbm>> -> memref<512x32xf32, #tpu.memory_space<hbm>>
    %dma_wait3A_223 = tpu.memref_slice %arg4[%dma_wait3A_216, %mul3A_13, %mul3A_36] : memref<26x4096x128xf32, #tpu.memory_space<hbm>> -> memref<1x512x32xf32, #tpu.memory_space<hbm>>
    %dma_wait3A_224 = tpu.memref_squeeze %dma_wait3A_223 : memref<1x512x32xf32, #tpu.memory_space<hbm>> -> memref<512x32xf32, #tpu.memory_space<hbm>>
    %dma_wait3A_225 = arith.constant 0 : i32
    %dma_wait3A_226 = arith.constant 0 : i32
    %dma_wait3A_227 = tpu.memref_slice %arg6[%dma_wait3A_215, %dma_wait3A_225, %dma_wait3A_226] : memref<2x512x32xf32, #tpu.memory_space<vmem>> -> memref<1x512x32xf32, #tpu.memory_space<vmem>>
    %dma_wait3A_228 = tpu.memref_squeeze %dma_wait3A_227 : memref<1x512x32xf32, #tpu.memory_space<vmem>> -> memref<512x32xf32, #tpu.memory_space<vmem>>
    tpu.wait_dma2 semaphore(%arg9 : memref<!tpu.dma_semaphore, #tpu.memory_space<semaphore_mem>>) src(%dma_wait3A_228 : memref<512x32xf32, #tpu.memory_space<vmem>>) dst(%dma_wait3A_224 : memref<512x32xf32, #tpu.memory_space<hbm>>)
    %dma_start3A_229 = arith.constant 4 : i32
    %dma_start3A_230 = arith.constant 0 : i32
    %dma_start3A_231 = arith.constant 0 : i32
    %dma_start3A_232 = arith.constant 0 : i32
    %dma_start3A_233 = tpu.memref_slice %arg6[%dma_start3A_230, %dma_start3A_231, %dma_start3A_232] : memref<2x512x32xf32, #tpu.memory_space<vmem>> -> memref<1x512x32xf32, #tpu.memory_space<vmem>>
    %dma_start3A_234 = tpu.memref_squeeze %dma_start3A_233 : memref<1x512x32xf32, #tpu.memory_space<vmem>> -> memref<512x32xf32, #tpu.memory_space<vmem>>
    %dma_start3A_235 = arith.constant 0 : i32
    %dma_start3A_236 = tpu.memref_slice %arg5[%dma_start3A_229, %dma_start3A_235] : memref<26x512xi32, #tpu.memory_space<vmem>> -> memref<1x512xi32, #tpu.memory_space<vmem>>
    %dma_start3A_237 = tpu.memref_squeeze %dma_start3A_236 : memref<1x512xi32, #tpu.memory_space<vmem>> -> memref<512xi32, #tpu.memory_space<vmem>>
    %dma_start3A_238 = arith.constant 0 : i32
    %dma_start3A_239 = arith.constant 0 : i32
    %dma_start3A_240 = tpu.memref_slice %arg3[%dma_start3A_238, %dma_start3A_239] : memref<1015808x32xf32, #tpu.memory_space<hbm>> -> memref<1015808x32xf32, #tpu.memory_space<hbm>>
    tpu.enqueue_indirect_dma source(%dma_start3A_240 : memref<1015808x32xf32, #tpu.memory_space<hbm>>) target(%dma_start3A_234 : memref<512x32xf32, #tpu.memory_space<vmem>>) offsets(%dma_start3A_237 : memref<512xi32, #tpu.memory_space<vmem>>) semaphore(%arg7 : memref<!tpu.dma_semaphore, #tpu.memory_space<semaphore_mem>>)
    %dma_wait3A_241 = arith.constant 4 : i32
    %dma_wait3A_242 = arith.constant 0 : i32
    %dma_wait3A_243 = arith.constant 0 : i32
    %dma_wait3A_244 = arith.constant 0 : i32
    %dma_wait3A_245 = tpu.memref_slice %arg6[%dma_wait3A_242, %dma_wait3A_243, %dma_wait3A_244] : memref<2x512x32xf32, #tpu.memory_space<vmem>> -> memref<1x512x32xf32, #tpu.memory_space<vmem>>
    %dma_wait3A_246 = tpu.memref_squeeze %dma_wait3A_245 : memref<1x512x32xf32, #tpu.memory_space<vmem>> -> memref<512x32xf32, #tpu.memory_space<vmem>>
    %dma_wait3A_247 = arith.constant 0 : i32
    %dma_wait3A_248 = tpu.memref_slice %arg5[%dma_wait3A_241, %dma_wait3A_247] : memref<26x512xi32, #tpu.memory_space<vmem>> -> memref<1x512xi32, #tpu.memory_space<vmem>>
    %dma_wait3A_249 = tpu.memref_squeeze %dma_wait3A_248 : memref<1x512xi32, #tpu.memory_space<vmem>> -> memref<512xi32, #tpu.memory_space<vmem>>
    %dma_wait3A_250 = arith.constant 0 : i32
    %dma_wait3A_251 = arith.constant 0 : i32
    %dma_wait3A_252 = tpu.memref_slice %arg3[%dma_wait3A_250, %dma_wait3A_251] : memref<1015808x32xf32, #tpu.memory_space<hbm>> -> memref<1015808x32xf32, #tpu.memory_space<hbm>>
    tpu.wait_indirect_dma semaphore(%arg7 : memref<!tpu.dma_semaphore, #tpu.memory_space<semaphore_mem>>) src(%dma_wait3A_252 : memref<1015808x32xf32, #tpu.memory_space<hbm>>) dst(%dma_wait3A_246 : memref<512x32xf32, #tpu.memory_space<vmem>>)
    %dma_start3A_253 = arith.constant 0 : i32
    %dma_start3A_254 = arith.constant 4 : i32
    %dma_start3A_255 = arith.constant 0 : i32
    %dma_start3A_256 = arith.constant 0 : i32
    %dma_start3A_257 = tpu.memref_slice %arg6[%dma_start3A_253, %dma_start3A_255, %dma_start3A_256] : memref<2x512x32xf32, #tpu.memory_space<vmem>> -> memref<1x512x32xf32, #tpu.memory_space<vmem>>
    %dma_start3A_258 = tpu.memref_squeeze %dma_start3A_257 : memref<1x512x32xf32, #tpu.memory_space<vmem>> -> memref<512x32xf32, #tpu.memory_space<vmem>>
    %dma_start3A_259 = tpu.memref_slice %arg4[%dma_start3A_254, %mul3A_13, %mul3A_36] : memref<26x4096x128xf32, #tpu.memory_space<hbm>> -> memref<1x512x32xf32, #tpu.memory_space<hbm>>
    %dma_start3A_260 = tpu.memref_squeeze %dma_start3A_259 : memref<1x512x32xf32, #tpu.memory_space<hbm>> -> memref<512x32xf32, #tpu.memory_space<hbm>>
    %dma_start3A_261 = tpu.memref_slice %arg4[%dma_start3A_254, %mul3A_13, %mul3A_36] : memref<26x4096x128xf32, #tpu.memory_space<hbm>> -> memref<1x512x32xf32, #tpu.memory_space<hbm>>
    %dma_start3A_262 = tpu.memref_squeeze %dma_start3A_261 : memref<1x512x32xf32, #tpu.memory_space<hbm>> -> memref<512x32xf32, #tpu.memory_space<hbm>>
    %dma_start3A_263 = arith.constant 0 : i32
    %dma_start3A_264 = arith.constant 0 : i32
    %dma_start3A_265 = tpu.memref_slice %arg6[%dma_start3A_253, %dma_start3A_263, %dma_start3A_264] : memref<2x512x32xf32, #tpu.memory_space<vmem>> -> memref<1x512x32xf32, #tpu.memory_space<vmem>>
    %dma_start3A_266 = tpu.memref_squeeze %dma_start3A_265 : memref<1x512x32xf32, #tpu.memory_space<vmem>> -> memref<512x32xf32, #tpu.memory_space<vmem>>
    tpu.enqueue_dma source(%dma_start3A_266 : memref<512x32xf32, #tpu.memory_space<vmem>>) target(%dma_start3A_262 : memref<512x32xf32, #tpu.memory_space<hbm>>) target_semaphore(%arg9 : memref<!tpu.dma_semaphore, #tpu.memory_space<semaphore_mem>>)
    %dma_wait3A_267 = arith.constant 1 : i32
    %dma_wait3A_268 = arith.constant 3 : i32
    %dma_wait3A_269 = arith.constant 0 : i32
    %dma_wait3A_270 = arith.constant 0 : i32
    %dma_wait3A_271 = tpu.memref_slice %arg6[%dma_wait3A_267, %dma_wait3A_269, %dma_wait3A_270] : memref<2x512x32xf32, #tpu.memory_space<vmem>> -> memref<1x512x32xf32, #tpu.memory_space<vmem>>
    %dma_wait3A_272 = tpu.memref_squeeze %dma_wait3A_271 : memref<1x512x32xf32, #tpu.memory_space<vmem>> -> memref<512x32xf32, #tpu.memory_space<vmem>>
    %dma_wait3A_273 = tpu.memref_slice %arg4[%dma_wait3A_268, %mul3A_13, %mul3A_36] : memref<26x4096x128xf32, #tpu.memory_space<hbm>> -> memref<1x512x32xf32, #tpu.memory_space<hbm>>
    %dma_wait3A_274 = tpu.memref_squeeze %dma_wait3A_273 : memref<1x512x32xf32, #tpu.memory_space<hbm>> -> memref<512x32xf32, #tpu.memory_space<hbm>>
    %dma_wait3A_275 = tpu.memref_slice %arg4[%dma_wait3A_268, %mul3A_13, %mul3A_36] : memref<26x4096x128xf32, #tpu.memory_space<hbm>> -> memref<1x512x32xf32, #tpu.memory_space<hbm>>
    %dma_wait3A_276 = tpu.memref_squeeze %dma_wait3A_275 : memref<1x512x32xf32, #tpu.memory_space<hbm>> -> memref<512x32xf32, #tpu.memory_space<hbm>>
    %dma_wait3A_277 = arith.constant 0 : i32
    %dma_wait3A_278 = arith.constant 0 : i32
    %dma_wait3A_279 = tpu.memref_slice %arg6[%dma_wait3A_267, %dma_wait3A_277, %dma_wait3A_278] : memref<2x512x32xf32, #tpu.memory_space<vmem>> -> memref<1x512x32xf32, #tpu.memory_space<vmem>>
    %dma_wait3A_280 = tpu.memref_squeeze %dma_wait3A_279 : memref<1x512x32xf32, #tpu.memory_space<vmem>> -> memref<512x32xf32, #tpu.memory_space<vmem>>
    tpu.wait_dma2 semaphore(%arg10 : memref<!tpu.dma_semaphore, #tpu.memory_space<semaphore_mem>>) src(%dma_wait3A_280 : memref<512x32xf32, #tpu.memory_space<vmem>>) dst(%dma_wait3A_276 : memref<512x32xf32, #tpu.memory_space<hbm>>)
    %dma_start3A_281 = arith.constant 5 : i32
    %dma_start3A_282 = arith.constant 1 : i32
    %dma_start3A_283 = arith.constant 0 : i32
    %dma_start3A_284 = arith.constant 0 : i32
    %dma_start3A_285 = tpu.memref_slice %arg6[%dma_start3A_282, %dma_start3A_283, %dma_start3A_284] : memref<2x512x32xf32, #tpu.memory_space<vmem>> -> memref<1x512x32xf32, #tpu.memory_space<vmem>>
    %dma_start3A_286 = tpu.memref_squeeze %dma_start3A_285 : memref<1x512x32xf32, #tpu.memory_space<vmem>> -> memref<512x32xf32, #tpu.memory_space<vmem>>
    %dma_start3A_287 = arith.constant 0 : i32
    %dma_start3A_288 = tpu.memref_slice %arg5[%dma_start3A_281, %dma_start3A_287] : memref<26x512xi32, #tpu.memory_space<vmem>> -> memref<1x512xi32, #tpu.memory_space<vmem>>
    %dma_start3A_289 = tpu.memref_squeeze %dma_start3A_288 : memref<1x512xi32, #tpu.memory_space<vmem>> -> memref<512xi32, #tpu.memory_space<vmem>>
    %dma_start3A_290 = arith.constant 0 : i32
    %dma_start3A_291 = arith.constant 0 : i32
    %dma_start3A_292 = tpu.memref_slice %arg3[%dma_start3A_290, %dma_start3A_291] : memref<1015808x32xf32, #tpu.memory_space<hbm>> -> memref<1015808x32xf32, #tpu.memory_space<hbm>>
    tpu.enqueue_indirect_dma source(%dma_start3A_292 : memref<1015808x32xf32, #tpu.memory_space<hbm>>) target(%dma_start3A_286 : memref<512x32xf32, #tpu.memory_space<vmem>>) offsets(%dma_start3A_289 : memref<512xi32, #tpu.memory_space<vmem>>) semaphore(%arg8 : memref<!tpu.dma_semaphore, #tpu.memory_space<semaphore_mem>>)
    %dma_wait3A_293 = arith.constant 5 : i32
    %dma_wait3A_294 = arith.constant 1 : i32
    %dma_wait3A_295 = arith.constant 0 : i32
    %dma_wait3A_296 = arith.constant 0 : i32
    %dma_wait3A_297 = tpu.memref_slice %arg6[%dma_wait3A_294, %dma_wait3A_295, %dma_wait3A_296] : memref<2x512x32xf32, #tpu.memory_space<vmem>> -> memref<1x512x32xf32, #tpu.memory_space<vmem>>
    %dma_wait3A_298 = tpu.memref_squeeze %dma_wait3A_297 : memref<1x512x32xf32, #tpu.memory_space<vmem>> -> memref<512x32xf32, #tpu.memory_space<vmem>>
    %dma_wait3A_299 = arith.constant 0 : i32
    %dma_wait3A_300 = tpu.memref_slice %arg5[%dma_wait3A_293, %dma_wait3A_299] : memref<26x512xi32, #tpu.memory_space<vmem>> -> memref<1x512xi32, #tpu.memory_space<vmem>>
    %dma_wait3A_301 = tpu.memref_squeeze %dma_wait3A_300 : memref<1x512xi32, #tpu.memory_space<vmem>> -> memref<512xi32, #tpu.memory_space<vmem>>
    %dma_wait3A_302 = arith.constant 0 : i32
    %dma_wait3A_303 = arith.constant 0 : i32
    %dma_wait3A_304 = tpu.memref_slice %arg3[%dma_wait3A_302, %dma_wait3A_303] : memref<1015808x32xf32, #tpu.memory_space<hbm>> -> memref<1015808x32xf32, #tpu.memory_space<hbm>>
    tpu.wait_indirect_dma semaphore(%arg8 : memref<!tpu.dma_semaphore, #tpu.memory_space<semaphore_mem>>) src(%dma_wait3A_304 : memref<1015808x32xf32, #tpu.memory_space<hbm>>) dst(%dma_wait3A_298 : memref<512x32xf32, #tpu.memory_space<vmem>>)
    %dma_start3A_305 = arith.constant 1 : i32
    %dma_start3A_306 = arith.constant 5 : i32
    %dma_start3A_307 = arith.constant 0 : i32
    %dma_start3A_308 = arith.constant 0 : i32
    %dma_start3A_309 = tpu.memref_slice %arg6[%dma_start3A_305, %dma_start3A_307, %dma_start3A_308] : memref<2x512x32xf32, #tpu.memory_space<vmem>> -> memref<1x512x32xf32, #tpu.memory_space<vmem>>
    %dma_start3A_310 = tpu.memref_squeeze %dma_start3A_309 : memref<1x512x32xf32, #tpu.memory_space<vmem>> -> memref<512x32xf32, #tpu.memory_space<vmem>>
    %dma_start3A_311 = tpu.memref_slice %arg4[%dma_start3A_306, %mul3A_13, %mul3A_36] : memref<26x4096x128xf32, #tpu.memory_space<hbm>> -> memref<1x512x32xf32, #tpu.memory_space<hbm>>
    %dma_start3A_312 = tpu.memref_squeeze %dma_start3A_311 : memref<1x512x32xf32, #tpu.memory_space<hbm>> -> memref<512x32xf32, #tpu.memory_space<hbm>>
    %dma_start3A_313 = tpu.memref_slice %arg4[%dma_start3A_306, %mul3A_13, %mul3A_36] : memref<26x4096x128xf32, #tpu.memory_space<hbm>> -> memref<1x512x32xf32, #tpu.memory_space<hbm>>
    %dma_start3A_314 = tpu.memref_squeeze %dma_start3A_313 : memref<1x512x32xf32, #tpu.memory_space<hbm>> -> memref<512x32xf32, #tpu.memory_space<hbm>>
    %dma_start3A_315 = arith.constant 0 : i32
    %dma_start3A_316 = arith.constant 0 : i32
    %dma_start3A_317 = tpu.memref_slice %arg6[%dma_start3A_305, %dma_start3A_315, %dma_start3A_316] : memref<2x512x32xf32, #tpu.memory_space<vmem>> -> memref<1x512x32xf32, #tpu.memory_space<vmem>>
    %dma_start3A_318 = tpu.memref_squeeze %dma_start3A_317 : memref<1x512x32xf32, #tpu.memory_space<vmem>> -> memref<512x32xf32, #tpu.memory_space<vmem>>
    tpu.enqueue_dma source(%dma_start3A_318 : memref<512x32xf32, #tpu.memory_space<vmem>>) target(%dma_start3A_314 : memref<512x32xf32, #tpu.memory_space<hbm>>) target_semaphore(%arg10 : memref<!tpu.dma_semaphore, #tpu.memory_space<semaphore_mem>>)
    %dma_wait3A_319 = arith.constant 0 : i32
    %dma_wait3A_320 = arith.constant 4 : i32
    %dma_wait3A_321 = arith.constant 0 : i32
    %dma_wait3A_322 = arith.constant 0 : i32
    %dma_wait3A_323 = tpu.memref_slice %arg6[%dma_wait3A_319, %dma_wait3A_321, %dma_wait3A_322] : memref<2x512x32xf32, #tpu.memory_space<vmem>> -> memref<1x512x32xf32, #tpu.memory_space<vmem>>
    %dma_wait3A_324 = tpu.memref_squeeze %dma_wait3A_323 : memref<1x512x32xf32, #tpu.memory_space<vmem>> -> memref<512x32xf32, #tpu.memory_space<vmem>>
    %dma_wait3A_325 = tpu.memref_slice %arg4[%dma_wait3A_320, %mul3A_13, %mul3A_36] : memref<26x4096x128xf32, #tpu.memory_space<hbm>> -> memref<1x512x32xf32, #tpu.memory_space<hbm>>
    %dma_wait3A_326 = tpu.memref_squeeze %dma_wait3A_325 : memref<1x512x32xf32, #tpu.memory_space<hbm>> -> memref<512x32xf32, #tpu.memory_space<hbm>>
    %dma_wait3A_327 = tpu.memref_slice %arg4[%dma_wait3A_320, %mul3A_13, %mul3A_36] : memref<26x4096x128xf32, #tpu.memory_space<hbm>> -> memref<1x512x32xf32, #tpu.memory_space<hbm>>
    %dma_wait3A_328 = tpu.memref_squeeze %dma_wait3A_327 : memref<1x512x32xf32, #tpu.memory_space<hbm>> -> memref<512x32xf32, #tpu.memory_space<hbm>>
    %dma_wait3A_329 = arith.constant 0 : i32
    %dma_wait3A_330 = arith.constant 0 : i32
    %dma_wait3A_331 = tpu.memref_slice %arg6[%dma_wait3A_319, %dma_wait3A_329, %dma_wait3A_330] : memref<2x512x32xf32, #tpu.memory_space<vmem>> -> memref<1x512x32xf32, #tpu.memory_space<vmem>>
    %dma_wait3A_332 = tpu.memref_squeeze %dma_wait3A_331 : memref<1x512x32xf32, #tpu.memory_space<vmem>> -> memref<512x32xf32, #tpu.memory_space<vmem>>
    tpu.wait_dma2 semaphore(%arg9 : memref<!tpu.dma_semaphore, #tpu.memory_space<semaphore_mem>>) src(%dma_wait3A_332 : memref<512x32xf32, #tpu.memory_space<vmem>>) dst(%dma_wait3A_328 : memref<512x32xf32, #tpu.memory_space<hbm>>)
    %dma_start3A_333 = arith.constant 6 : i32
    %dma_start3A_334 = arith.constant 0 : i32
    %dma_start3A_335 = arith.constant 0 : i32
    %dma_start3A_336 = arith.constant 0 : i32
    %dma_start3A_337 = tpu.memref_slice %arg6[%dma_start3A_334, %dma_start3A_335, %dma_start3A_336] : memref<2x512x32xf32, #tpu.memory_space<vmem>> -> memref<1x512x32xf32, #tpu.memory_space<vmem>>
    %dma_start3A_338 = tpu.memref_squeeze %dma_start3A_337 : memref<1x512x32xf32, #tpu.memory_space<vmem>> -> memref<512x32xf32, #tpu.memory_space<vmem>>
    %dma_start3A_339 = arith.constant 0 : i32
    %dma_start3A_340 = tpu.memref_slice %arg5[%dma_start3A_333, %dma_start3A_339] : memref<26x512xi32, #tpu.memory_space<vmem>> -> memref<1x512xi32, #tpu.memory_space<vmem>>
    %dma_start3A_341 = tpu.memref_squeeze %dma_start3A_340 : memref<1x512xi32, #tpu.memory_space<vmem>> -> memref<512xi32, #tpu.memory_space<vmem>>
    %dma_start3A_342 = arith.constant 0 : i32
    %dma_start3A_343 = arith.constant 0 : i32
    %dma_start3A_344 = tpu.memref_slice %arg3[%dma_start3A_342, %dma_start3A_343] : memref<1015808x32xf32, #tpu.memory_space<hbm>> -> memref<1015808x32xf32, #tpu.memory_space<hbm>>
    tpu.enqueue_indirect_dma source(%dma_start3A_344 : memref<1015808x32xf32, #tpu.memory_space<hbm>>) target(%dma_start3A_338 : memref<512x32xf32, #tpu.memory_space<vmem>>) offsets(%dma_start3A_341 : memref<512xi32, #tpu.memory_space<vmem>>) semaphore(%arg7 : memref<!tpu.dma_semaphore, #tpu.memory_space<semaphore_mem>>)
    %dma_wait3A_345 = arith.constant 6 : i32
    %dma_wait3A_346 = arith.constant 0 : i32
    %dma_wait3A_347 = arith.constant 0 : i32
    %dma_wait3A_348 = arith.constant 0 : i32
    %dma_wait3A_349 = tpu.memref_slice %arg6[%dma_wait3A_346, %dma_wait3A_347, %dma_wait3A_348] : memref<2x512x32xf32, #tpu.memory_space<vmem>> -> memref<1x512x32xf32, #tpu.memory_space<vmem>>
    %dma_wait3A_350 = tpu.memref_squeeze %dma_wait3A_349 : memref<1x512x32xf32, #tpu.memory_space<vmem>> -> memref<512x32xf32, #tpu.memory_space<vmem>>
    %dma_wait3A_351 = arith.constant 0 : i32
    %dma_wait3A_352 = tpu.memref_slice %arg5[%dma_wait3A_345, %dma_wait3A_351] : memref<26x512xi32, #tpu.memory_space<vmem>> -> memref<1x512xi32, #tpu.memory_space<vmem>>
    %dma_wait3A_353 = tpu.memref_squeeze %dma_wait3A_352 : memref<1x512xi32, #tpu.memory_space<vmem>> -> memref<512xi32, #tpu.memory_space<vmem>>
    %dma_wait3A_354 = arith.constant 0 : i32
    %dma_wait3A_355 = arith.constant 0 : i32
    %dma_wait3A_356 = tpu.memref_slice %arg3[%dma_wait3A_354, %dma_wait3A_355] : memref<1015808x32xf32, #tpu.memory_space<hbm>> -> memref<1015808x32xf32, #tpu.memory_space<hbm>>
    tpu.wait_indirect_dma semaphore(%arg7 : memref<!tpu.dma_semaphore, #tpu.memory_space<semaphore_mem>>) src(%dma_wait3A_356 : memref<1015808x32xf32, #tpu.memory_space<hbm>>) dst(%dma_wait3A_350 : memref<512x32xf32, #tpu.memory_space<vmem>>)
    %dma_start3A_357 = arith.constant 0 : i32
    %dma_start3A_358 = arith.constant 6 : i32
    %dma_start3A_359 = arith.constant 0 : i32
    %dma_start3A_360 = arith.constant 0 : i32
    %dma_start3A_361 = tpu.memref_slice %arg6[%dma_start3A_357, %dma_start3A_359, %dma_start3A_360] : memref<2x512x32xf32, #tpu.memory_space<vmem>> -> memref<1x512x32xf32, #tpu.memory_space<vmem>>
    %dma_start3A_362 = tpu.memref_squeeze %dma_start3A_361 : memref<1x512x32xf32, #tpu.memory_space<vmem>> -> memref<512x32xf32, #tpu.memory_space<vmem>>
    %dma_start3A_363 = tpu.memref_slice %arg4[%dma_start3A_358, %mul3A_13, %mul3A_36] : memref<26x4096x128xf32, #tpu.memory_space<hbm>> -> memref<1x512x32xf32, #tpu.memory_space<hbm>>
    %dma_start3A_364 = tpu.memref_squeeze %dma_start3A_363 : memref<1x512x32xf32, #tpu.memory_space<hbm>> -> memref<512x32xf32, #tpu.memory_space<hbm>>
    %dma_start3A_365 = tpu.memref_slice %arg4[%dma_start3A_358, %mul3A_13, %mul3A_36] : memref<26x4096x128xf32, #tpu.memory_space<hbm>> -> memref<1x512x32xf32, #tpu.memory_space<hbm>>
    %dma_start3A_366 = tpu.memref_squeeze %dma_start3A_365 : memref<1x512x32xf32, #tpu.memory_space<hbm>> -> memref<512x32xf32, #tpu.memory_space<hbm>>
    %dma_start3A_367 = arith.constant 0 : i32
    %dma_start3A_368 = arith.constant 0 : i32
    %dma_start3A_369 = tpu.memref_slice %arg6[%dma_start3A_357, %dma_start3A_367, %dma_start3A_368] : memref<2x512x32xf32, #tpu.memory_space<vmem>> -> memref<1x512x32xf32, #tpu.memory_space<vmem>>
    %dma_start3A_370 = tpu.memref_squeeze %dma_start3A_369 : memref<1x512x32xf32, #tpu.memory_space<vmem>> -> memref<512x32xf32, #tpu.memory_space<vmem>>
    tpu.enqueue_dma source(%dma_start3A_370 : memref<512x32xf32, #tpu.memory_space<vmem>>) target(%dma_start3A_366 : memref<512x32xf32, #tpu.memory_space<hbm>>) target_semaphore(%arg9 : memref<!tpu.dma_semaphore, #tpu.memory_space<semaphore_mem>>)
    %dma_wait3A_371 = arith.constant 1 : i32
    %dma_wait3A_372 = arith.constant 5 : i32
    %dma_wait3A_373 = arith.constant 0 : i32
    %dma_wait3A_374 = arith.constant 0 : i32
    %dma_wait3A_375 = tpu.memref_slice %arg6[%dma_wait3A_371, %dma_wait3A_373, %dma_wait3A_374] : memref<2x512x32xf32, #tpu.memory_space<vmem>> -> memref<1x512x32xf32, #tpu.memory_space<vmem>>
    %dma_wait3A_376 = tpu.memref_squeeze %dma_wait3A_375 : memref<1x512x32xf32, #tpu.memory_space<vmem>> -> memref<512x32xf32, #tpu.memory_space<vmem>>
    %dma_wait3A_377 = tpu.memref_slice %arg4[%dma_wait3A_372, %mul3A_13, %mul3A_36] : memref<26x4096x128xf32, #tpu.memory_space<hbm>> -> memref<1x512x32xf32, #tpu.memory_space<hbm>>
    %dma_wait3A_378 = tpu.memref_squeeze %dma_wait3A_377 : memref<1x512x32xf32, #tpu.memory_space<hbm>> -> memref<512x32xf32, #tpu.memory_space<hbm>>
    %dma_wait3A_379 = tpu.memref_slice %arg4[%dma_wait3A_372, %mul3A_13, %mul3A_36] : memref<26x4096x128xf32, #tpu.memory_space<hbm>> -> memref<1x512x32xf32, #tpu.memory_space<hbm>>
    %dma_wait3A_380 = tpu.memref_squeeze %dma_wait3A_379 : memref<1x512x32xf32, #tpu.memory_space<hbm>> -> memref<512x32xf32, #tpu.memory_space<hbm>>
    %dma_wait3A_381 = arith.constant 0 : i32
    %dma_wait3A_382 = arith.constant 0 : i32
    %dma_wait3A_383 = tpu.memref_slice %arg6[%dma_wait3A_371, %dma_wait3A_381, %dma_wait3A_382] : memref<2x512x32xf32, #tpu.memory_space<vmem>> -> memref<1x512x32xf32, #tpu.memory_space<vmem>>
    %dma_wait3A_384 = tpu.memref_squeeze %dma_wait3A_383 : memref<1x512x32xf32, #tpu.memory_space<vmem>> -> memref<512x32xf32, #tpu.memory_space<vmem>>
    tpu.wait_dma2 semaphore(%arg10 : memref<!tpu.dma_semaphore, #tpu.memory_space<semaphore_mem>>) src(%dma_wait3A_384 : memref<512x32xf32, #tpu.memory_space<vmem>>) dst(%dma_wait3A_380 : memref<512x32xf32, #tpu.memory_space<hbm>>)
    %dma_start3A_385 = arith.constant 7 : i32
    %dma_start3A_386 = arith.constant 1 : i32
    %dma_start3A_387 = arith.constant 0 : i32
    %dma_start3A_388 = arith.constant 0 : i32
    %dma_start3A_389 = tpu.memref_slice %arg6[%dma_start3A_386, %dma_start3A_387, %dma_start3A_388] : memref<2x512x32xf32, #tpu.memory_space<vmem>> -> memref<1x512x32xf32, #tpu.memory_space<vmem>>
    %dma_start3A_390 = tpu.memref_squeeze %dma_start3A_389 : memref<1x512x32xf32, #tpu.memory_space<vmem>> -> memref<512x32xf32, #tpu.memory_space<vmem>>
    %dma_start3A_391 = arith.constant 0 : i32
    %dma_start3A_392 = tpu.memref_slice %arg5[%dma_start3A_385, %dma_start3A_391] : memref<26x512xi32, #tpu.memory_space<vmem>> -> memref<1x512xi32, #tpu.memory_space<vmem>>
    %dma_start3A_393 = tpu.memref_squeeze %dma_start3A_392 : memref<1x512xi32, #tpu.memory_space<vmem>> -> memref<512xi32, #tpu.memory_space<vmem>>
    %dma_start3A_394 = arith.constant 0 : i32
    %dma_start3A_395 = arith.constant 0 : i32
    %dma_start3A_396 = tpu.memref_slice %arg3[%dma_start3A_394, %dma_start3A_395] : memref<1015808x32xf32, #tpu.memory_space<hbm>> -> memref<1015808x32xf32, #tpu.memory_space<hbm>>
    tpu.enqueue_indirect_dma source(%dma_start3A_396 : memref<1015808x32xf32, #tpu.memory_space<hbm>>) target(%dma_start3A_390 : memref<512x32xf32, #tpu.memory_space<vmem>>) offsets(%dma_start3A_393 : memref<512xi32, #tpu.memory_space<vmem>>) semaphore(%arg8 : memref<!tpu.dma_semaphore, #tpu.memory_space<semaphore_mem>>)
    %dma_wait3A_397 = arith.constant 7 : i32
    %dma_wait3A_398 = arith.constant 1 : i32
    %dma_wait3A_399 = arith.constant 0 : i32
    %dma_wait3A_400 = arith.constant 0 : i32
    %dma_wait3A_401 = tpu.memref_slice %arg6[%dma_wait3A_398, %dma_wait3A_399, %dma_wait3A_400] : memref<2x512x32xf32, #tpu.memory_space<vmem>> -> memref<1x512x32xf32, #tpu.memory_space<vmem>>
    %dma_wait3A_402 = tpu.memref_squeeze %dma_wait3A_401 : memref<1x512x32xf32, #tpu.memory_space<vmem>> -> memref<512x32xf32, #tpu.memory_space<vmem>>
    %dma_wait3A_403 = arith.constant 0 : i32
    %dma_wait3A_404 = tpu.memref_slice %arg5[%dma_wait3A_397, %dma_wait3A_403] : memref<26x512xi32, #tpu.memory_space<vmem>> -> memref<1x512xi32, #tpu.memory_space<vmem>>
    %dma_wait3A_405 = tpu.memref_squeeze %dma_wait3A_404 : memref<1x512xi32, #tpu.memory_space<vmem>> -> memref<512xi32, #tpu.memory_space<vmem>>
    %dma_wait3A_406 = arith.constant 0 : i32
    %dma_wait3A_407 = arith.constant 0 : i32
    %dma_wait3A_408 = tpu.memref_slice %arg3[%dma_wait3A_406, %dma_wait3A_407] : memref<1015808x32xf32, #tpu.memory_space<hbm>> -> memref<1015808x32xf32, #tpu.memory_space<hbm>>
    tpu.wait_indirect_dma semaphore(%arg8 : memref<!tpu.dma_semaphore, #tpu.memory_space<semaphore_mem>>) src(%dma_wait3A_408 : memref<1015808x32xf32, #tpu.memory_space<hbm>>) dst(%dma_wait3A_402 : memref<512x32xf32, #tpu.memory_space<vmem>>)
    %dma_start3A_409 = arith.constant 1 : i32
    %dma_start3A_410 = arith.constant 7 : i32
    %dma_start3A_411 = arith.constant 0 : i32
    %dma_start3A_412 = arith.constant 0 : i32
    %dma_start3A_413 = tpu.memref_slice %arg6[%dma_start3A_409, %dma_start3A_411, %dma_start3A_412] : memref<2x512x32xf32, #tpu.memory_space<vmem>> -> memref<1x512x32xf32, #tpu.memory_space<vmem>>
    %dma_start3A_414 = tpu.memref_squeeze %dma_start3A_413 : memref<1x512x32xf32, #tpu.memory_space<vmem>> -> memref<512x32xf32, #tpu.memory_space<vmem>>
    %dma_start3A_415 = tpu.memref_slice %arg4[%dma_start3A_410, %mul3A_13, %mul3A_36] : memref<26x4096x128xf32, #tpu.memory_space<hbm>> -> memref<1x512x32xf32, #tpu.memory_space<hbm>>
    %dma_start3A_416 = tpu.memref_squeeze %dma_start3A_415 : memref<1x512x32xf32, #tpu.memory_space<hbm>> -> memref<512x32xf32, #tpu.memory_space<hbm>>
    %dma_start3A_417 = tpu.memref_slice %arg4[%dma_start3A_410, %mul3A_13, %mul3A_36] : memref<26x4096x128xf32, #tpu.memory_space<hbm>> -> memref<1x512x32xf32, #tpu.memory_space<hbm>>
    %dma_start3A_418 = tpu.memref_squeeze %dma_start3A_417 : memref<1x512x32xf32, #tpu.memory_space<hbm>> -> memref<512x32xf32, #tpu.memory_space<hbm>>
    %dma_start3A_419 = arith.constant 0 : i32
    %dma_start3A_420 = arith.constant 0 : i32
    %dma_start3A_421 = tpu.memref_slice %arg6[%dma_start3A_409, %dma_start3A_419, %dma_start3A_420] : memref<2x512x32xf32, #tpu.memory_space<vmem>> -> memref<1x512x32xf32, #tpu.memory_space<vmem>>
    %dma_start3A_422 = tpu.memref_squeeze %dma_start3A_421 : memref<1x512x32xf32, #tpu.memory_space<vmem>> -> memref<512x32xf32, #tpu.memory_space<vmem>>
    tpu.enqueue_dma source(%dma_start3A_422 : memref<512x32xf32, #tpu.memory_space<vmem>>) target(%dma_start3A_418 : memref<512x32xf32, #tpu.memory_space<hbm>>) target_semaphore(%arg10 : memref<!tpu.dma_semaphore, #tpu.memory_space<semaphore_mem>>)
    %dma_wait3A_423 = arith.constant 0 : i32
    %dma_wait3A_424 = arith.constant 6 : i32
    %dma_wait3A_425 = arith.constant 0 : i32
    %dma_wait3A_426 = arith.constant 0 : i32
    %dma_wait3A_427 = tpu.memref_slice %arg6[%dma_wait3A_423, %dma_wait3A_425, %dma_wait3A_426] : memref<2x512x32xf32, #tpu.memory_space<vmem>> -> memref<1x512x32xf32, #tpu.memory_space<vmem>>
    %dma_wait3A_428 = tpu.memref_squeeze %dma_wait3A_427 : memref<1x512x32xf32, #tpu.memory_space<vmem>> -> memref<512x32xf32, #tpu.memory_space<vmem>>
    %dma_wait3A_429 = tpu.memref_slice %arg4[%dma_wait3A_424, %mul3A_13, %mul3A_36] : memref<26x4096x128xf32, #tpu.memory_space<hbm>> -> memref<1x512x32xf32, #tpu.memory_space<hbm>>
    %dma_wait3A_430 = tpu.memref_squeeze %dma_wait3A_429 : memref<1x512x32xf32, #tpu.memory_space<hbm>> -> memref<512x32xf32, #tpu.memory_space<hbm>>
    %dma_wait3A_431 = tpu.memref_slice %arg4[%dma_wait3A_424, %mul3A_13, %mul3A_36] : memref<26x4096x128xf32, #tpu.memory_space<hbm>> -> memref<1x512x32xf32, #tpu.memory_space<hbm>>
    %dma_wait3A_432 = tpu.memref_squeeze %dma_wait3A_431 : memref<1x512x32xf32, #tpu.memory_space<hbm>> -> memref<512x32xf32, #tpu.memory_space<hbm>>
    %dma_wait3A_433 = arith.constant 0 : i32
    %dma_wait3A_434 = arith.constant 0 : i32
    %dma_wait3A_435 = tpu.memref_slice %arg6[%dma_wait3A_423, %dma_wait3A_433, %dma_wait3A_434] : memref<2x512x32xf32, #tpu.memory_space<vmem>> -> memref<1x512x32xf32, #tpu.memory_space<vmem>>
    %dma_wait3A_436 = tpu.memref_squeeze %dma_wait3A_435 : memref<1x512x32xf32, #tpu.memory_space<vmem>> -> memref<512x32xf32, #tpu.memory_space<vmem>>
    tpu.wait_dma2 semaphore(%arg9 : memref<!tpu.dma_semaphore, #tpu.memory_space<semaphore_mem>>) src(%dma_wait3A_436 : memref<512x32xf32, #tpu.memory_space<vmem>>) dst(%dma_wait3A_432 : memref<512x32xf32, #tpu.memory_space<hbm>>)
    %dma_start3A_437 = arith.constant 8 : i32
    %dma_start3A_438 = arith.constant 0 : i32
    %dma_start3A_439 = arith.constant 0 : i32
    %dma_start3A_440 = arith.constant 0 : i32
    %dma_start3A_441 = tpu.memref_slice %arg6[%dma_start3A_438, %dma_start3A_439, %dma_start3A_440] : memref<2x512x32xf32, #tpu.memory_space<vmem>> -> memref<1x512x32xf32, #tpu.memory_space<vmem>>
    %dma_start3A_442 = tpu.memref_squeeze %dma_start3A_441 : memref<1x512x32xf32, #tpu.memory_space<vmem>> -> memref<512x32xf32, #tpu.memory_space<vmem>>
    %dma_start3A_443 = arith.constant 0 : i32
    %dma_start3A_444 = tpu.memref_slice %arg5[%dma_start3A_437, %dma_start3A_443] : memref<26x512xi32, #tpu.memory_space<vmem>> -> memref<1x512xi32, #tpu.memory_space<vmem>>
    %dma_start3A_445 = tpu.memref_squeeze %dma_start3A_444 : memref<1x512xi32, #tpu.memory_space<vmem>> -> memref<512xi32, #tpu.memory_space<vmem>>
    %dma_start3A_446 = arith.constant 0 : i32
    %dma_start3A_447 = arith.constant 0 : i32
    %dma_start3A_448 = tpu.memref_slice %arg3[%dma_start3A_446, %dma_start3A_447] : memref<1015808x32xf32, #tpu.memory_space<hbm>> -> memref<1015808x32xf32, #tpu.memory_space<hbm>>
    tpu.enqueue_indirect_dma source(%dma_start3A_448 : memref<1015808x32xf32, #tpu.memory_space<hbm>>) target(%dma_start3A_442 : memref<512x32xf32, #tpu.memory_space<vmem>>) offsets(%dma_start3A_445 : memref<512xi32, #tpu.memory_space<vmem>>) semaphore(%arg7 : memref<!tpu.dma_semaphore, #tpu.memory_space<semaphore_mem>>)
    %dma_wait3A_449 = arith.constant 8 : i32
    %dma_wait3A_450 = arith.constant 0 : i32
    %dma_wait3A_451 = arith.constant 0 : i32
    %dma_wait3A_452 = arith.constant 0 : i32
    %dma_wait3A_453 = tpu.memref_slice %arg6[%dma_wait3A_450, %dma_wait3A_451, %dma_wait3A_452] : memref<2x512x32xf32, #tpu.memory_space<vmem>> -> memref<1x512x32xf32, #tpu.memory_space<vmem>>
    %dma_wait3A_454 = tpu.memref_squeeze %dma_wait3A_453 : memref<1x512x32xf32, #tpu.memory_space<vmem>> -> memref<512x32xf32, #tpu.memory_space<vmem>>
    %dma_wait3A_455 = arith.constant 0 : i32
    %dma_wait3A_456 = tpu.memref_slice %arg5[%dma_wait3A_449, %dma_wait3A_455] : memref<26x512xi32, #tpu.memory_space<vmem>> -> memref<1x512xi32, #tpu.memory_space<vmem>>
    %dma_wait3A_457 = tpu.memref_squeeze %dma_wait3A_456 : memref<1x512xi32, #tpu.memory_space<vmem>> -> memref<512xi32, #tpu.memory_space<vmem>>
    %dma_wait3A_458 = arith.constant 0 : i32
    %dma_wait3A_459 = arith.constant 0 : i32
    %dma_wait3A_460 = tpu.memref_slice %arg3[%dma_wait3A_458, %dma_wait3A_459] : memref<1015808x32xf32, #tpu.memory_space<hbm>> -> memref<1015808x32xf32, #tpu.memory_space<hbm>>
    tpu.wait_indirect_dma semaphore(%arg7 : memref<!tpu.dma_semaphore, #tpu.memory_space<semaphore_mem>>) src(%dma_wait3A_460 : memref<1015808x32xf32, #tpu.memory_space<hbm>>) dst(%dma_wait3A_454 : memref<512x32xf32, #tpu.memory_space<vmem>>)
    %dma_start3A_461 = arith.constant 0 : i32
    %dma_start3A_462 = arith.constant 8 : i32
    %dma_start3A_463 = arith.constant 0 : i32
    %dma_start3A_464 = arith.constant 0 : i32
    %dma_start3A_465 = tpu.memref_slice %arg6[%dma_start3A_461, %dma_start3A_463, %dma_start3A_464] : memref<2x512x32xf32, #tpu.memory_space<vmem>> -> memref<1x512x32xf32, #tpu.memory_space<vmem>>
    %dma_start3A_466 = tpu.memref_squeeze %dma_start3A_465 : memref<1x512x32xf32, #tpu.memory_space<vmem>> -> memref<512x32xf32, #tpu.memory_space<vmem>>
    %dma_start3A_467 = tpu.memref_slice %arg4[%dma_start3A_462, %mul3A_13, %mul3A_36] : memref<26x4096x128xf32, #tpu.memory_space<hbm>> -> memref<1x512x32xf32, #tpu.memory_space<hbm>>
    %dma_start3A_468 = tpu.memref_squeeze %dma_start3A_467 : memref<1x512x32xf32, #tpu.memory_space<hbm>> -> memref<512x32xf32, #tpu.memory_space<hbm>>
    %dma_start3A_469 = tpu.memref_slice %arg4[%dma_start3A_462, %mul3A_13, %mul3A_36] : memref<26x4096x128xf32, #tpu.memory_space<hbm>> -> memref<1x512x32xf32, #tpu.memory_space<hbm>>
    %dma_start3A_470 = tpu.memref_squeeze %dma_start3A_469 : memref<1x512x32xf32, #tpu.memory_space<hbm>> -> memref<512x32xf32, #tpu.memory_space<hbm>>
    %dma_start3A_471 = arith.constant 0 : i32
    %dma_start3A_472 = arith.constant 0 : i32
    %dma_start3A_473 = tpu.memref_slice %arg6[%dma_start3A_461, %dma_start3A_471, %dma_start3A_472] : memref<2x512x32xf32, #tpu.memory_space<vmem>> -> memref<1x512x32xf32, #tpu.memory_space<vmem>>
    %dma_start3A_474 = tpu.memref_squeeze %dma_start3A_473 : memref<1x512x32xf32, #tpu.memory_space<vmem>> -> memref<512x32xf32, #tpu.memory_space<vmem>>
    tpu.enqueue_dma source(%dma_start3A_474 : memref<512x32xf32, #tpu.memory_space<vmem>>) target(%dma_start3A_470 : memref<512x32xf32, #tpu.memory_space<hbm>>) target_semaphore(%arg9 : memref<!tpu.dma_semaphore, #tpu.memory_space<semaphore_mem>>)
    %dma_wait3A_475 = arith.constant 1 : i32
    %dma_wait3A_476 = arith.constant 7 : i32
    %dma_wait3A_477 = arith.constant 0 : i32
    %dma_wait3A_478 = arith.constant 0 : i32
    %dma_wait3A_479 = tpu.memref_slice %arg6[%dma_wait3A_475, %dma_wait3A_477, %dma_wait3A_478] : memref<2x512x32xf32, #tpu.memory_space<vmem>> -> memref<1x512x32xf32, #tpu.memory_space<vmem>>
    %dma_wait3A_480 = tpu.memref_squeeze %dma_wait3A_479 : memref<1x512x32xf32, #tpu.memory_space<vmem>> -> memref<512x32xf32, #tpu.memory_space<vmem>>
    %dma_wait3A_481 = tpu.memref_slice %arg4[%dma_wait3A_476, %mul3A_13, %mul3A_36] : memref<26x4096x128xf32, #tpu.memory_space<hbm>> -> memref<1x512x32xf32, #tpu.memory_space<hbm>>
    %dma_wait3A_482 = tpu.memref_squeeze %dma_wait3A_481 : memref<1x512x32xf32, #tpu.memory_space<hbm>> -> memref<512x32xf32, #tpu.memory_space<hbm>>
    %dma_wait3A_483 = tpu.memref_slice %arg4[%dma_wait3A_476, %mul3A_13, %mul3A_36] : memref<26x4096x128xf32, #tpu.memory_space<hbm>> -> memref<1x512x32xf32, #tpu.memory_space<hbm>>
    %dma_wait3A_484 = tpu.memref_squeeze %dma_wait3A_483 : memref<1x512x32xf32, #tpu.memory_space<hbm>> -> memref<512x32xf32, #tpu.memory_space<hbm>>
    %dma_wait3A_485 = arith.constant 0 : i32
    %dma_wait3A_486 = arith.constant 0 : i32
    %dma_wait3A_487 = tpu.memref_slice %arg6[%dma_wait3A_475, %dma_wait3A_485, %dma_wait3A_486] : memref<2x512x32xf32, #tpu.memory_space<vmem>> -> memref<1x512x32xf32, #tpu.memory_space<vmem>>
    %dma_wait3A_488 = tpu.memref_squeeze %dma_wait3A_487 : memref<1x512x32xf32, #tpu.memory_space<vmem>> -> memref<512x32xf32, #tpu.memory_space<vmem>>
    tpu.wait_dma2 semaphore(%arg10 : memref<!tpu.dma_semaphore, #tpu.memory_space<semaphore_mem>>) src(%dma_wait3A_488 : memref<512x32xf32, #tpu.memory_space<vmem>>) dst(%dma_wait3A_484 : memref<512x32xf32, #tpu.memory_space<hbm>>)
    %dma_start3A_489 = arith.constant 9 : i32
    %dma_start3A_490 = arith.constant 1 : i32
    %dma_start3A_491 = arith.constant 0 : i32
    %dma_start3A_492 = arith.constant 0 : i32
    %dma_start3A_493 = tpu.memref_slice %arg6[%dma_start3A_490, %dma_start3A_491, %dma_start3A_492] : memref<2x512x32xf32, #tpu.memory_space<vmem>> -> memref<1x512x32xf32, #tpu.memory_space<vmem>>
    %dma_start3A_494 = tpu.memref_squeeze %dma_start3A_493 : memref<1x512x32xf32, #tpu.memory_space<vmem>> -> memref<512x32xf32, #tpu.memory_space<vmem>>
    %dma_start3A_495 = arith.constant 0 : i32
    %dma_start3A_496 = tpu.memref_slice %arg5[%dma_start3A_489, %dma_start3A_495] : memref<26x512xi32, #tpu.memory_space<vmem>> -> memref<1x512xi32, #tpu.memory_space<vmem>>
    %dma_start3A_497 = tpu.memref_squeeze %dma_start3A_496 : memref<1x512xi32, #tpu.memory_space<vmem>> -> memref<512xi32, #tpu.memory_space<vmem>>
    %dma_start3A_498 = arith.constant 0 : i32
    %dma_start3A_499 = arith.constant 0 : i32
    %dma_start3A_500 = tpu.memref_slice %arg3[%dma_start3A_498, %dma_start3A_499] : memref<1015808x32xf32, #tpu.memory_space<hbm>> -> memref<1015808x32xf32, #tpu.memory_space<hbm>>
    tpu.enqueue_indirect_dma source(%dma_start3A_500 : memref<1015808x32xf32, #tpu.memory_space<hbm>>) target(%dma_start3A_494 : memref<512x32xf32, #tpu.memory_space<vmem>>) offsets(%dma_start3A_497 : memref<512xi32, #tpu.memory_space<vmem>>) semaphore(%arg8 : memref<!tpu.dma_semaphore, #tpu.memory_space<semaphore_mem>>)
    %dma_wait3A_501 = arith.constant 9 : i32
    %dma_wait3A_502 = arith.constant 1 : i32
    %dma_wait3A_503 = arith.constant 0 : i32
    %dma_wait3A_504 = arith.constant 0 : i32
    %dma_wait3A_505 = tpu.memref_slice %arg6[%dma_wait3A_502, %dma_wait3A_503, %dma_wait3A_504] : memref<2x512x32xf32, #tpu.memory_space<vmem>> -> memref<1x512x32xf32, #tpu.memory_space<vmem>>
    %dma_wait3A_506 = tpu.memref_squeeze %dma_wait3A_505 : memref<1x512x32xf32, #tpu.memory_space<vmem>> -> memref<512x32xf32, #tpu.memory_space<vmem>>
    %dma_wait3A_507 = arith.constant 0 : i32
    %dma_wait3A_508 = tpu.memref_slice %arg5[%dma_wait3A_501, %dma_wait3A_507] : memref<26x512xi32, #tpu.memory_space<vmem>> -> memref<1x512xi32, #tpu.memory_space<vmem>>
    %dma_wait3A_509 = tpu.memref_squeeze %dma_wait3A_508 : memref<1x512xi32, #tpu.memory_space<vmem>> -> memref<512xi32, #tpu.memory_space<vmem>>
    %dma_wait3A_510 = arith.constant 0 : i32
    %dma_wait3A_511 = arith.constant 0 : i32
    %dma_wait3A_512 = tpu.memref_slice %arg3[%dma_wait3A_510, %dma_wait3A_511] : memref<1015808x32xf32, #tpu.memory_space<hbm>> -> memref<1015808x32xf32, #tpu.memory_space<hbm>>
    tpu.wait_indirect_dma semaphore(%arg8 : memref<!tpu.dma_semaphore, #tpu.memory_space<semaphore_mem>>) src(%dma_wait3A_512 : memref<1015808x32xf32, #tpu.memory_space<hbm>>) dst(%dma_wait3A_506 : memref<512x32xf32, #tpu.memory_space<vmem>>)
    %dma_start3A_513 = arith.constant 1 : i32
    %dma_start3A_514 = arith.constant 9 : i32
    %dma_start3A_515 = arith.constant 0 : i32
    %dma_start3A_516 = arith.constant 0 : i32
    %dma_start3A_517 = tpu.memref_slice %arg6[%dma_start3A_513, %dma_start3A_515, %dma_start3A_516] : memref<2x512x32xf32, #tpu.memory_space<vmem>> -> memref<1x512x32xf32, #tpu.memory_space<vmem>>
    %dma_start3A_518 = tpu.memref_squeeze %dma_start3A_517 : memref<1x512x32xf32, #tpu.memory_space<vmem>> -> memref<512x32xf32, #tpu.memory_space<vmem>>
    %dma_start3A_519 = tpu.memref_slice %arg4[%dma_start3A_514, %mul3A_13, %mul3A_36] : memref<26x4096x128xf32, #tpu.memory_space<hbm>> -> memref<1x512x32xf32, #tpu.memory_space<hbm>>
    %dma_start3A_520 = tpu.memref_squeeze %dma_start3A_519 : memref<1x512x32xf32, #tpu.memory_space<hbm>> -> memref<512x32xf32, #tpu.memory_space<hbm>>
    %dma_start3A_521 = tpu.memref_slice %arg4[%dma_start3A_514, %mul3A_13, %mul3A_36] : memref<26x4096x128xf32, #tpu.memory_space<hbm>> -> memref<1x512x32xf32, #tpu.memory_space<hbm>>
    %dma_start3A_522 = tpu.memref_squeeze %dma_start3A_521 : memref<1x512x32xf32, #tpu.memory_space<hbm>> -> memref<512x32xf32, #tpu.memory_space<hbm>>
    %dma_start3A_523 = arith.constant 0 : i32
    %dma_start3A_524 = arith.constant 0 : i32
    %dma_start3A_525 = tpu.memref_slice %arg6[%dma_start3A_513, %dma_start3A_523, %dma_start3A_524] : memref<2x512x32xf32, #tpu.memory_space<vmem>> -> memref<1x512x32xf32, #tpu.memory_space<vmem>>
    %dma_start3A_526 = tpu.memref_squeeze %dma_start3A_525 : memref<1x512x32xf32, #tpu.memory_space<vmem>> -> memref<512x32xf32, #tpu.memory_space<vmem>>
    tpu.enqueue_dma source(%dma_start3A_526 : memref<512x32xf32, #tpu.memory_space<vmem>>) target(%dma_start3A_522 : memref<512x32xf32, #tpu.memory_space<hbm>>) target_semaphore(%arg10 : memref<!tpu.dma_semaphore, #tpu.memory_space<semaphore_mem>>)
    %dma_wait3A_527 = arith.constant 0 : i32
    %dma_wait3A_528 = arith.constant 8 : i32
    %dma_wait3A_529 = arith.constant 0 : i32
    %dma_wait3A_530 = arith.constant 0 : i32
    %dma_wait3A_531 = tpu.memref_slice %arg6[%dma_wait3A_527, %dma_wait3A_529, %dma_wait3A_530] : memref<2x512x32xf32, #tpu.memory_space<vmem>> -> memref<1x512x32xf32, #tpu.memory_space<vmem>>
    %dma_wait3A_532 = tpu.memref_squeeze %dma_wait3A_531 : memref<1x512x32xf32, #tpu.memory_space<vmem>> -> memref<512x32xf32, #tpu.memory_space<vmem>>
    %dma_wait3A_533 = tpu.memref_slice %arg4[%dma_wait3A_528, %mul3A_13, %mul3A_36] : memref<26x4096x128xf32, #tpu.memory_space<hbm>> -> memref<1x512x32xf32, #tpu.memory_space<hbm>>
    %dma_wait3A_534 = tpu.memref_squeeze %dma_wait3A_533 : memref<1x512x32xf32, #tpu.memory_space<hbm>> -> memref<512x32xf32, #tpu.memory_space<hbm>>
    %dma_wait3A_535 = tpu.memref_slice %arg4[%dma_wait3A_528, %mul3A_13, %mul3A_36] : memref<26x4096x128xf32, #tpu.memory_space<hbm>> -> memref<1x512x32xf32, #tpu.memory_space<hbm>>
    %dma_wait3A_536 = tpu.memref_squeeze %dma_wait3A_535 : memref<1x512x32xf32, #tpu.memory_space<hbm>> -> memref<512x32xf32, #tpu.memory_space<hbm>>
    %dma_wait3A_537 = arith.constant 0 : i32
    %dma_wait3A_538 = arith.constant 0 : i32
    %dma_wait3A_539 = tpu.memref_slice %arg6[%dma_wait3A_527, %dma_wait3A_537, %dma_wait3A_538] : memref<2x512x32xf32, #tpu.memory_space<vmem>> -> memref<1x512x32xf32, #tpu.memory_space<vmem>>
    %dma_wait3A_540 = tpu.memref_squeeze %dma_wait3A_539 : memref<1x512x32xf32, #tpu.memory_space<vmem>> -> memref<512x32xf32, #tpu.memory_space<vmem>>
    tpu.wait_dma2 semaphore(%arg9 : memref<!tpu.dma_semaphore, #tpu.memory_space<semaphore_mem>>) src(%dma_wait3A_540 : memref<512x32xf32, #tpu.memory_space<vmem>>) dst(%dma_wait3A_536 : memref<512x32xf32, #tpu.memory_space<hbm>>)
    %dma_start3A_541 = arith.constant 10 : i32
    %dma_start3A_542 = arith.constant 0 : i32
    %dma_start3A_543 = arith.constant 0 : i32
    %dma_start3A_544 = arith.constant 0 : i32
    %dma_start3A_545 = tpu.memref_slice %arg6[%dma_start3A_542, %dma_start3A_543, %dma_start3A_544] : memref<2x512x32xf32, #tpu.memory_space<vmem>> -> memref<1x512x32xf32, #tpu.memory_space<vmem>>
    %dma_start3A_546 = tpu.memref_squeeze %dma_start3A_545 : memref<1x512x32xf32, #tpu.memory_space<vmem>> -> memref<512x32xf32, #tpu.memory_space<vmem>>
    %dma_start3A_547 = arith.constant 0 : i32
    %dma_start3A_548 = tpu.memref_slice %arg5[%dma_start3A_541, %dma_start3A_547] : memref<26x512xi32, #tpu.memory_space<vmem>> -> memref<1x512xi32, #tpu.memory_space<vmem>>
    %dma_start3A_549 = tpu.memref_squeeze %dma_start3A_548 : memref<1x512xi32, #tpu.memory_space<vmem>> -> memref<512xi32, #tpu.memory_space<vmem>>
    %dma_start3A_550 = arith.constant 0 : i32
    %dma_start3A_551 = arith.constant 0 : i32
    %dma_start3A_552 = tpu.memref_slice %arg3[%dma_start3A_550, %dma_start3A_551] : memref<1015808x32xf32, #tpu.memory_space<hbm>> -> memref<1015808x32xf32, #tpu.memory_space<hbm>>
    tpu.enqueue_indirect_dma source(%dma_start3A_552 : memref<1015808x32xf32, #tpu.memory_space<hbm>>) target(%dma_start3A_546 : memref<512x32xf32, #tpu.memory_space<vmem>>) offsets(%dma_start3A_549 : memref<512xi32, #tpu.memory_space<vmem>>) semaphore(%arg7 : memref<!tpu.dma_semaphore, #tpu.memory_space<semaphore_mem>>)
    %dma_wait3A_553 = arith.constant 10 : i32
    %dma_wait3A_554 = arith.constant 0 : i32
    %dma_wait3A_555 = arith.constant 0 : i32
    %dma_wait3A_556 = arith.constant 0 : i32
    %dma_wait3A_557 = tpu.memref_slice %arg6[%dma_wait3A_554, %dma_wait3A_555, %dma_wait3A_556] : memref<2x512x32xf32, #tpu.memory_space<vmem>> -> memref<1x512x32xf32, #tpu.memory_space<vmem>>
    %dma_wait3A_558 = tpu.memref_squeeze %dma_wait3A_557 : memref<1x512x32xf32, #tpu.memory_space<vmem>> -> memref<512x32xf32, #tpu.memory_space<vmem>>
    %dma_wait3A_559 = arith.constant 0 : i32
    %dma_wait3A_560 = tpu.memref_slice %arg5[%dma_wait3A_553, %dma_wait3A_559] : memref<26x512xi32, #tpu.memory_space<vmem>> -> memref<1x512xi32, #tpu.memory_space<vmem>>
    %dma_wait3A_561 = tpu.memref_squeeze %dma_wait3A_560 : memref<1x512xi32, #tpu.memory_space<vmem>> -> memref<512xi32, #tpu.memory_space<vmem>>
    %dma_wait3A_562 = arith.constant 0 : i32
    %dma_wait3A_563 = arith.constant 0 : i32
    %dma_wait3A_564 = tpu.memref_slice %arg3[%dma_wait3A_562, %dma_wait3A_563] : memref<1015808x32xf32, #tpu.memory_space<hbm>> -> memref<1015808x32xf32, #tpu.memory_space<hbm>>
    tpu.wait_indirect_dma semaphore(%arg7 : memref<!tpu.dma_semaphore, #tpu.memory_space<semaphore_mem>>) src(%dma_wait3A_564 : memref<1015808x32xf32, #tpu.memory_space<hbm>>) dst(%dma_wait3A_558 : memref<512x32xf32, #tpu.memory_space<vmem>>)
    %dma_start3A_565 = arith.constant 0 : i32
    %dma_start3A_566 = arith.constant 10 : i32
    %dma_start3A_567 = arith.constant 0 : i32
    %dma_start3A_568 = arith.constant 0 : i32
    %dma_start3A_569 = tpu.memref_slice %arg6[%dma_start3A_565, %dma_start3A_567, %dma_start3A_568] : memref<2x512x32xf32, #tpu.memory_space<vmem>> -> memref<1x512x32xf32, #tpu.memory_space<vmem>>
    %dma_start3A_570 = tpu.memref_squeeze %dma_start3A_569 : memref<1x512x32xf32, #tpu.memory_space<vmem>> -> memref<512x32xf32, #tpu.memory_space<vmem>>
    %dma_start3A_571 = tpu.memref_slice %arg4[%dma_start3A_566, %mul3A_13, %mul3A_36] : memref<26x4096x128xf32, #tpu.memory_space<hbm>> -> memref<1x512x32xf32, #tpu.memory_space<hbm>>
    %dma_start3A_572 = tpu.memref_squeeze %dma_start3A_571 : memref<1x512x32xf32, #tpu.memory_space<hbm>> -> memref<512x32xf32, #tpu.memory_space<hbm>>
    %dma_start3A_573 = tpu.memref_slice %arg4[%dma_start3A_566, %mul3A_13, %mul3A_36] : memref<26x4096x128xf32, #tpu.memory_space<hbm>> -> memref<1x512x32xf32, #tpu.memory_space<hbm>>
    %dma_start3A_574 = tpu.memref_squeeze %dma_start3A_573 : memref<1x512x32xf32, #tpu.memory_space<hbm>> -> memref<512x32xf32, #tpu.memory_space<hbm>>
    %dma_start3A_575 = arith.constant 0 : i32
    %dma_start3A_576 = arith.constant 0 : i32
    %dma_start3A_577 = tpu.memref_slice %arg6[%dma_start3A_565, %dma_start3A_575, %dma_start3A_576] : memref<2x512x32xf32, #tpu.memory_space<vmem>> -> memref<1x512x32xf32, #tpu.memory_space<vmem>>
    %dma_start3A_578 = tpu.memref_squeeze %dma_start3A_577 : memref<1x512x32xf32, #tpu.memory_space<vmem>> -> memref<512x32xf32, #tpu.memory_space<vmem>>
    tpu.enqueue_dma source(%dma_start3A_578 : memref<512x32xf32, #tpu.memory_space<vmem>>) target(%dma_start3A_574 : memref<512x32xf32, #tpu.memory_space<hbm>>) target_semaphore(%arg9 : memref<!tpu.dma_semaphore, #tpu.memory_space<semaphore_mem>>)
    %dma_wait3A_579 = arith.constant 1 : i32
    %dma_wait3A_580 = arith.constant 9 : i32
    %dma_wait3A_581 = arith.constant 0 : i32
    %dma_wait3A_582 = arith.constant 0 : i32
    %dma_wait3A_583 = tpu.memref_slice %arg6[%dma_wait3A_579, %dma_wait3A_581, %dma_wait3A_582] : memref<2x512x32xf32, #tpu.memory_space<vmem>> -> memref<1x512x32xf32, #tpu.memory_space<vmem>>
    %dma_wait3A_584 = tpu.memref_squeeze %dma_wait3A_583 : memref<1x512x32xf32, #tpu.memory_space<vmem>> -> memref<512x32xf32, #tpu.memory_space<vmem>>
    %dma_wait3A_585 = tpu.memref_slice %arg4[%dma_wait3A_580, %mul3A_13, %mul3A_36] : memref<26x4096x128xf32, #tpu.memory_space<hbm>> -> memref<1x512x32xf32, #tpu.memory_space<hbm>>
    %dma_wait3A_586 = tpu.memref_squeeze %dma_wait3A_585 : memref<1x512x32xf32, #tpu.memory_space<hbm>> -> memref<512x32xf32, #tpu.memory_space<hbm>>
    %dma_wait3A_587 = tpu.memref_slice %arg4[%dma_wait3A_580, %mul3A_13, %mul3A_36] : memref<26x4096x128xf32, #tpu.memory_space<hbm>> -> memref<1x512x32xf32, #tpu.memory_space<hbm>>
    %dma_wait3A_588 = tpu.memref_squeeze %dma_wait3A_587 : memref<1x512x32xf32, #tpu.memory_space<hbm>> -> memref<512x32xf32, #tpu.memory_space<hbm>>
    %dma_wait3A_589 = arith.constant 0 : i32
    %dma_wait3A_590 = arith.constant 0 : i32
    %dma_wait3A_591 = tpu.memref_slice %arg6[%dma_wait3A_579, %dma_wait3A_589, %dma_wait3A_590] : memref<2x512x32xf32, #tpu.memory_space<vmem>> -> memref<1x512x32xf32, #tpu.memory_space<vmem>>
    %dma_wait3A_592 = tpu.memref_squeeze %dma_wait3A_591 : memref<1x512x32xf32, #tpu.memory_space<vmem>> -> memref<512x32xf32, #tpu.memory_space<vmem>>
    tpu.wait_dma2 semaphore(%arg10 : memref<!tpu.dma_semaphore, #tpu.memory_space<semaphore_mem>>) src(%dma_wait3A_592 : memref<512x32xf32, #tpu.memory_space<vmem>>) dst(%dma_wait3A_588 : memref<512x32xf32, #tpu.memory_space<hbm>>)
    %dma_start3A_593 = arith.constant 11 : i32
    %dma_start3A_594 = arith.constant 1 : i32
    %dma_start3A_595 = arith.constant 0 : i32
    %dma_start3A_596 = arith.constant 0 : i32
    %dma_start3A_597 = tpu.memref_slice %arg6[%dma_start3A_594, %dma_start3A_595, %dma_start3A_596] : memref<2x512x32xf32, #tpu.memory_space<vmem>> -> memref<1x512x32xf32, #tpu.memory_space<vmem>>
    %dma_start3A_598 = tpu.memref_squeeze %dma_start3A_597 : memref<1x512x32xf32, #tpu.memory_space<vmem>> -> memref<512x32xf32, #tpu.memory_space<vmem>>
    %dma_start3A_599 = arith.constant 0 : i32
    %dma_start3A_600 = tpu.memref_slice %arg5[%dma_start3A_593, %dma_start3A_599] : memref<26x512xi32, #tpu.memory_space<vmem>> -> memref<1x512xi32, #tpu.memory_space<vmem>>
    %dma_start3A_601 = tpu.memref_squeeze %dma_start3A_600 : memref<1x512xi32, #tpu.memory_space<vmem>> -> memref<512xi32, #tpu.memory_space<vmem>>
    %dma_start3A_602 = arith.constant 0 : i32
    %dma_start3A_603 = arith.constant 0 : i32
    %dma_start3A_604 = tpu.memref_slice %arg3[%dma_start3A_602, %dma_start3A_603] : memref<1015808x32xf32, #tpu.memory_space<hbm>> -> memref<1015808x32xf32, #tpu.memory_space<hbm>>
    tpu.enqueue_indirect_dma source(%dma_start3A_604 : memref<1015808x32xf32, #tpu.memory_space<hbm>>) target(%dma_start3A_598 : memref<512x32xf32, #tpu.memory_space<vmem>>) offsets(%dma_start3A_601 : memref<512xi32, #tpu.memory_space<vmem>>) semaphore(%arg8 : memref<!tpu.dma_semaphore, #tpu.memory_space<semaphore_mem>>)
    %dma_wait3A_605 = arith.constant 11 : i32
    %dma_wait3A_606 = arith.constant 1 : i32
    %dma_wait3A_607 = arith.constant 0 : i32
    %dma_wait3A_608 = arith.constant 0 : i32
    %dma_wait3A_609 = tpu.memref_slice %arg6[%dma_wait3A_606, %dma_wait3A_607, %dma_wait3A_608] : memref<2x512x32xf32, #tpu.memory_space<vmem>> -> memref<1x512x32xf32, #tpu.memory_space<vmem>>
    %dma_wait3A_610 = tpu.memref_squeeze %dma_wait3A_609 : memref<1x512x32xf32, #tpu.memory_space<vmem>> -> memref<512x32xf32, #tpu.memory_space<vmem>>
    %dma_wait3A_611 = arith.constant 0 : i32
    %dma_wait3A_612 = tpu.memref_slice %arg5[%dma_wait3A_605, %dma_wait3A_611] : memref<26x512xi32, #tpu.memory_space<vmem>> -> memref<1x512xi32, #tpu.memory_space<vmem>>
    %dma_wait3A_613 = tpu.memref_squeeze %dma_wait3A_612 : memref<1x512xi32, #tpu.memory_space<vmem>> -> memref<512xi32, #tpu.memory_space<vmem>>
    %dma_wait3A_614 = arith.constant 0 : i32
    %dma_wait3A_615 = arith.constant 0 : i32
    %dma_wait3A_616 = tpu.memref_slice %arg3[%dma_wait3A_614, %dma_wait3A_615] : memref<1015808x32xf32, #tpu.memory_space<hbm>> -> memref<1015808x32xf32, #tpu.memory_space<hbm>>
    tpu.wait_indirect_dma semaphore(%arg8 : memref<!tpu.dma_semaphore, #tpu.memory_space<semaphore_mem>>) src(%dma_wait3A_616 : memref<1015808x32xf32, #tpu.memory_space<hbm>>) dst(%dma_wait3A_610 : memref<512x32xf32, #tpu.memory_space<vmem>>)
    %dma_start3A_617 = arith.constant 1 : i32
    %dma_start3A_618 = arith.constant 11 : i32
    %dma_start3A_619 = arith.constant 0 : i32
    %dma_start3A_620 = arith.constant 0 : i32
    %dma_start3A_621 = tpu.memref_slice %arg6[%dma_start3A_617, %dma_start3A_619, %dma_start3A_620] : memref<2x512x32xf32, #tpu.memory_space<vmem>> -> memref<1x512x32xf32, #tpu.memory_space<vmem>>
    %dma_start3A_622 = tpu.memref_squeeze %dma_start3A_621 : memref<1x512x32xf32, #tpu.memory_space<vmem>> -> memref<512x32xf32, #tpu.memory_space<vmem>>
    %dma_start3A_623 = tpu.memref_slice %arg4[%dma_start3A_618, %mul3A_13, %mul3A_36] : memref<26x4096x128xf32, #tpu.memory_space<hbm>> -> memref<1x512x32xf32, #tpu.memory_space<hbm>>
    %dma_start3A_624 = tpu.memref_squeeze %dma_start3A_623 : memref<1x512x32xf32, #tpu.memory_space<hbm>> -> memref<512x32xf32, #tpu.memory_space<hbm>>
    %dma_start3A_625 = tpu.memref_slice %arg4[%dma_start3A_618, %mul3A_13, %mul3A_36] : memref<26x4096x128xf32, #tpu.memory_space<hbm>> -> memref<1x512x32xf32, #tpu.memory_space<hbm>>
    %dma_start3A_626 = tpu.memref_squeeze %dma_start3A_625 : memref<1x512x32xf32, #tpu.memory_space<hbm>> -> memref<512x32xf32, #tpu.memory_space<hbm>>
    %dma_start3A_627 = arith.constant 0 : i32
    %dma_start3A_628 = arith.constant 0 : i32
    %dma_start3A_629 = tpu.memref_slice %arg6[%dma_start3A_617, %dma_start3A_627, %dma_start3A_628] : memref<2x512x32xf32, #tpu.memory_space<vmem>> -> memref<1x512x32xf32, #tpu.memory_space<vmem>>
    %dma_start3A_630 = tpu.memref_squeeze %dma_start3A_629 : memref<1x512x32xf32, #tpu.memory_space<vmem>> -> memref<512x32xf32, #tpu.memory_space<vmem>>
    tpu.enqueue_dma source(%dma_start3A_630 : memref<512x32xf32, #tpu.memory_space<vmem>>) target(%dma_start3A_626 : memref<512x32xf32, #tpu.memory_space<hbm>>) target_semaphore(%arg10 : memref<!tpu.dma_semaphore, #tpu.memory_space<semaphore_mem>>)
    %dma_wait3A_631 = arith.constant 0 : i32
    %dma_wait3A_632 = arith.constant 10 : i32
    %dma_wait3A_633 = arith.constant 0 : i32
    %dma_wait3A_634 = arith.constant 0 : i32
    %dma_wait3A_635 = tpu.memref_slice %arg6[%dma_wait3A_631, %dma_wait3A_633, %dma_wait3A_634] : memref<2x512x32xf32, #tpu.memory_space<vmem>> -> memref<1x512x32xf32, #tpu.memory_space<vmem>>
    %dma_wait3A_636 = tpu.memref_squeeze %dma_wait3A_635 : memref<1x512x32xf32, #tpu.memory_space<vmem>> -> memref<512x32xf32, #tpu.memory_space<vmem>>
    %dma_wait3A_637 = tpu.memref_slice %arg4[%dma_wait3A_632, %mul3A_13, %mul3A_36] : memref<26x4096x128xf32, #tpu.memory_space<hbm>> -> memref<1x512x32xf32, #tpu.memory_space<hbm>>
    %dma_wait3A_638 = tpu.memref_squeeze %dma_wait3A_637 : memref<1x512x32xf32, #tpu.memory_space<hbm>> -> memref<512x32xf32, #tpu.memory_space<hbm>>
    %dma_wait3A_639 = tpu.memref_slice %arg4[%dma_wait3A_632, %mul3A_13, %mul3A_36] : memref<26x4096x128xf32, #tpu.memory_space<hbm>> -> memref<1x512x32xf32, #tpu.memory_space<hbm>>
    %dma_wait3A_640 = tpu.memref_squeeze %dma_wait3A_639 : memref<1x512x32xf32, #tpu.memory_space<hbm>> -> memref<512x32xf32, #tpu.memory_space<hbm>>
    %dma_wait3A_641 = arith.constant 0 : i32
    %dma_wait3A_642 = arith.constant 0 : i32
    %dma_wait3A_643 = tpu.memref_slice %arg6[%dma_wait3A_631, %dma_wait3A_641, %dma_wait3A_642] : memref<2x512x32xf32, #tpu.memory_space<vmem>> -> memref<1x512x32xf32, #tpu.memory_space<vmem>>
    %dma_wait3A_644 = tpu.memref_squeeze %dma_wait3A_643 : memref<1x512x32xf32, #tpu.memory_space<vmem>> -> memref<512x32xf32, #tpu.memory_space<vmem>>
    tpu.wait_dma2 semaphore(%arg9 : memref<!tpu.dma_semaphore, #tpu.memory_space<semaphore_mem>>) src(%dma_wait3A_644 : memref<512x32xf32, #tpu.memory_space<vmem>>) dst(%dma_wait3A_640 : memref<512x32xf32, #tpu.memory_space<hbm>>)
    %dma_start3A_645 = arith.constant 12 : i32
    %dma_start3A_646 = arith.constant 0 : i32
    %dma_start3A_647 = arith.constant 0 : i32
    %dma_start3A_648 = arith.constant 0 : i32
    %dma_start3A_649 = tpu.memref_slice %arg6[%dma_start3A_646, %dma_start3A_647, %dma_start3A_648] : memref<2x512x32xf32, #tpu.memory_space<vmem>> -> memref<1x512x32xf32, #tpu.memory_space<vmem>>
    %dma_start3A_650 = tpu.memref_squeeze %dma_start3A_649 : memref<1x512x32xf32, #tpu.memory_space<vmem>> -> memref<512x32xf32, #tpu.memory_space<vmem>>
    %dma_start3A_651 = arith.constant 0 : i32
    %dma_start3A_652 = tpu.memref_slice %arg5[%dma_start3A_645, %dma_start3A_651] : memref<26x512xi32, #tpu.memory_space<vmem>> -> memref<1x512xi32, #tpu.memory_space<vmem>>
    %dma_start3A_653 = tpu.memref_squeeze %dma_start3A_652 : memref<1x512xi32, #tpu.memory_space<vmem>> -> memref<512xi32, #tpu.memory_space<vmem>>
    %dma_start3A_654 = arith.constant 0 : i32
    %dma_start3A_655 = arith.constant 0 : i32
    %dma_start3A_656 = tpu.memref_slice %arg3[%dma_start3A_654, %dma_start3A_655] : memref<1015808x32xf32, #tpu.memory_space<hbm>> -> memref<1015808x32xf32, #tpu.memory_space<hbm>>
    tpu.enqueue_indirect_dma source(%dma_start3A_656 : memref<1015808x32xf32, #tpu.memory_space<hbm>>) target(%dma_start3A_650 : memref<512x32xf32, #tpu.memory_space<vmem>>) offsets(%dma_start3A_653 : memref<512xi32, #tpu.memory_space<vmem>>) semaphore(%arg7 : memref<!tpu.dma_semaphore, #tpu.memory_space<semaphore_mem>>)
    %dma_wait3A_657 = arith.constant 12 : i32
    %dma_wait3A_658 = arith.constant 0 : i32
    %dma_wait3A_659 = arith.constant 0 : i32
    %dma_wait3A_660 = arith.constant 0 : i32
    %dma_wait3A_661 = tpu.memref_slice %arg6[%dma_wait3A_658, %dma_wait3A_659, %dma_wait3A_660] : memref<2x512x32xf32, #tpu.memory_space<vmem>> -> memref<1x512x32xf32, #tpu.memory_space<vmem>>
    %dma_wait3A_662 = tpu.memref_squeeze %dma_wait3A_661 : memref<1x512x32xf32, #tpu.memory_space<vmem>> -> memref<512x32xf32, #tpu.memory_space<vmem>>
    %dma_wait3A_663 = arith.constant 0 : i32
    %dma_wait3A_664 = tpu.memref_slice %arg5[%dma_wait3A_657, %dma_wait3A_663] : memref<26x512xi32, #tpu.memory_space<vmem>> -> memref<1x512xi32, #tpu.memory_space<vmem>>
    %dma_wait3A_665 = tpu.memref_squeeze %dma_wait3A_664 : memref<1x512xi32, #tpu.memory_space<vmem>> -> memref<512xi32, #tpu.memory_space<vmem>>
    %dma_wait3A_666 = arith.constant 0 : i32
    %dma_wait3A_667 = arith.constant 0 : i32
    %dma_wait3A_668 = tpu.memref_slice %arg3[%dma_wait3A_666, %dma_wait3A_667] : memref<1015808x32xf32, #tpu.memory_space<hbm>> -> memref<1015808x32xf32, #tpu.memory_space<hbm>>
    tpu.wait_indirect_dma semaphore(%arg7 : memref<!tpu.dma_semaphore, #tpu.memory_space<semaphore_mem>>) src(%dma_wait3A_668 : memref<1015808x32xf32, #tpu.memory_space<hbm>>) dst(%dma_wait3A_662 : memref<512x32xf32, #tpu.memory_space<vmem>>)
    %dma_start3A_669 = arith.constant 0 : i32
    %dma_start3A_670 = arith.constant 12 : i32
    %dma_start3A_671 = arith.constant 0 : i32
    %dma_start3A_672 = arith.constant 0 : i32
    %dma_start3A_673 = tpu.memref_slice %arg6[%dma_start3A_669, %dma_start3A_671, %dma_start3A_672] : memref<2x512x32xf32, #tpu.memory_space<vmem>> -> memref<1x512x32xf32, #tpu.memory_space<vmem>>
    %dma_start3A_674 = tpu.memref_squeeze %dma_start3A_673 : memref<1x512x32xf32, #tpu.memory_space<vmem>> -> memref<512x32xf32, #tpu.memory_space<vmem>>
    %dma_start3A_675 = tpu.memref_slice %arg4[%dma_start3A_670, %mul3A_13, %mul3A_36] : memref<26x4096x128xf32, #tpu.memory_space<hbm>> -> memref<1x512x32xf32, #tpu.memory_space<hbm>>
    %dma_start3A_676 = tpu.memref_squeeze %dma_start3A_675 : memref<1x512x32xf32, #tpu.memory_space<hbm>> -> memref<512x32xf32, #tpu.memory_space<hbm>>
    %dma_start3A_677 = tpu.memref_slice %arg4[%dma_start3A_670, %mul3A_13, %mul3A_36] : memref<26x4096x128xf32, #tpu.memory_space<hbm>> -> memref<1x512x32xf32, #tpu.memory_space<hbm>>
    %dma_start3A_678 = tpu.memref_squeeze %dma_start3A_677 : memref<1x512x32xf32, #tpu.memory_space<hbm>> -> memref<512x32xf32, #tpu.memory_space<hbm>>
    %dma_start3A_679 = arith.constant 0 : i32
    %dma_start3A_680 = arith.constant 0 : i32
    %dma_start3A_681 = tpu.memref_slice %arg6[%dma_start3A_669, %dma_start3A_679, %dma_start3A_680] : memref<2x512x32xf32, #tpu.memory_space<vmem>> -> memref<1x512x32xf32, #tpu.memory_space<vmem>>
    %dma_start3A_682 = tpu.memref_squeeze %dma_start3A_681 : memref<1x512x32xf32, #tpu.memory_space<vmem>> -> memref<512x32xf32, #tpu.memory_space<vmem>>
    tpu.enqueue_dma source(%dma_start3A_682 : memref<512x32xf32, #tpu.memory_space<vmem>>) target(%dma_start3A_678 : memref<512x32xf32, #tpu.memory_space<hbm>>) target_semaphore(%arg9 : memref<!tpu.dma_semaphore, #tpu.memory_space<semaphore_mem>>)
    %dma_wait3A_683 = arith.constant 1 : i32
    %dma_wait3A_684 = arith.constant 11 : i32
    %dma_wait3A_685 = arith.constant 0 : i32
    %dma_wait3A_686 = arith.constant 0 : i32
    %dma_wait3A_687 = tpu.memref_slice %arg6[%dma_wait3A_683, %dma_wait3A_685, %dma_wait3A_686] : memref<2x512x32xf32, #tpu.memory_space<vmem>> -> memref<1x512x32xf32, #tpu.memory_space<vmem>>
    %dma_wait3A_688 = tpu.memref_squeeze %dma_wait3A_687 : memref<1x512x32xf32, #tpu.memory_space<vmem>> -> memref<512x32xf32, #tpu.memory_space<vmem>>
    %dma_wait3A_689 = tpu.memref_slice %arg4[%dma_wait3A_684, %mul3A_13, %mul3A_36] : memref<26x4096x128xf32, #tpu.memory_space<hbm>> -> memref<1x512x32xf32, #tpu.memory_space<hbm>>
    %dma_wait3A_690 = tpu.memref_squeeze %dma_wait3A_689 : memref<1x512x32xf32, #tpu.memory_space<hbm>> -> memref<512x32xf32, #tpu.memory_space<hbm>>
    %dma_wait3A_691 = tpu.memref_slice %arg4[%dma_wait3A_684, %mul3A_13, %mul3A_36] : memref<26x4096x128xf32, #tpu.memory_space<hbm>> -> memref<1x512x32xf32, #tpu.memory_space<hbm>>
    %dma_wait3A_692 = tpu.memref_squeeze %dma_wait3A_691 : memref<1x512x32xf32, #tpu.memory_space<hbm>> -> memref<512x32xf32, #tpu.memory_space<hbm>>
    %dma_wait3A_693 = arith.constant 0 : i32
    %dma_wait3A_694 = arith.constant 0 : i32
    %dma_wait3A_695 = tpu.memref_slice %arg6[%dma_wait3A_683, %dma_wait3A_693, %dma_wait3A_694] : memref<2x512x32xf32, #tpu.memory_space<vmem>> -> memref<1x512x32xf32, #tpu.memory_space<vmem>>
    %dma_wait3A_696 = tpu.memref_squeeze %dma_wait3A_695 : memref<1x512x32xf32, #tpu.memory_space<vmem>> -> memref<512x32xf32, #tpu.memory_space<vmem>>
    tpu.wait_dma2 semaphore(%arg10 : memref<!tpu.dma_semaphore, #tpu.memory_space<semaphore_mem>>) src(%dma_wait3A_696 : memref<512x32xf32, #tpu.memory_space<vmem>>) dst(%dma_wait3A_692 : memref<512x32xf32, #tpu.memory_space<hbm>>)
    %dma_start3A_697 = arith.constant 13 : i32
    %dma_start3A_698 = arith.constant 1 : i32
    %dma_start3A_699 = arith.constant 0 : i32
    %dma_start3A_700 = arith.constant 0 : i32
    %dma_start3A_701 = tpu.memref_slice %arg6[%dma_start3A_698, %dma_start3A_699, %dma_start3A_700] : memref<2x512x32xf32, #tpu.memory_space<vmem>> -> memref<1x512x32xf32, #tpu.memory_space<vmem>>
    %dma_start3A_702 = tpu.memref_squeeze %dma_start3A_701 : memref<1x512x32xf32, #tpu.memory_space<vmem>> -> memref<512x32xf32, #tpu.memory_space<vmem>>
    %dma_start3A_703 = arith.constant 0 : i32
    %dma_start3A_704 = tpu.memref_slice %arg5[%dma_start3A_697, %dma_start3A_703] : memref<26x512xi32, #tpu.memory_space<vmem>> -> memref<1x512xi32, #tpu.memory_space<vmem>>
    %dma_start3A_705 = tpu.memref_squeeze %dma_start3A_704 : memref<1x512xi32, #tpu.memory_space<vmem>> -> memref<512xi32, #tpu.memory_space<vmem>>
    %dma_start3A_706 = arith.constant 0 : i32
    %dma_start3A_707 = arith.constant 0 : i32
    %dma_start3A_708 = tpu.memref_slice %arg3[%dma_start3A_706, %dma_start3A_707] : memref<1015808x32xf32, #tpu.memory_space<hbm>> -> memref<1015808x32xf32, #tpu.memory_space<hbm>>
    tpu.enqueue_indirect_dma source(%dma_start3A_708 : memref<1015808x32xf32, #tpu.memory_space<hbm>>) target(%dma_start3A_702 : memref<512x32xf32, #tpu.memory_space<vmem>>) offsets(%dma_start3A_705 : memref<512xi32, #tpu.memory_space<vmem>>) semaphore(%arg8 : memref<!tpu.dma_semaphore, #tpu.memory_space<semaphore_mem>>)
    %dma_wait3A_709 = arith.constant 13 : i32
    %dma_wait3A_710 = arith.constant 1 : i32
    %dma_wait3A_711 = arith.constant 0 : i32
    %dma_wait3A_712 = arith.constant 0 : i32
    %dma_wait3A_713 = tpu.memref_slice %arg6[%dma_wait3A_710, %dma_wait3A_711, %dma_wait3A_712] : memref<2x512x32xf32, #tpu.memory_space<vmem>> -> memref<1x512x32xf32, #tpu.memory_space<vmem>>
    %dma_wait3A_714 = tpu.memref_squeeze %dma_wait3A_713 : memref<1x512x32xf32, #tpu.memory_space<vmem>> -> memref<512x32xf32, #tpu.memory_space<vmem>>
    %dma_wait3A_715 = arith.constant 0 : i32
    %dma_wait3A_716 = tpu.memref_slice %arg5[%dma_wait3A_709, %dma_wait3A_715] : memref<26x512xi32, #tpu.memory_space<vmem>> -> memref<1x512xi32, #tpu.memory_space<vmem>>
    %dma_wait3A_717 = tpu.memref_squeeze %dma_wait3A_716 : memref<1x512xi32, #tpu.memory_space<vmem>> -> memref<512xi32, #tpu.memory_space<vmem>>
    %dma_wait3A_718 = arith.constant 0 : i32
    %dma_wait3A_719 = arith.constant 0 : i32
    %dma_wait3A_720 = tpu.memref_slice %arg3[%dma_wait3A_718, %dma_wait3A_719] : memref<1015808x32xf32, #tpu.memory_space<hbm>> -> memref<1015808x32xf32, #tpu.memory_space<hbm>>
    tpu.wait_indirect_dma semaphore(%arg8 : memref<!tpu.dma_semaphore, #tpu.memory_space<semaphore_mem>>) src(%dma_wait3A_720 : memref<1015808x32xf32, #tpu.memory_space<hbm>>) dst(%dma_wait3A_714 : memref<512x32xf32, #tpu.memory_space<vmem>>)
    %dma_start3A_721 = arith.constant 1 : i32
    %dma_start3A_722 = arith.constant 13 : i32
    %dma_start3A_723 = arith.constant 0 : i32
    %dma_start3A_724 = arith.constant 0 : i32
    %dma_start3A_725 = tpu.memref_slice %arg6[%dma_start3A_721, %dma_start3A_723, %dma_start3A_724] : memref<2x512x32xf32, #tpu.memory_space<vmem>> -> memref<1x512x32xf32, #tpu.memory_space<vmem>>
    %dma_start3A_726 = tpu.memref_squeeze %dma_start3A_725 : memref<1x512x32xf32, #tpu.memory_space<vmem>> -> memref<512x32xf32, #tpu.memory_space<vmem>>
    %dma_start3A_727 = tpu.memref_slice %arg4[%dma_start3A_722, %mul3A_13, %mul3A_36] : memref<26x4096x128xf32, #tpu.memory_space<hbm>> -> memref<1x512x32xf32, #tpu.memory_space<hbm>>
    %dma_start3A_728 = tpu.memref_squeeze %dma_start3A_727 : memref<1x512x32xf32, #tpu.memory_space<hbm>> -> memref<512x32xf32, #tpu.memory_space<hbm>>
    %dma_start3A_729 = tpu.memref_slice %arg4[%dma_start3A_722, %mul3A_13, %mul3A_36] : memref<26x4096x128xf32, #tpu.memory_space<hbm>> -> memref<1x512x32xf32, #tpu.memory_space<hbm>>
    %dma_start3A_730 = tpu.memref_squeeze %dma_start3A_729 : memref<1x512x32xf32, #tpu.memory_space<hbm>> -> memref<512x32xf32, #tpu.memory_space<hbm>>
    %dma_start3A_731 = arith.constant 0 : i32
    %dma_start3A_732 = arith.constant 0 : i32
    %dma_start3A_733 = tpu.memref_slice %arg6[%dma_start3A_721, %dma_start3A_731, %dma_start3A_732] : memref<2x512x32xf32, #tpu.memory_space<vmem>> -> memref<1x512x32xf32, #tpu.memory_space<vmem>>
    %dma_start3A_734 = tpu.memref_squeeze %dma_start3A_733 : memref<1x512x32xf32, #tpu.memory_space<vmem>> -> memref<512x32xf32, #tpu.memory_space<vmem>>
    tpu.enqueue_dma source(%dma_start3A_734 : memref<512x32xf32, #tpu.memory_space<vmem>>) target(%dma_start3A_730 : memref<512x32xf32, #tpu.memory_space<hbm>>) target_semaphore(%arg10 : memref<!tpu.dma_semaphore, #tpu.memory_space<semaphore_mem>>)
    %dma_wait3A_735 = arith.constant 0 : i32
    %dma_wait3A_736 = arith.constant 12 : i32
    %dma_wait3A_737 = arith.constant 0 : i32
    %dma_wait3A_738 = arith.constant 0 : i32
    %dma_wait3A_739 = tpu.memref_slice %arg6[%dma_wait3A_735, %dma_wait3A_737, %dma_wait3A_738] : memref<2x512x32xf32, #tpu.memory_space<vmem>> -> memref<1x512x32xf32, #tpu.memory_space<vmem>>
    %dma_wait3A_740 = tpu.memref_squeeze %dma_wait3A_739 : memref<1x512x32xf32, #tpu.memory_space<vmem>> -> memref<512x32xf32, #tpu.memory_space<vmem>>
    %dma_wait3A_741 = tpu.memref_slice %arg4[%dma_wait3A_736, %mul3A_13, %mul3A_36] : memref<26x4096x128xf32, #tpu.memory_space<hbm>> -> memref<1x512x32xf32, #tpu.memory_space<hbm>>
    %dma_wait3A_742 = tpu.memref_squeeze %dma_wait3A_741 : memref<1x512x32xf32, #tpu.memory_space<hbm>> -> memref<512x32xf32, #tpu.memory_space<hbm>>
    %dma_wait3A_743 = tpu.memref_slice %arg4[%dma_wait3A_736, %mul3A_13, %mul3A_36] : memref<26x4096x128xf32, #tpu.memory_space<hbm>> -> memref<1x512x32xf32, #tpu.memory_space<hbm>>
    %dma_wait3A_744 = tpu.memref_squeeze %dma_wait3A_743 : memref<1x512x32xf32, #tpu.memory_space<hbm>> -> memref<512x32xf32, #tpu.memory_space<hbm>>
    %dma_wait3A_745 = arith.constant 0 : i32
    %dma_wait3A_746 = arith.constant 0 : i32
    %dma_wait3A_747 = tpu.memref_slice %arg6[%dma_wait3A_735, %dma_wait3A_745, %dma_wait3A_746] : memref<2x512x32xf32, #tpu.memory_space<vmem>> -> memref<1x512x32xf32, #tpu.memory_space<vmem>>
    %dma_wait3A_748 = tpu.memref_squeeze %dma_wait3A_747 : memref<1x512x32xf32, #tpu.memory_space<vmem>> -> memref<512x32xf32, #tpu.memory_space<vmem>>
    tpu.wait_dma2 semaphore(%arg9 : memref<!tpu.dma_semaphore, #tpu.memory_space<semaphore_mem>>) src(%dma_wait3A_748 : memref<512x32xf32, #tpu.memory_space<vmem>>) dst(%dma_wait3A_744 : memref<512x32xf32, #tpu.memory_space<hbm>>)
    %dma_start3A_749 = arith.constant 14 : i32
    %dma_start3A_750 = arith.constant 0 : i32
    %dma_start3A_751 = arith.constant 0 : i32
    %dma_start3A_752 = arith.constant 0 : i32
    %dma_start3A_753 = tpu.memref_slice %arg6[%dma_start3A_750, %dma_start3A_751, %dma_start3A_752] : memref<2x512x32xf32, #tpu.memory_space<vmem>> -> memref<1x512x32xf32, #tpu.memory_space<vmem>>
    %dma_start3A_754 = tpu.memref_squeeze %dma_start3A_753 : memref<1x512x32xf32, #tpu.memory_space<vmem>> -> memref<512x32xf32, #tpu.memory_space<vmem>>
    %dma_start3A_755 = arith.constant 0 : i32
    %dma_start3A_756 = tpu.memref_slice %arg5[%dma_start3A_749, %dma_start3A_755] : memref<26x512xi32, #tpu.memory_space<vmem>> -> memref<1x512xi32, #tpu.memory_space<vmem>>
    %dma_start3A_757 = tpu.memref_squeeze %dma_start3A_756 : memref<1x512xi32, #tpu.memory_space<vmem>> -> memref<512xi32, #tpu.memory_space<vmem>>
    %dma_start3A_758 = arith.constant 0 : i32
    %dma_start3A_759 = arith.constant 0 : i32
    %dma_start3A_760 = tpu.memref_slice %arg3[%dma_start3A_758, %dma_start3A_759] : memref<1015808x32xf32, #tpu.memory_space<hbm>> -> memref<1015808x32xf32, #tpu.memory_space<hbm>>
    tpu.enqueue_indirect_dma source(%dma_start3A_760 : memref<1015808x32xf32, #tpu.memory_space<hbm>>) target(%dma_start3A_754 : memref<512x32xf32, #tpu.memory_space<vmem>>) offsets(%dma_start3A_757 : memref<512xi32, #tpu.memory_space<vmem>>) semaphore(%arg7 : memref<!tpu.dma_semaphore, #tpu.memory_space<semaphore_mem>>)
    %dma_wait3A_761 = arith.constant 14 : i32
    %dma_wait3A_762 = arith.constant 0 : i32
    %dma_wait3A_763 = arith.constant 0 : i32
    %dma_wait3A_764 = arith.constant 0 : i32
    %dma_wait3A_765 = tpu.memref_slice %arg6[%dma_wait3A_762, %dma_wait3A_763, %dma_wait3A_764] : memref<2x512x32xf32, #tpu.memory_space<vmem>> -> memref<1x512x32xf32, #tpu.memory_space<vmem>>
    %dma_wait3A_766 = tpu.memref_squeeze %dma_wait3A_765 : memref<1x512x32xf32, #tpu.memory_space<vmem>> -> memref<512x32xf32, #tpu.memory_space<vmem>>
    %dma_wait3A_767 = arith.constant 0 : i32
    %dma_wait3A_768 = tpu.memref_slice %arg5[%dma_wait3A_761, %dma_wait3A_767] : memref<26x512xi32, #tpu.memory_space<vmem>> -> memref<1x512xi32, #tpu.memory_space<vmem>>
    %dma_wait3A_769 = tpu.memref_squeeze %dma_wait3A_768 : memref<1x512xi32, #tpu.memory_space<vmem>> -> memref<512xi32, #tpu.memory_space<vmem>>
    %dma_wait3A_770 = arith.constant 0 : i32
    %dma_wait3A_771 = arith.constant 0 : i32
    %dma_wait3A_772 = tpu.memref_slice %arg3[%dma_wait3A_770, %dma_wait3A_771] : memref<1015808x32xf32, #tpu.memory_space<hbm>> -> memref<1015808x32xf32, #tpu.memory_space<hbm>>
    tpu.wait_indirect_dma semaphore(%arg7 : memref<!tpu.dma_semaphore, #tpu.memory_space<semaphore_mem>>) src(%dma_wait3A_772 : memref<1015808x32xf32, #tpu.memory_space<hbm>>) dst(%dma_wait3A_766 : memref<512x32xf32, #tpu.memory_space<vmem>>)
    %dma_start3A_773 = arith.constant 0 : i32
    %dma_start3A_774 = arith.constant 14 : i32
    %dma_start3A_775 = arith.constant 0 : i32
    %dma_start3A_776 = arith.constant 0 : i32
    %dma_start3A_777 = tpu.memref_slice %arg6[%dma_start3A_773, %dma_start3A_775, %dma_start3A_776] : memref<2x512x32xf32, #tpu.memory_space<vmem>> -> memref<1x512x32xf32, #tpu.memory_space<vmem>>
    %dma_start3A_778 = tpu.memref_squeeze %dma_start3A_777 : memref<1x512x32xf32, #tpu.memory_space<vmem>> -> memref<512x32xf32, #tpu.memory_space<vmem>>
    %dma_start3A_779 = tpu.memref_slice %arg4[%dma_start3A_774, %mul3A_13, %mul3A_36] : memref<26x4096x128xf32, #tpu.memory_space<hbm>> -> memref<1x512x32xf32, #tpu.memory_space<hbm>>
    %dma_start3A_780 = tpu.memref_squeeze %dma_start3A_779 : memref<1x512x32xf32, #tpu.memory_space<hbm>> -> memref<512x32xf32, #tpu.memory_space<hbm>>
    %dma_start3A_781 = tpu.memref_slice %arg4[%dma_start3A_774, %mul3A_13, %mul3A_36] : memref<26x4096x128xf32, #tpu.memory_space<hbm>> -> memref<1x512x32xf32, #tpu.memory_space<hbm>>
    %dma_start3A_782 = tpu.memref_squeeze %dma_start3A_781 : memref<1x512x32xf32, #tpu.memory_space<hbm>> -> memref<512x32xf32, #tpu.memory_space<hbm>>
    %dma_start3A_783 = arith.constant 0 : i32
    %dma_start3A_784 = arith.constant 0 : i32
    %dma_start3A_785 = tpu.memref_slice %arg6[%dma_start3A_773, %dma_start3A_783, %dma_start3A_784] : memref<2x512x32xf32, #tpu.memory_space<vmem>> -> memref<1x512x32xf32, #tpu.memory_space<vmem>>
    %dma_start3A_786 = tpu.memref_squeeze %dma_start3A_785 : memref<1x512x32xf32, #tpu.memory_space<vmem>> -> memref<512x32xf32, #tpu.memory_space<vmem>>
    tpu.enqueue_dma source(%dma_start3A_786 : memref<512x32xf32, #tpu.memory_space<vmem>>) target(%dma_start3A_782 : memref<512x32xf32, #tpu.memory_space<hbm>>) target_semaphore(%arg9 : memref<!tpu.dma_semaphore, #tpu.memory_space<semaphore_mem>>)
    %dma_wait3A_787 = arith.constant 1 : i32
    %dma_wait3A_788 = arith.constant 13 : i32
    %dma_wait3A_789 = arith.constant 0 : i32
    %dma_wait3A_790 = arith.constant 0 : i32
    %dma_wait3A_791 = tpu.memref_slice %arg6[%dma_wait3A_787, %dma_wait3A_789, %dma_wait3A_790] : memref<2x512x32xf32, #tpu.memory_space<vmem>> -> memref<1x512x32xf32, #tpu.memory_space<vmem>>
    %dma_wait3A_792 = tpu.memref_squeeze %dma_wait3A_791 : memref<1x512x32xf32, #tpu.memory_space<vmem>> -> memref<512x32xf32, #tpu.memory_space<vmem>>
    %dma_wait3A_793 = tpu.memref_slice %arg4[%dma_wait3A_788, %mul3A_13, %mul3A_36] : memref<26x4096x128xf32, #tpu.memory_space<hbm>> -> memref<1x512x32xf32, #tpu.memory_space<hbm>>
    %dma_wait3A_794 = tpu.memref_squeeze %dma_wait3A_793 : memref<1x512x32xf32, #tpu.memory_space<hbm>> -> memref<512x32xf32, #tpu.memory_space<hbm>>
    %dma_wait3A_795 = tpu.memref_slice %arg4[%dma_wait3A_788, %mul3A_13, %mul3A_36] : memref<26x4096x128xf32, #tpu.memory_space<hbm>> -> memref<1x512x32xf32, #tpu.memory_space<hbm>>
    %dma_wait3A_796 = tpu.memref_squeeze %dma_wait3A_795 : memref<1x512x32xf32, #tpu.memory_space<hbm>> -> memref<512x32xf32, #tpu.memory_space<hbm>>
    %dma_wait3A_797 = arith.constant 0 : i32
    %dma_wait3A_798 = arith.constant 0 : i32
    %dma_wait3A_799 = tpu.memref_slice %arg6[%dma_wait3A_787, %dma_wait3A_797, %dma_wait3A_798] : memref<2x512x32xf32, #tpu.memory_space<vmem>> -> memref<1x512x32xf32, #tpu.memory_space<vmem>>
    %dma_wait3A_800 = tpu.memref_squeeze %dma_wait3A_799 : memref<1x512x32xf32, #tpu.memory_space<vmem>> -> memref<512x32xf32, #tpu.memory_space<vmem>>
    tpu.wait_dma2 semaphore(%arg10 : memref<!tpu.dma_semaphore, #tpu.memory_space<semaphore_mem>>) src(%dma_wait3A_800 : memref<512x32xf32, #tpu.memory_space<vmem>>) dst(%dma_wait3A_796 : memref<512x32xf32, #tpu.memory_space<hbm>>)
    %dma_start3A_801 = arith.constant 15 : i32
    %dma_start3A_802 = arith.constant 1 : i32
    %dma_start3A_803 = arith.constant 0 : i32
    %dma_start3A_804 = arith.constant 0 : i32
    %dma_start3A_805 = tpu.memref_slice %arg6[%dma_start3A_802, %dma_start3A_803, %dma_start3A_804] : memref<2x512x32xf32, #tpu.memory_space<vmem>> -> memref<1x512x32xf32, #tpu.memory_space<vmem>>
    %dma_start3A_806 = tpu.memref_squeeze %dma_start3A_805 : memref<1x512x32xf32, #tpu.memory_space<vmem>> -> memref<512x32xf32, #tpu.memory_space<vmem>>
    %dma_start3A_807 = arith.constant 0 : i32
    %dma_start3A_808 = tpu.memref_slice %arg5[%dma_start3A_801, %dma_start3A_807] : memref<26x512xi32, #tpu.memory_space<vmem>> -> memref<1x512xi32, #tpu.memory_space<vmem>>
    %dma_start3A_809 = tpu.memref_squeeze %dma_start3A_808 : memref<1x512xi32, #tpu.memory_space<vmem>> -> memref<512xi32, #tpu.memory_space<vmem>>
    %dma_start3A_810 = arith.constant 0 : i32
    %dma_start3A_811 = arith.constant 0 : i32
    %dma_start3A_812 = tpu.memref_slice %arg3[%dma_start3A_810, %dma_start3A_811] : memref<1015808x32xf32, #tpu.memory_space<hbm>> -> memref<1015808x32xf32, #tpu.memory_space<hbm>>
    tpu.enqueue_indirect_dma source(%dma_start3A_812 : memref<1015808x32xf32, #tpu.memory_space<hbm>>) target(%dma_start3A_806 : memref<512x32xf32, #tpu.memory_space<vmem>>) offsets(%dma_start3A_809 : memref<512xi32, #tpu.memory_space<vmem>>) semaphore(%arg8 : memref<!tpu.dma_semaphore, #tpu.memory_space<semaphore_mem>>)
    %dma_wait3A_813 = arith.constant 15 : i32
    %dma_wait3A_814 = arith.constant 1 : i32
    %dma_wait3A_815 = arith.constant 0 : i32
    %dma_wait3A_816 = arith.constant 0 : i32
    %dma_wait3A_817 = tpu.memref_slice %arg6[%dma_wait3A_814, %dma_wait3A_815, %dma_wait3A_816] : memref<2x512x32xf32, #tpu.memory_space<vmem>> -> memref<1x512x32xf32, #tpu.memory_space<vmem>>
    %dma_wait3A_818 = tpu.memref_squeeze %dma_wait3A_817 : memref<1x512x32xf32, #tpu.memory_space<vmem>> -> memref<512x32xf32, #tpu.memory_space<vmem>>
    %dma_wait3A_819 = arith.constant 0 : i32
    %dma_wait3A_820 = tpu.memref_slice %arg5[%dma_wait3A_813, %dma_wait3A_819] : memref<26x512xi32, #tpu.memory_space<vmem>> -> memref<1x512xi32, #tpu.memory_space<vmem>>
    %dma_wait3A_821 = tpu.memref_squeeze %dma_wait3A_820 : memref<1x512xi32, #tpu.memory_space<vmem>> -> memref<512xi32, #tpu.memory_space<vmem>>
    %dma_wait3A_822 = arith.constant 0 : i32
    %dma_wait3A_823 = arith.constant 0 : i32
    %dma_wait3A_824 = tpu.memref_slice %arg3[%dma_wait3A_822, %dma_wait3A_823] : memref<1015808x32xf32, #tpu.memory_space<hbm>> -> memref<1015808x32xf32, #tpu.memory_space<hbm>>
    tpu.wait_indirect_dma semaphore(%arg8 : memref<!tpu.dma_semaphore, #tpu.memory_space<semaphore_mem>>) src(%dma_wait3A_824 : memref<1015808x32xf32, #tpu.memory_space<hbm>>) dst(%dma_wait3A_818 : memref<512x32xf32, #tpu.memory_space<vmem>>)
    %dma_start3A_825 = arith.constant 1 : i32
    %dma_start3A_826 = arith.constant 15 : i32
    %dma_start3A_827 = arith.constant 0 : i32
    %dma_start3A_828 = arith.constant 0 : i32
    %dma_start3A_829 = tpu.memref_slice %arg6[%dma_start3A_825, %dma_start3A_827, %dma_start3A_828] : memref<2x512x32xf32, #tpu.memory_space<vmem>> -> memref<1x512x32xf32, #tpu.memory_space<vmem>>
    %dma_start3A_830 = tpu.memref_squeeze %dma_start3A_829 : memref<1x512x32xf32, #tpu.memory_space<vmem>> -> memref<512x32xf32, #tpu.memory_space<vmem>>
    %dma_start3A_831 = tpu.memref_slice %arg4[%dma_start3A_826, %mul3A_13, %mul3A_36] : memref<26x4096x128xf32, #tpu.memory_space<hbm>> -> memref<1x512x32xf32, #tpu.memory_space<hbm>>
    %dma_start3A_832 = tpu.memref_squeeze %dma_start3A_831 : memref<1x512x32xf32, #tpu.memory_space<hbm>> -> memref<512x32xf32, #tpu.memory_space<hbm>>
    %dma_start3A_833 = tpu.memref_slice %arg4[%dma_start3A_826, %mul3A_13, %mul3A_36] : memref<26x4096x128xf32, #tpu.memory_space<hbm>> -> memref<1x512x32xf32, #tpu.memory_space<hbm>>
    %dma_start3A_834 = tpu.memref_squeeze %dma_start3A_833 : memref<1x512x32xf32, #tpu.memory_space<hbm>> -> memref<512x32xf32, #tpu.memory_space<hbm>>
    %dma_start3A_835 = arith.constant 0 : i32
    %dma_start3A_836 = arith.constant 0 : i32
    %dma_start3A_837 = tpu.memref_slice %arg6[%dma_start3A_825, %dma_start3A_835, %dma_start3A_836] : memref<2x512x32xf32, #tpu.memory_space<vmem>> -> memref<1x512x32xf32, #tpu.memory_space<vmem>>
    %dma_start3A_838 = tpu.memref_squeeze %dma_start3A_837 : memref<1x512x32xf32, #tpu.memory_space<vmem>> -> memref<512x32xf32, #tpu.memory_space<vmem>>
    tpu.enqueue_dma source(%dma_start3A_838 : memref<512x32xf32, #tpu.memory_space<vmem>>) target(%dma_start3A_834 : memref<512x32xf32, #tpu.memory_space<hbm>>) target_semaphore(%arg10 : memref<!tpu.dma_semaphore, #tpu.memory_space<semaphore_mem>>)
    %dma_wait3A_839 = arith.constant 0 : i32
    %dma_wait3A_840 = arith.constant 14 : i32
    %dma_wait3A_841 = arith.constant 0 : i32
    %dma_wait3A_842 = arith.constant 0 : i32
    %dma_wait3A_843 = tpu.memref_slice %arg6[%dma_wait3A_839, %dma_wait3A_841, %dma_wait3A_842] : memref<2x512x32xf32, #tpu.memory_space<vmem>> -> memref<1x512x32xf32, #tpu.memory_space<vmem>>
    %dma_wait3A_844 = tpu.memref_squeeze %dma_wait3A_843 : memref<1x512x32xf32, #tpu.memory_space<vmem>> -> memref<512x32xf32, #tpu.memory_space<vmem>>
    %dma_wait3A_845 = tpu.memref_slice %arg4[%dma_wait3A_840, %mul3A_13, %mul3A_36] : memref<26x4096x128xf32, #tpu.memory_space<hbm>> -> memref<1x512x32xf32, #tpu.memory_space<hbm>>
    %dma_wait3A_846 = tpu.memref_squeeze %dma_wait3A_845 : memref<1x512x32xf32, #tpu.memory_space<hbm>> -> memref<512x32xf32, #tpu.memory_space<hbm>>
    %dma_wait3A_847 = tpu.memref_slice %arg4[%dma_wait3A_840, %mul3A_13, %mul3A_36] : memref<26x4096x128xf32, #tpu.memory_space<hbm>> -> memref<1x512x32xf32, #tpu.memory_space<hbm>>
    %dma_wait3A_848 = tpu.memref_squeeze %dma_wait3A_847 : memref<1x512x32xf32, #tpu.memory_space<hbm>> -> memref<512x32xf32, #tpu.memory_space<hbm>>
    %dma_wait3A_849 = arith.constant 0 : i32
    %dma_wait3A_850 = arith.constant 0 : i32
    %dma_wait3A_851 = tpu.memref_slice %arg6[%dma_wait3A_839, %dma_wait3A_849, %dma_wait3A_850] : memref<2x512x32xf32, #tpu.memory_space<vmem>> -> memref<1x512x32xf32, #tpu.memory_space<vmem>>
    %dma_wait3A_852 = tpu.memref_squeeze %dma_wait3A_851 : memref<1x512x32xf32, #tpu.memory_space<vmem>> -> memref<512x32xf32, #tpu.memory_space<vmem>>
    tpu.wait_dma2 semaphore(%arg9 : memref<!tpu.dma_semaphore, #tpu.memory_space<semaphore_mem>>) src(%dma_wait3A_852 : memref<512x32xf32, #tpu.memory_space<vmem>>) dst(%dma_wait3A_848 : memref<512x32xf32, #tpu.memory_space<hbm>>)
    %dma_start3A_853 = arith.constant 16 : i32
    %dma_start3A_854 = arith.constant 0 : i32
    %dma_start3A_855 = arith.constant 0 : i32
    %dma_start3A_856 = arith.constant 0 : i32
    %dma_start3A_857 = tpu.memref_slice %arg6[%dma_start3A_854, %dma_start3A_855, %dma_start3A_856] : memref<2x512x32xf32, #tpu.memory_space<vmem>> -> memref<1x512x32xf32, #tpu.memory_space<vmem>>
    %dma_start3A_858 = tpu.memref_squeeze %dma_start3A_857 : memref<1x512x32xf32, #tpu.memory_space<vmem>> -> memref<512x32xf32, #tpu.memory_space<vmem>>
    %dma_start3A_859 = arith.constant 0 : i32
    %dma_start3A_860 = tpu.memref_slice %arg5[%dma_start3A_853, %dma_start3A_859] : memref<26x512xi32, #tpu.memory_space<vmem>> -> memref<1x512xi32, #tpu.memory_space<vmem>>
    %dma_start3A_861 = tpu.memref_squeeze %dma_start3A_860 : memref<1x512xi32, #tpu.memory_space<vmem>> -> memref<512xi32, #tpu.memory_space<vmem>>
    %dma_start3A_862 = arith.constant 0 : i32
    %dma_start3A_863 = arith.constant 0 : i32
    %dma_start3A_864 = tpu.memref_slice %arg3[%dma_start3A_862, %dma_start3A_863] : memref<1015808x32xf32, #tpu.memory_space<hbm>> -> memref<1015808x32xf32, #tpu.memory_space<hbm>>
    tpu.enqueue_indirect_dma source(%dma_start3A_864 : memref<1015808x32xf32, #tpu.memory_space<hbm>>) target(%dma_start3A_858 : memref<512x32xf32, #tpu.memory_space<vmem>>) offsets(%dma_start3A_861 : memref<512xi32, #tpu.memory_space<vmem>>) semaphore(%arg7 : memref<!tpu.dma_semaphore, #tpu.memory_space<semaphore_mem>>)
    %dma_wait3A_865 = arith.constant 16 : i32
    %dma_wait3A_866 = arith.constant 0 : i32
    %dma_wait3A_867 = arith.constant 0 : i32
    %dma_wait3A_868 = arith.constant 0 : i32
    %dma_wait3A_869 = tpu.memref_slice %arg6[%dma_wait3A_866, %dma_wait3A_867, %dma_wait3A_868] : memref<2x512x32xf32, #tpu.memory_space<vmem>> -> memref<1x512x32xf32, #tpu.memory_space<vmem>>
    %dma_wait3A_870 = tpu.memref_squeeze %dma_wait3A_869 : memref<1x512x32xf32, #tpu.memory_space<vmem>> -> memref<512x32xf32, #tpu.memory_space<vmem>>
    %dma_wait3A_871 = arith.constant 0 : i32
    %dma_wait3A_872 = tpu.memref_slice %arg5[%dma_wait3A_865, %dma_wait3A_871] : memref<26x512xi32, #tpu.memory_space<vmem>> -> memref<1x512xi32, #tpu.memory_space<vmem>>
    %dma_wait3A_873 = tpu.memref_squeeze %dma_wait3A_872 : memref<1x512xi32, #tpu.memory_space<vmem>> -> memref<512xi32, #tpu.memory_space<vmem>>
    %dma_wait3A_874 = arith.constant 0 : i32
    %dma_wait3A_875 = arith.constant 0 : i32
    %dma_wait3A_876 = tpu.memref_slice %arg3[%dma_wait3A_874, %dma_wait3A_875] : memref<1015808x32xf32, #tpu.memory_space<hbm>> -> memref<1015808x32xf32, #tpu.memory_space<hbm>>
    tpu.wait_indirect_dma semaphore(%arg7 : memref<!tpu.dma_semaphore, #tpu.memory_space<semaphore_mem>>) src(%dma_wait3A_876 : memref<1015808x32xf32, #tpu.memory_space<hbm>>) dst(%dma_wait3A_870 : memref<512x32xf32, #tpu.memory_space<vmem>>)
    %dma_start3A_877 = arith.constant 0 : i32
    %dma_start3A_878 = arith.constant 16 : i32
    %dma_start3A_879 = arith.constant 0 : i32
    %dma_start3A_880 = arith.constant 0 : i32
    %dma_start3A_881 = tpu.memref_slice %arg6[%dma_start3A_877, %dma_start3A_879, %dma_start3A_880] : memref<2x512x32xf32, #tpu.memory_space<vmem>> -> memref<1x512x32xf32, #tpu.memory_space<vmem>>
    %dma_start3A_882 = tpu.memref_squeeze %dma_start3A_881 : memref<1x512x32xf32, #tpu.memory_space<vmem>> -> memref<512x32xf32, #tpu.memory_space<vmem>>
    %dma_start3A_883 = tpu.memref_slice %arg4[%dma_start3A_878, %mul3A_13, %mul3A_36] : memref<26x4096x128xf32, #tpu.memory_space<hbm>> -> memref<1x512x32xf32, #tpu.memory_space<hbm>>
    %dma_start3A_884 = tpu.memref_squeeze %dma_start3A_883 : memref<1x512x32xf32, #tpu.memory_space<hbm>> -> memref<512x32xf32, #tpu.memory_space<hbm>>
    %dma_start3A_885 = tpu.memref_slice %arg4[%dma_start3A_878, %mul3A_13, %mul3A_36] : memref<26x4096x128xf32, #tpu.memory_space<hbm>> -> memref<1x512x32xf32, #tpu.memory_space<hbm>>
    %dma_start3A_886 = tpu.memref_squeeze %dma_start3A_885 : memref<1x512x32xf32, #tpu.memory_space<hbm>> -> memref<512x32xf32, #tpu.memory_space<hbm>>
    %dma_start3A_887 = arith.constant 0 : i32
    %dma_start3A_888 = arith.constant 0 : i32
    %dma_start3A_889 = tpu.memref_slice %arg6[%dma_start3A_877, %dma_start3A_887, %dma_start3A_888] : memref<2x512x32xf32, #tpu.memory_space<vmem>> -> memref<1x512x32xf32, #tpu.memory_space<vmem>>
    %dma_start3A_890 = tpu.memref_squeeze %dma_start3A_889 : memref<1x512x32xf32, #tpu.memory_space<vmem>> -> memref<512x32xf32, #tpu.memory_space<vmem>>
    tpu.enqueue_dma source(%dma_start3A_890 : memref<512x32xf32, #tpu.memory_space<vmem>>) target(%dma_start3A_886 : memref<512x32xf32, #tpu.memory_space<hbm>>) target_semaphore(%arg9 : memref<!tpu.dma_semaphore, #tpu.memory_space<semaphore_mem>>)
    %dma_wait3A_891 = arith.constant 1 : i32
    %dma_wait3A_892 = arith.constant 15 : i32
    %dma_wait3A_893 = arith.constant 0 : i32
    %dma_wait3A_894 = arith.constant 0 : i32
    %dma_wait3A_895 = tpu.memref_slice %arg6[%dma_wait3A_891, %dma_wait3A_893, %dma_wait3A_894] : memref<2x512x32xf32, #tpu.memory_space<vmem>> -> memref<1x512x32xf32, #tpu.memory_space<vmem>>
    %dma_wait3A_896 = tpu.memref_squeeze %dma_wait3A_895 : memref<1x512x32xf32, #tpu.memory_space<vmem>> -> memref<512x32xf32, #tpu.memory_space<vmem>>
    %dma_wait3A_897 = tpu.memref_slice %arg4[%dma_wait3A_892, %mul3A_13, %mul3A_36] : memref<26x4096x128xf32, #tpu.memory_space<hbm>> -> memref<1x512x32xf32, #tpu.memory_space<hbm>>
    %dma_wait3A_898 = tpu.memref_squeeze %dma_wait3A_897 : memref<1x512x32xf32, #tpu.memory_space<hbm>> -> memref<512x32xf32, #tpu.memory_space<hbm>>
    %dma_wait3A_899 = tpu.memref_slice %arg4[%dma_wait3A_892, %mul3A_13, %mul3A_36] : memref<26x4096x128xf32, #tpu.memory_space<hbm>> -> memref<1x512x32xf32, #tpu.memory_space<hbm>>
    %dma_wait3A_900 = tpu.memref_squeeze %dma_wait3A_899 : memref<1x512x32xf32, #tpu.memory_space<hbm>> -> memref<512x32xf32, #tpu.memory_space<hbm>>
    %dma_wait3A_901 = arith.constant 0 : i32
    %dma_wait3A_902 = arith.constant 0 : i32
    %dma_wait3A_903 = tpu.memref_slice %arg6[%dma_wait3A_891, %dma_wait3A_901, %dma_wait3A_902] : memref<2x512x32xf32, #tpu.memory_space<vmem>> -> memref<1x512x32xf32, #tpu.memory_space<vmem>>
    %dma_wait3A_904 = tpu.memref_squeeze %dma_wait3A_903 : memref<1x512x32xf32, #tpu.memory_space<vmem>> -> memref<512x32xf32, #tpu.memory_space<vmem>>
    tpu.wait_dma2 semaphore(%arg10 : memref<!tpu.dma_semaphore, #tpu.memory_space<semaphore_mem>>) src(%dma_wait3A_904 : memref<512x32xf32, #tpu.memory_space<vmem>>) dst(%dma_wait3A_900 : memref<512x32xf32, #tpu.memory_space<hbm>>)
    %dma_start3A_905 = arith.constant 17 : i32
    %dma_start3A_906 = arith.constant 1 : i32
    %dma_start3A_907 = arith.constant 0 : i32
    %dma_start3A_908 = arith.constant 0 : i32
    %dma_start3A_909 = tpu.memref_slice %arg6[%dma_start3A_906, %dma_start3A_907, %dma_start3A_908] : memref<2x512x32xf32, #tpu.memory_space<vmem>> -> memref<1x512x32xf32, #tpu.memory_space<vmem>>
    %dma_start3A_910 = tpu.memref_squeeze %dma_start3A_909 : memref<1x512x32xf32, #tpu.memory_space<vmem>> -> memref<512x32xf32, #tpu.memory_space<vmem>>
    %dma_start3A_911 = arith.constant 0 : i32
    %dma_start3A_912 = tpu.memref_slice %arg5[%dma_start3A_905, %dma_start3A_911] : memref<26x512xi32, #tpu.memory_space<vmem>> -> memref<1x512xi32, #tpu.memory_space<vmem>>
    %dma_start3A_913 = tpu.memref_squeeze %dma_start3A_912 : memref<1x512xi32, #tpu.memory_space<vmem>> -> memref<512xi32, #tpu.memory_space<vmem>>
    %dma_start3A_914 = arith.constant 0 : i32
    %dma_start3A_915 = arith.constant 0 : i32
    %dma_start3A_916 = tpu.memref_slice %arg3[%dma_start3A_914, %dma_start3A_915] : memref<1015808x32xf32, #tpu.memory_space<hbm>> -> memref<1015808x32xf32, #tpu.memory_space<hbm>>
    tpu.enqueue_indirect_dma source(%dma_start3A_916 : memref<1015808x32xf32, #tpu.memory_space<hbm>>) target(%dma_start3A_910 : memref<512x32xf32, #tpu.memory_space<vmem>>) offsets(%dma_start3A_913 : memref<512xi32, #tpu.memory_space<vmem>>) semaphore(%arg8 : memref<!tpu.dma_semaphore, #tpu.memory_space<semaphore_mem>>)
    %dma_wait3A_917 = arith.constant 17 : i32
    %dma_wait3A_918 = arith.constant 1 : i32
    %dma_wait3A_919 = arith.constant 0 : i32
    %dma_wait3A_920 = arith.constant 0 : i32
    %dma_wait3A_921 = tpu.memref_slice %arg6[%dma_wait3A_918, %dma_wait3A_919, %dma_wait3A_920] : memref<2x512x32xf32, #tpu.memory_space<vmem>> -> memref<1x512x32xf32, #tpu.memory_space<vmem>>
    %dma_wait3A_922 = tpu.memref_squeeze %dma_wait3A_921 : memref<1x512x32xf32, #tpu.memory_space<vmem>> -> memref<512x32xf32, #tpu.memory_space<vmem>>
    %dma_wait3A_923 = arith.constant 0 : i32
    %dma_wait3A_924 = tpu.memref_slice %arg5[%dma_wait3A_917, %dma_wait3A_923] : memref<26x512xi32, #tpu.memory_space<vmem>> -> memref<1x512xi32, #tpu.memory_space<vmem>>
    %dma_wait3A_925 = tpu.memref_squeeze %dma_wait3A_924 : memref<1x512xi32, #tpu.memory_space<vmem>> -> memref<512xi32, #tpu.memory_space<vmem>>
    %dma_wait3A_926 = arith.constant 0 : i32
    %dma_wait3A_927 = arith.constant 0 : i32
    %dma_wait3A_928 = tpu.memref_slice %arg3[%dma_wait3A_926, %dma_wait3A_927] : memref<1015808x32xf32, #tpu.memory_space<hbm>> -> memref<1015808x32xf32, #tpu.memory_space<hbm>>
    tpu.wait_indirect_dma semaphore(%arg8 : memref<!tpu.dma_semaphore, #tpu.memory_space<semaphore_mem>>) src(%dma_wait3A_928 : memref<1015808x32xf32, #tpu.memory_space<hbm>>) dst(%dma_wait3A_922 : memref<512x32xf32, #tpu.memory_space<vmem>>)
    %dma_start3A_929 = arith.constant 1 : i32
    %dma_start3A_930 = arith.constant 17 : i32
    %dma_start3A_931 = arith.constant 0 : i32
    %dma_start3A_932 = arith.constant 0 : i32
    %dma_start3A_933 = tpu.memref_slice %arg6[%dma_start3A_929, %dma_start3A_931, %dma_start3A_932] : memref<2x512x32xf32, #tpu.memory_space<vmem>> -> memref<1x512x32xf32, #tpu.memory_space<vmem>>
    %dma_start3A_934 = tpu.memref_squeeze %dma_start3A_933 : memref<1x512x32xf32, #tpu.memory_space<vmem>> -> memref<512x32xf32, #tpu.memory_space<vmem>>
    %dma_start3A_935 = tpu.memref_slice %arg4[%dma_start3A_930, %mul3A_13, %mul3A_36] : memref<26x4096x128xf32, #tpu.memory_space<hbm>> -> memref<1x512x32xf32, #tpu.memory_space<hbm>>
    %dma_start3A_936 = tpu.memref_squeeze %dma_start3A_935 : memref<1x512x32xf32, #tpu.memory_space<hbm>> -> memref<512x32xf32, #tpu.memory_space<hbm>>
    %dma_start3A_937 = tpu.memref_slice %arg4[%dma_start3A_930, %mul3A_13, %mul3A_36] : memref<26x4096x128xf32, #tpu.memory_space<hbm>> -> memref<1x512x32xf32, #tpu.memory_space<hbm>>
    %dma_start3A_938 = tpu.memref_squeeze %dma_start3A_937 : memref<1x512x32xf32, #tpu.memory_space<hbm>> -> memref<512x32xf32, #tpu.memory_space<hbm>>
    %dma_start3A_939 = arith.constant 0 : i32
    %dma_start3A_940 = arith.constant 0 : i32
    %dma_start3A_941 = tpu.memref_slice %arg6[%dma_start3A_929, %dma_start3A_939, %dma_start3A_940] : memref<2x512x32xf32, #tpu.memory_space<vmem>> -> memref<1x512x32xf32, #tpu.memory_space<vmem>>
    %dma_start3A_942 = tpu.memref_squeeze %dma_start3A_941 : memref<1x512x32xf32, #tpu.memory_space<vmem>> -> memref<512x32xf32, #tpu.memory_space<vmem>>
    tpu.enqueue_dma source(%dma_start3A_942 : memref<512x32xf32, #tpu.memory_space<vmem>>) target(%dma_start3A_938 : memref<512x32xf32, #tpu.memory_space<hbm>>) target_semaphore(%arg10 : memref<!tpu.dma_semaphore, #tpu.memory_space<semaphore_mem>>)
    %dma_wait3A_943 = arith.constant 0 : i32
    %dma_wait3A_944 = arith.constant 16 : i32
    %dma_wait3A_945 = arith.constant 0 : i32
    %dma_wait3A_946 = arith.constant 0 : i32
    %dma_wait3A_947 = tpu.memref_slice %arg6[%dma_wait3A_943, %dma_wait3A_945, %dma_wait3A_946] : memref<2x512x32xf32, #tpu.memory_space<vmem>> -> memref<1x512x32xf32, #tpu.memory_space<vmem>>
    %dma_wait3A_948 = tpu.memref_squeeze %dma_wait3A_947 : memref<1x512x32xf32, #tpu.memory_space<vmem>> -> memref<512x32xf32, #tpu.memory_space<vmem>>
    %dma_wait3A_949 = tpu.memref_slice %arg4[%dma_wait3A_944, %mul3A_13, %mul3A_36] : memref<26x4096x128xf32, #tpu.memory_space<hbm>> -> memref<1x512x32xf32, #tpu.memory_space<hbm>>
    %dma_wait3A_950 = tpu.memref_squeeze %dma_wait3A_949 : memref<1x512x32xf32, #tpu.memory_space<hbm>> -> memref<512x32xf32, #tpu.memory_space<hbm>>
    %dma_wait3A_951 = tpu.memref_slice %arg4[%dma_wait3A_944, %mul3A_13, %mul3A_36] : memref<26x4096x128xf32, #tpu.memory_space<hbm>> -> memref<1x512x32xf32, #tpu.memory_space<hbm>>
    %dma_wait3A_952 = tpu.memref_squeeze %dma_wait3A_951 : memref<1x512x32xf32, #tpu.memory_space<hbm>> -> memref<512x32xf32, #tpu.memory_space<hbm>>
    %dma_wait3A_953 = arith.constant 0 : i32
    %dma_wait3A_954 = arith.constant 0 : i32
    %dma_wait3A_955 = tpu.memref_slice %arg6[%dma_wait3A_943, %dma_wait3A_953, %dma_wait3A_954] : memref<2x512x32xf32, #tpu.memory_space<vmem>> -> memref<1x512x32xf32, #tpu.memory_space<vmem>>
    %dma_wait3A_956 = tpu.memref_squeeze %dma_wait3A_955 : memref<1x512x32xf32, #tpu.memory_space<vmem>> -> memref<512x32xf32, #tpu.memory_space<vmem>>
    tpu.wait_dma2 semaphore(%arg9 : memref<!tpu.dma_semaphore, #tpu.memory_space<semaphore_mem>>) src(%dma_wait3A_956 : memref<512x32xf32, #tpu.memory_space<vmem>>) dst(%dma_wait3A_952 : memref<512x32xf32, #tpu.memory_space<hbm>>)
    %dma_start3A_957 = arith.constant 18 : i32
    %dma_start3A_958 = arith.constant 0 : i32
    %dma_start3A_959 = arith.constant 0 : i32
    %dma_start3A_960 = arith.constant 0 : i32
    %dma_start3A_961 = tpu.memref_slice %arg6[%dma_start3A_958, %dma_start3A_959, %dma_start3A_960] : memref<2x512x32xf32, #tpu.memory_space<vmem>> -> memref<1x512x32xf32, #tpu.memory_space<vmem>>
    %dma_start3A_962 = tpu.memref_squeeze %dma_start3A_961 : memref<1x512x32xf32, #tpu.memory_space<vmem>> -> memref<512x32xf32, #tpu.memory_space<vmem>>
    %dma_start3A_963 = arith.constant 0 : i32
    %dma_start3A_964 = tpu.memref_slice %arg5[%dma_start3A_957, %dma_start3A_963] : memref<26x512xi32, #tpu.memory_space<vmem>> -> memref<1x512xi32, #tpu.memory_space<vmem>>
    %dma_start3A_965 = tpu.memref_squeeze %dma_start3A_964 : memref<1x512xi32, #tpu.memory_space<vmem>> -> memref<512xi32, #tpu.memory_space<vmem>>
    %dma_start3A_966 = arith.constant 0 : i32
    %dma_start3A_967 = arith.constant 0 : i32
    %dma_start3A_968 = tpu.memref_slice %arg3[%dma_start3A_966, %dma_start3A_967] : memref<1015808x32xf32, #tpu.memory_space<hbm>> -> memref<1015808x32xf32, #tpu.memory_space<hbm>>
    tpu.enqueue_indirect_dma source(%dma_start3A_968 : memref<1015808x32xf32, #tpu.memory_space<hbm>>) target(%dma_start3A_962 : memref<512x32xf32, #tpu.memory_space<vmem>>) offsets(%dma_start3A_965 : memref<512xi32, #tpu.memory_space<vmem>>) semaphore(%arg7 : memref<!tpu.dma_semaphore, #tpu.memory_space<semaphore_mem>>)
    %dma_wait3A_969 = arith.constant 18 : i32
    %dma_wait3A_970 = arith.constant 0 : i32
    %dma_wait3A_971 = arith.constant 0 : i32
    %dma_wait3A_972 = arith.constant 0 : i32
    %dma_wait3A_973 = tpu.memref_slice %arg6[%dma_wait3A_970, %dma_wait3A_971, %dma_wait3A_972] : memref<2x512x32xf32, #tpu.memory_space<vmem>> -> memref<1x512x32xf32, #tpu.memory_space<vmem>>
    %dma_wait3A_974 = tpu.memref_squeeze %dma_wait3A_973 : memref<1x512x32xf32, #tpu.memory_space<vmem>> -> memref<512x32xf32, #tpu.memory_space<vmem>>
    %dma_wait3A_975 = arith.constant 0 : i32
    %dma_wait3A_976 = tpu.memref_slice %arg5[%dma_wait3A_969, %dma_wait3A_975] : memref<26x512xi32, #tpu.memory_space<vmem>> -> memref<1x512xi32, #tpu.memory_space<vmem>>
    %dma_wait3A_977 = tpu.memref_squeeze %dma_wait3A_976 : memref<1x512xi32, #tpu.memory_space<vmem>> -> memref<512xi32, #tpu.memory_space<vmem>>
    %dma_wait3A_978 = arith.constant 0 : i32
    %dma_wait3A_979 = arith.constant 0 : i32
    %dma_wait3A_980 = tpu.memref_slice %arg3[%dma_wait3A_978, %dma_wait3A_979] : memref<1015808x32xf32, #tpu.memory_space<hbm>> -> memref<1015808x32xf32, #tpu.memory_space<hbm>>
    tpu.wait_indirect_dma semaphore(%arg7 : memref<!tpu.dma_semaphore, #tpu.memory_space<semaphore_mem>>) src(%dma_wait3A_980 : memref<1015808x32xf32, #tpu.memory_space<hbm>>) dst(%dma_wait3A_974 : memref<512x32xf32, #tpu.memory_space<vmem>>)
    %dma_start3A_981 = arith.constant 0 : i32
    %dma_start3A_982 = arith.constant 18 : i32
    %dma_start3A_983 = arith.constant 0 : i32
    %dma_start3A_984 = arith.constant 0 : i32
    %dma_start3A_985 = tpu.memref_slice %arg6[%dma_start3A_981, %dma_start3A_983, %dma_start3A_984] : memref<2x512x32xf32, #tpu.memory_space<vmem>> -> memref<1x512x32xf32, #tpu.memory_space<vmem>>
    %dma_start3A_986 = tpu.memref_squeeze %dma_start3A_985 : memref<1x512x32xf32, #tpu.memory_space<vmem>> -> memref<512x32xf32, #tpu.memory_space<vmem>>
    %dma_start3A_987 = tpu.memref_slice %arg4[%dma_start3A_982, %mul3A_13, %mul3A_36] : memref<26x4096x128xf32, #tpu.memory_space<hbm>> -> memref<1x512x32xf32, #tpu.memory_space<hbm>>
    %dma_start3A_988 = tpu.memref_squeeze %dma_start3A_987 : memref<1x512x32xf32, #tpu.memory_space<hbm>> -> memref<512x32xf32, #tpu.memory_space<hbm>>
    %dma_start3A_989 = tpu.memref_slice %arg4[%dma_start3A_982, %mul3A_13, %mul3A_36] : memref<26x4096x128xf32, #tpu.memory_space<hbm>> -> memref<1x512x32xf32, #tpu.memory_space<hbm>>
    %dma_start3A_990 = tpu.memref_squeeze %dma_start3A_989 : memref<1x512x32xf32, #tpu.memory_space<hbm>> -> memref<512x32xf32, #tpu.memory_space<hbm>>
    %dma_start3A_991 = arith.constant 0 : i32
    %dma_start3A_992 = arith.constant 0 : i32
    %dma_start3A_993 = tpu.memref_slice %arg6[%dma_start3A_981, %dma_start3A_991, %dma_start3A_992] : memref<2x512x32xf32, #tpu.memory_space<vmem>> -> memref<1x512x32xf32, #tpu.memory_space<vmem>>
    %dma_start3A_994 = tpu.memref_squeeze %dma_start3A_993 : memref<1x512x32xf32, #tpu.memory_space<vmem>> -> memref<512x32xf32, #tpu.memory_space<vmem>>
    tpu.enqueue_dma source(%dma_start3A_994 : memref<512x32xf32, #tpu.memory_space<vmem>>) target(%dma_start3A_990 : memref<512x32xf32, #tpu.memory_space<hbm>>) target_semaphore(%arg9 : memref<!tpu.dma_semaphore, #tpu.memory_space<semaphore_mem>>)
    %dma_wait3A_995 = arith.constant 1 : i32
    %dma_wait3A_996 = arith.constant 17 : i32
    %dma_wait3A_997 = arith.constant 0 : i32
    %dma_wait3A_998 = arith.constant 0 : i32
    %dma_wait3A_999 = tpu.memref_slice %arg6[%dma_wait3A_995, %dma_wait3A_997, %dma_wait3A_998] : memref<2x512x32xf32, #tpu.memory_space<vmem>> -> memref<1x512x32xf32, #tpu.memory_space<vmem>>
    %dma_wait3A_1000 = tpu.memref_squeeze %dma_wait3A_999 : memref<1x512x32xf32, #tpu.memory_space<vmem>> -> memref<512x32xf32, #tpu.memory_space<vmem>>
    %dma_wait3A_1001 = tpu.memref_slice %arg4[%dma_wait3A_996, %mul3A_13, %mul3A_36] : memref<26x4096x128xf32, #tpu.memory_space<hbm>> -> memref<1x512x32xf32, #tpu.memory_space<hbm>>
    %dma_wait3A_1002 = tpu.memref_squeeze %dma_wait3A_1001 : memref<1x512x32xf32, #tpu.memory_space<hbm>> -> memref<512x32xf32, #tpu.memory_space<hbm>>
    %dma_wait3A_1003 = tpu.memref_slice %arg4[%dma_wait3A_996, %mul3A_13, %mul3A_36] : memref<26x4096x128xf32, #tpu.memory_space<hbm>> -> memref<1x512x32xf32, #tpu.memory_space<hbm>>
    %dma_wait3A_1004 = tpu.memref_squeeze %dma_wait3A_1003 : memref<1x512x32xf32, #tpu.memory_space<hbm>> -> memref<512x32xf32, #tpu.memory_space<hbm>>
    %dma_wait3A_1005 = arith.constant 0 : i32
    %dma_wait3A_1006 = arith.constant 0 : i32
    %dma_wait3A_1007 = tpu.memref_slice %arg6[%dma_wait3A_995, %dma_wait3A_1005, %dma_wait3A_1006] : memref<2x512x32xf32, #tpu.memory_space<vmem>> -> memref<1x512x32xf32, #tpu.memory_space<vmem>>
    %dma_wait3A_1008 = tpu.memref_squeeze %dma_wait3A_1007 : memref<1x512x32xf32, #tpu.memory_space<vmem>> -> memref<512x32xf32, #tpu.memory_space<vmem>>
    tpu.wait_dma2 semaphore(%arg10 : memref<!tpu.dma_semaphore, #tpu.memory_space<semaphore_mem>>) src(%dma_wait3A_1008 : memref<512x32xf32, #tpu.memory_space<vmem>>) dst(%dma_wait3A_1004 : memref<512x32xf32, #tpu.memory_space<hbm>>)
    %dma_start3A_1009 = arith.constant 19 : i32
    %dma_start3A_1010 = arith.constant 1 : i32
    %dma_start3A_1011 = arith.constant 0 : i32
    %dma_start3A_1012 = arith.constant 0 : i32
    %dma_start3A_1013 = tpu.memref_slice %arg6[%dma_start3A_1010, %dma_start3A_1011, %dma_start3A_1012] : memref<2x512x32xf32, #tpu.memory_space<vmem>> -> memref<1x512x32xf32, #tpu.memory_space<vmem>>
    %dma_start3A_1014 = tpu.memref_squeeze %dma_start3A_1013 : memref<1x512x32xf32, #tpu.memory_space<vmem>> -> memref<512x32xf32, #tpu.memory_space<vmem>>
    %dma_start3A_1015 = arith.constant 0 : i32
    %dma_start3A_1016 = tpu.memref_slice %arg5[%dma_start3A_1009, %dma_start3A_1015] : memref<26x512xi32, #tpu.memory_space<vmem>> -> memref<1x512xi32, #tpu.memory_space<vmem>>
    %dma_start3A_1017 = tpu.memref_squeeze %dma_start3A_1016 : memref<1x512xi32, #tpu.memory_space<vmem>> -> memref<512xi32, #tpu.memory_space<vmem>>
    %dma_start3A_1018 = arith.constant 0 : i32
    %dma_start3A_1019 = arith.constant 0 : i32
    %dma_start3A_1020 = tpu.memref_slice %arg3[%dma_start3A_1018, %dma_start3A_1019] : memref<1015808x32xf32, #tpu.memory_space<hbm>> -> memref<1015808x32xf32, #tpu.memory_space<hbm>>
    tpu.enqueue_indirect_dma source(%dma_start3A_1020 : memref<1015808x32xf32, #tpu.memory_space<hbm>>) target(%dma_start3A_1014 : memref<512x32xf32, #tpu.memory_space<vmem>>) offsets(%dma_start3A_1017 : memref<512xi32, #tpu.memory_space<vmem>>) semaphore(%arg8 : memref<!tpu.dma_semaphore, #tpu.memory_space<semaphore_mem>>)
    %dma_wait3A_1021 = arith.constant 19 : i32
    %dma_wait3A_1022 = arith.constant 1 : i32
    %dma_wait3A_1023 = arith.constant 0 : i32
    %dma_wait3A_1024 = arith.constant 0 : i32
    %dma_wait3A_1025 = tpu.memref_slice %arg6[%dma_wait3A_1022, %dma_wait3A_1023, %dma_wait3A_1024] : memref<2x512x32xf32, #tpu.memory_space<vmem>> -> memref<1x512x32xf32, #tpu.memory_space<vmem>>
    %dma_wait3A_1026 = tpu.memref_squeeze %dma_wait3A_1025 : memref<1x512x32xf32, #tpu.memory_space<vmem>> -> memref<512x32xf32, #tpu.memory_space<vmem>>
    %dma_wait3A_1027 = arith.constant 0 : i32
    %dma_wait3A_1028 = tpu.memref_slice %arg5[%dma_wait3A_1021, %dma_wait3A_1027] : memref<26x512xi32, #tpu.memory_space<vmem>> -> memref<1x512xi32, #tpu.memory_space<vmem>>
    %dma_wait3A_1029 = tpu.memref_squeeze %dma_wait3A_1028 : memref<1x512xi32, #tpu.memory_space<vmem>> -> memref<512xi32, #tpu.memory_space<vmem>>
    %dma_wait3A_1030 = arith.constant 0 : i32
    %dma_wait3A_1031 = arith.constant 0 : i32
    %dma_wait3A_1032 = tpu.memref_slice %arg3[%dma_wait3A_1030, %dma_wait3A_1031] : memref<1015808x32xf32, #tpu.memory_space<hbm>> -> memref<1015808x32xf32, #tpu.memory_space<hbm>>
    tpu.wait_indirect_dma semaphore(%arg8 : memref<!tpu.dma_semaphore, #tpu.memory_space<semaphore_mem>>) src(%dma_wait3A_1032 : memref<1015808x32xf32, #tpu.memory_space<hbm>>) dst(%dma_wait3A_1026 : memref<512x32xf32, #tpu.memory_space<vmem>>)
    %dma_start3A_1033 = arith.constant 1 : i32
    %dma_start3A_1034 = arith.constant 19 : i32
    %dma_start3A_1035 = arith.constant 0 : i32
    %dma_start3A_1036 = arith.constant 0 : i32
    %dma_start3A_1037 = tpu.memref_slice %arg6[%dma_start3A_1033, %dma_start3A_1035, %dma_start3A_1036] : memref<2x512x32xf32, #tpu.memory_space<vmem>> -> memref<1x512x32xf32, #tpu.memory_space<vmem>>
    %dma_start3A_1038 = tpu.memref_squeeze %dma_start3A_1037 : memref<1x512x32xf32, #tpu.memory_space<vmem>> -> memref<512x32xf32, #tpu.memory_space<vmem>>
    %dma_start3A_1039 = tpu.memref_slice %arg4[%dma_start3A_1034, %mul3A_13, %mul3A_36] : memref<26x4096x128xf32, #tpu.memory_space<hbm>> -> memref<1x512x32xf32, #tpu.memory_space<hbm>>
    %dma_start3A_1040 = tpu.memref_squeeze %dma_start3A_1039 : memref<1x512x32xf32, #tpu.memory_space<hbm>> -> memref<512x32xf32, #tpu.memory_space<hbm>>
    %dma_start3A_1041 = tpu.memref_slice %arg4[%dma_start3A_1034, %mul3A_13, %mul3A_36] : memref<26x4096x128xf32, #tpu.memory_space<hbm>> -> memref<1x512x32xf32, #tpu.memory_space<hbm>>
    %dma_start3A_1042 = tpu.memref_squeeze %dma_start3A_1041 : memref<1x512x32xf32, #tpu.memory_space<hbm>> -> memref<512x32xf32, #tpu.memory_space<hbm>>
    %dma_start3A_1043 = arith.constant 0 : i32
    %dma_start3A_1044 = arith.constant 0 : i32
    %dma_start3A_1045 = tpu.memref_slice %arg6[%dma_start3A_1033, %dma_start3A_1043, %dma_start3A_1044] : memref<2x512x32xf32, #tpu.memory_space<vmem>> -> memref<1x512x32xf32, #tpu.memory_space<vmem>>
    %dma_start3A_1046 = tpu.memref_squeeze %dma_start3A_1045 : memref<1x512x32xf32, #tpu.memory_space<vmem>> -> memref<512x32xf32, #tpu.memory_space<vmem>>
    tpu.enqueue_dma source(%dma_start3A_1046 : memref<512x32xf32, #tpu.memory_space<vmem>>) target(%dma_start3A_1042 : memref<512x32xf32, #tpu.memory_space<hbm>>) target_semaphore(%arg10 : memref<!tpu.dma_semaphore, #tpu.memory_space<semaphore_mem>>)
    %dma_wait3A_1047 = arith.constant 0 : i32
    %dma_wait3A_1048 = arith.constant 18 : i32
    %dma_wait3A_1049 = arith.constant 0 : i32
    %dma_wait3A_1050 = arith.constant 0 : i32
    %dma_wait3A_1051 = tpu.memref_slice %arg6[%dma_wait3A_1047, %dma_wait3A_1049, %dma_wait3A_1050] : memref<2x512x32xf32, #tpu.memory_space<vmem>> -> memref<1x512x32xf32, #tpu.memory_space<vmem>>
    %dma_wait3A_1052 = tpu.memref_squeeze %dma_wait3A_1051 : memref<1x512x32xf32, #tpu.memory_space<vmem>> -> memref<512x32xf32, #tpu.memory_space<vmem>>
    %dma_wait3A_1053 = tpu.memref_slice %arg4[%dma_wait3A_1048, %mul3A_13, %mul3A_36] : memref<26x4096x128xf32, #tpu.memory_space<hbm>> -> memref<1x512x32xf32, #tpu.memory_space<hbm>>
    %dma_wait3A_1054 = tpu.memref_squeeze %dma_wait3A_1053 : memref<1x512x32xf32, #tpu.memory_space<hbm>> -> memref<512x32xf32, #tpu.memory_space<hbm>>
    %dma_wait3A_1055 = tpu.memref_slice %arg4[%dma_wait3A_1048, %mul3A_13, %mul3A_36] : memref<26x4096x128xf32, #tpu.memory_space<hbm>> -> memref<1x512x32xf32, #tpu.memory_space<hbm>>
    %dma_wait3A_1056 = tpu.memref_squeeze %dma_wait3A_1055 : memref<1x512x32xf32, #tpu.memory_space<hbm>> -> memref<512x32xf32, #tpu.memory_space<hbm>>
    %dma_wait3A_1057 = arith.constant 0 : i32
    %dma_wait3A_1058 = arith.constant 0 : i32
    %dma_wait3A_1059 = tpu.memref_slice %arg6[%dma_wait3A_1047, %dma_wait3A_1057, %dma_wait3A_1058] : memref<2x512x32xf32, #tpu.memory_space<vmem>> -> memref<1x512x32xf32, #tpu.memory_space<vmem>>
    %dma_wait3A_1060 = tpu.memref_squeeze %dma_wait3A_1059 : memref<1x512x32xf32, #tpu.memory_space<vmem>> -> memref<512x32xf32, #tpu.memory_space<vmem>>
    tpu.wait_dma2 semaphore(%arg9 : memref<!tpu.dma_semaphore, #tpu.memory_space<semaphore_mem>>) src(%dma_wait3A_1060 : memref<512x32xf32, #tpu.memory_space<vmem>>) dst(%dma_wait3A_1056 : memref<512x32xf32, #tpu.memory_space<hbm>>)
    %dma_start3A_1061 = arith.constant 20 : i32
    %dma_start3A_1062 = arith.constant 0 : i32
    %dma_start3A_1063 = arith.constant 0 : i32
    %dma_start3A_1064 = arith.constant 0 : i32
    %dma_start3A_1065 = tpu.memref_slice %arg6[%dma_start3A_1062, %dma_start3A_1063, %dma_start3A_1064] : memref<2x512x32xf32, #tpu.memory_space<vmem>> -> memref<1x512x32xf32, #tpu.memory_space<vmem>>
    %dma_start3A_1066 = tpu.memref_squeeze %dma_start3A_1065 : memref<1x512x32xf32, #tpu.memory_space<vmem>> -> memref<512x32xf32, #tpu.memory_space<vmem>>
    %dma_start3A_1067 = arith.constant 0 : i32
    %dma_start3A_1068 = tpu.memref_slice %arg5[%dma_start3A_1061, %dma_start3A_1067] : memref<26x512xi32, #tpu.memory_space<vmem>> -> memref<1x512xi32, #tpu.memory_space<vmem>>
    %dma_start3A_1069 = tpu.memref_squeeze %dma_start3A_1068 : memref<1x512xi32, #tpu.memory_space<vmem>> -> memref<512xi32, #tpu.memory_space<vmem>>
    %dma_start3A_1070 = arith.constant 0 : i32
    %dma_start3A_1071 = arith.constant 0 : i32
    %dma_start3A_1072 = tpu.memref_slice %arg3[%dma_start3A_1070, %dma_start3A_1071] : memref<1015808x32xf32, #tpu.memory_space<hbm>> -> memref<1015808x32xf32, #tpu.memory_space<hbm>>
    tpu.enqueue_indirect_dma source(%dma_start3A_1072 : memref<1015808x32xf32, #tpu.memory_space<hbm>>) target(%dma_start3A_1066 : memref<512x32xf32, #tpu.memory_space<vmem>>) offsets(%dma_start3A_1069 : memref<512xi32, #tpu.memory_space<vmem>>) semaphore(%arg7 : memref<!tpu.dma_semaphore, #tpu.memory_space<semaphore_mem>>)
    %dma_wait3A_1073 = arith.constant 20 : i32
    %dma_wait3A_1074 = arith.constant 0 : i32
    %dma_wait3A_1075 = arith.constant 0 : i32
    %dma_wait3A_1076 = arith.constant 0 : i32
    %dma_wait3A_1077 = tpu.memref_slice %arg6[%dma_wait3A_1074, %dma_wait3A_1075, %dma_wait3A_1076] : memref<2x512x32xf32, #tpu.memory_space<vmem>> -> memref<1x512x32xf32, #tpu.memory_space<vmem>>
    %dma_wait3A_1078 = tpu.memref_squeeze %dma_wait3A_1077 : memref<1x512x32xf32, #tpu.memory_space<vmem>> -> memref<512x32xf32, #tpu.memory_space<vmem>>
    %dma_wait3A_1079 = arith.constant 0 : i32
    %dma_wait3A_1080 = tpu.memref_slice %arg5[%dma_wait3A_1073, %dma_wait3A_1079] : memref<26x512xi32, #tpu.memory_space<vmem>> -> memref<1x512xi32, #tpu.memory_space<vmem>>
    %dma_wait3A_1081 = tpu.memref_squeeze %dma_wait3A_1080 : memref<1x512xi32, #tpu.memory_space<vmem>> -> memref<512xi32, #tpu.memory_space<vmem>>
    %dma_wait3A_1082 = arith.constant 0 : i32
    %dma_wait3A_1083 = arith.constant 0 : i32
    %dma_wait3A_1084 = tpu.memref_slice %arg3[%dma_wait3A_1082, %dma_wait3A_1083] : memref<1015808x32xf32, #tpu.memory_space<hbm>> -> memref<1015808x32xf32, #tpu.memory_space<hbm>>
    tpu.wait_indirect_dma semaphore(%arg7 : memref<!tpu.dma_semaphore, #tpu.memory_space<semaphore_mem>>) src(%dma_wait3A_1084 : memref<1015808x32xf32, #tpu.memory_space<hbm>>) dst(%dma_wait3A_1078 : memref<512x32xf32, #tpu.memory_space<vmem>>)
    %dma_start3A_1085 = arith.constant 0 : i32
    %dma_start3A_1086 = arith.constant 20 : i32
    %dma_start3A_1087 = arith.constant 0 : i32
    %dma_start3A_1088 = arith.constant 0 : i32
    %dma_start3A_1089 = tpu.memref_slice %arg6[%dma_start3A_1085, %dma_start3A_1087, %dma_start3A_1088] : memref<2x512x32xf32, #tpu.memory_space<vmem>> -> memref<1x512x32xf32, #tpu.memory_space<vmem>>
    %dma_start3A_1090 = tpu.memref_squeeze %dma_start3A_1089 : memref<1x512x32xf32, #tpu.memory_space<vmem>> -> memref<512x32xf32, #tpu.memory_space<vmem>>
    %dma_start3A_1091 = tpu.memref_slice %arg4[%dma_start3A_1086, %mul3A_13, %mul3A_36] : memref<26x4096x128xf32, #tpu.memory_space<hbm>> -> memref<1x512x32xf32, #tpu.memory_space<hbm>>
    %dma_start3A_1092 = tpu.memref_squeeze %dma_start3A_1091 : memref<1x512x32xf32, #tpu.memory_space<hbm>> -> memref<512x32xf32, #tpu.memory_space<hbm>>
    %dma_start3A_1093 = tpu.memref_slice %arg4[%dma_start3A_1086, %mul3A_13, %mul3A_36] : memref<26x4096x128xf32, #tpu.memory_space<hbm>> -> memref<1x512x32xf32, #tpu.memory_space<hbm>>
    %dma_start3A_1094 = tpu.memref_squeeze %dma_start3A_1093 : memref<1x512x32xf32, #tpu.memory_space<hbm>> -> memref<512x32xf32, #tpu.memory_space<hbm>>
    %dma_start3A_1095 = arith.constant 0 : i32
    %dma_start3A_1096 = arith.constant 0 : i32
    %dma_start3A_1097 = tpu.memref_slice %arg6[%dma_start3A_1085, %dma_start3A_1095, %dma_start3A_1096] : memref<2x512x32xf32, #tpu.memory_space<vmem>> -> memref<1x512x32xf32, #tpu.memory_space<vmem>>
    %dma_start3A_1098 = tpu.memref_squeeze %dma_start3A_1097 : memref<1x512x32xf32, #tpu.memory_space<vmem>> -> memref<512x32xf32, #tpu.memory_space<vmem>>
    tpu.enqueue_dma source(%dma_start3A_1098 : memref<512x32xf32, #tpu.memory_space<vmem>>) target(%dma_start3A_1094 : memref<512x32xf32, #tpu.memory_space<hbm>>) target_semaphore(%arg9 : memref<!tpu.dma_semaphore, #tpu.memory_space<semaphore_mem>>)
    %dma_wait3A_1099 = arith.constant 1 : i32
    %dma_wait3A_1100 = arith.constant 19 : i32
    %dma_wait3A_1101 = arith.constant 0 : i32
    %dma_wait3A_1102 = arith.constant 0 : i32
    %dma_wait3A_1103 = tpu.memref_slice %arg6[%dma_wait3A_1099, %dma_wait3A_1101, %dma_wait3A_1102] : memref<2x512x32xf32, #tpu.memory_space<vmem>> -> memref<1x512x32xf32, #tpu.memory_space<vmem>>
    %dma_wait3A_1104 = tpu.memref_squeeze %dma_wait3A_1103 : memref<1x512x32xf32, #tpu.memory_space<vmem>> -> memref<512x32xf32, #tpu.memory_space<vmem>>
    %dma_wait3A_1105 = tpu.memref_slice %arg4[%dma_wait3A_1100, %mul3A_13, %mul3A_36] : memref<26x4096x128xf32, #tpu.memory_space<hbm>> -> memref<1x512x32xf32, #tpu.memory_space<hbm>>
    %dma_wait3A_1106 = tpu.memref_squeeze %dma_wait3A_1105 : memref<1x512x32xf32, #tpu.memory_space<hbm>> -> memref<512x32xf32, #tpu.memory_space<hbm>>
    %dma_wait3A_1107 = tpu.memref_slice %arg4[%dma_wait3A_1100, %mul3A_13, %mul3A_36] : memref<26x4096x128xf32, #tpu.memory_space<hbm>> -> memref<1x512x32xf32, #tpu.memory_space<hbm>>
    %dma_wait3A_1108 = tpu.memref_squeeze %dma_wait3A_1107 : memref<1x512x32xf32, #tpu.memory_space<hbm>> -> memref<512x32xf32, #tpu.memory_space<hbm>>
    %dma_wait3A_1109 = arith.constant 0 : i32
    %dma_wait3A_1110 = arith.constant 0 : i32
    %dma_wait3A_1111 = tpu.memref_slice %arg6[%dma_wait3A_1099, %dma_wait3A_1109, %dma_wait3A_1110] : memref<2x512x32xf32, #tpu.memory_space<vmem>> -> memref<1x512x32xf32, #tpu.memory_space<vmem>>
    %dma_wait3A_1112 = tpu.memref_squeeze %dma_wait3A_1111 : memref<1x512x32xf32, #tpu.memory_space<vmem>> -> memref<512x32xf32, #tpu.memory_space<vmem>>
    tpu.wait_dma2 semaphore(%arg10 : memref<!tpu.dma_semaphore, #tpu.memory_space<semaphore_mem>>) src(%dma_wait3A_1112 : memref<512x32xf32, #tpu.memory_space<vmem>>) dst(%dma_wait3A_1108 : memref<512x32xf32, #tpu.memory_space<hbm>>)
    %dma_start3A_1113 = arith.constant 21 : i32
    %dma_start3A_1114 = arith.constant 1 : i32
    %dma_start3A_1115 = arith.constant 0 : i32
    %dma_start3A_1116 = arith.constant 0 : i32
    %dma_start3A_1117 = tpu.memref_slice %arg6[%dma_start3A_1114, %dma_start3A_1115, %dma_start3A_1116] : memref<2x512x32xf32, #tpu.memory_space<vmem>> -> memref<1x512x32xf32, #tpu.memory_space<vmem>>
    %dma_start3A_1118 = tpu.memref_squeeze %dma_start3A_1117 : memref<1x512x32xf32, #tpu.memory_space<vmem>> -> memref<512x32xf32, #tpu.memory_space<vmem>>
    %dma_start3A_1119 = arith.constant 0 : i32
    %dma_start3A_1120 = tpu.memref_slice %arg5[%dma_start3A_1113, %dma_start3A_1119] : memref<26x512xi32, #tpu.memory_space<vmem>> -> memref<1x512xi32, #tpu.memory_space<vmem>>
    %dma_start3A_1121 = tpu.memref_squeeze %dma_start3A_1120 : memref<1x512xi32, #tpu.memory_space<vmem>> -> memref<512xi32, #tpu.memory_space<vmem>>
    %dma_start3A_1122 = arith.constant 0 : i32
    %dma_start3A_1123 = arith.constant 0 : i32
    %dma_start3A_1124 = tpu.memref_slice %arg3[%dma_start3A_1122, %dma_start3A_1123] : memref<1015808x32xf32, #tpu.memory_space<hbm>> -> memref<1015808x32xf32, #tpu.memory_space<hbm>>
    tpu.enqueue_indirect_dma source(%dma_start3A_1124 : memref<1015808x32xf32, #tpu.memory_space<hbm>>) target(%dma_start3A_1118 : memref<512x32xf32, #tpu.memory_space<vmem>>) offsets(%dma_start3A_1121 : memref<512xi32, #tpu.memory_space<vmem>>) semaphore(%arg8 : memref<!tpu.dma_semaphore, #tpu.memory_space<semaphore_mem>>)
    %dma_wait3A_1125 = arith.constant 21 : i32
    %dma_wait3A_1126 = arith.constant 1 : i32
    %dma_wait3A_1127 = arith.constant 0 : i32
    %dma_wait3A_1128 = arith.constant 0 : i32
    %dma_wait3A_1129 = tpu.memref_slice %arg6[%dma_wait3A_1126, %dma_wait3A_1127, %dma_wait3A_1128] : memref<2x512x32xf32, #tpu.memory_space<vmem>> -> memref<1x512x32xf32, #tpu.memory_space<vmem>>
    %dma_wait3A_1130 = tpu.memref_squeeze %dma_wait3A_1129 : memref<1x512x32xf32, #tpu.memory_space<vmem>> -> memref<512x32xf32, #tpu.memory_space<vmem>>
    %dma_wait3A_1131 = arith.constant 0 : i32
    %dma_wait3A_1132 = tpu.memref_slice %arg5[%dma_wait3A_1125, %dma_wait3A_1131] : memref<26x512xi32, #tpu.memory_space<vmem>> -> memref<1x512xi32, #tpu.memory_space<vmem>>
    %dma_wait3A_1133 = tpu.memref_squeeze %dma_wait3A_1132 : memref<1x512xi32, #tpu.memory_space<vmem>> -> memref<512xi32, #tpu.memory_space<vmem>>
    %dma_wait3A_1134 = arith.constant 0 : i32
    %dma_wait3A_1135 = arith.constant 0 : i32
    %dma_wait3A_1136 = tpu.memref_slice %arg3[%dma_wait3A_1134, %dma_wait3A_1135] : memref<1015808x32xf32, #tpu.memory_space<hbm>> -> memref<1015808x32xf32, #tpu.memory_space<hbm>>
    tpu.wait_indirect_dma semaphore(%arg8 : memref<!tpu.dma_semaphore, #tpu.memory_space<semaphore_mem>>) src(%dma_wait3A_1136 : memref<1015808x32xf32, #tpu.memory_space<hbm>>) dst(%dma_wait3A_1130 : memref<512x32xf32, #tpu.memory_space<vmem>>)
    %dma_start3A_1137 = arith.constant 1 : i32
    %dma_start3A_1138 = arith.constant 21 : i32
    %dma_start3A_1139 = arith.constant 0 : i32
    %dma_start3A_1140 = arith.constant 0 : i32
    %dma_start3A_1141 = tpu.memref_slice %arg6[%dma_start3A_1137, %dma_start3A_1139, %dma_start3A_1140] : memref<2x512x32xf32, #tpu.memory_space<vmem>> -> memref<1x512x32xf32, #tpu.memory_space<vmem>>
    %dma_start3A_1142 = tpu.memref_squeeze %dma_start3A_1141 : memref<1x512x32xf32, #tpu.memory_space<vmem>> -> memref<512x32xf32, #tpu.memory_space<vmem>>
    %dma_start3A_1143 = tpu.memref_slice %arg4[%dma_start3A_1138, %mul3A_13, %mul3A_36] : memref<26x4096x128xf32, #tpu.memory_space<hbm>> -> memref<1x512x32xf32, #tpu.memory_space<hbm>>
    %dma_start3A_1144 = tpu.memref_squeeze %dma_start3A_1143 : memref<1x512x32xf32, #tpu.memory_space<hbm>> -> memref<512x32xf32, #tpu.memory_space<hbm>>
    %dma_start3A_1145 = tpu.memref_slice %arg4[%dma_start3A_1138, %mul3A_13, %mul3A_36] : memref<26x4096x128xf32, #tpu.memory_space<hbm>> -> memref<1x512x32xf32, #tpu.memory_space<hbm>>
    %dma_start3A_1146 = tpu.memref_squeeze %dma_start3A_1145 : memref<1x512x32xf32, #tpu.memory_space<hbm>> -> memref<512x32xf32, #tpu.memory_space<hbm>>
    %dma_start3A_1147 = arith.constant 0 : i32
    %dma_start3A_1148 = arith.constant 0 : i32
    %dma_start3A_1149 = tpu.memref_slice %arg6[%dma_start3A_1137, %dma_start3A_1147, %dma_start3A_1148] : memref<2x512x32xf32, #tpu.memory_space<vmem>> -> memref<1x512x32xf32, #tpu.memory_space<vmem>>
    %dma_start3A_1150 = tpu.memref_squeeze %dma_start3A_1149 : memref<1x512x32xf32, #tpu.memory_space<vmem>> -> memref<512x32xf32, #tpu.memory_space<vmem>>
    tpu.enqueue_dma source(%dma_start3A_1150 : memref<512x32xf32, #tpu.memory_space<vmem>>) target(%dma_start3A_1146 : memref<512x32xf32, #tpu.memory_space<hbm>>) target_semaphore(%arg10 : memref<!tpu.dma_semaphore, #tpu.memory_space<semaphore_mem>>)
    %dma_wait3A_1151 = arith.constant 0 : i32
    %dma_wait3A_1152 = arith.constant 20 : i32
    %dma_wait3A_1153 = arith.constant 0 : i32
    %dma_wait3A_1154 = arith.constant 0 : i32
    %dma_wait3A_1155 = tpu.memref_slice %arg6[%dma_wait3A_1151, %dma_wait3A_1153, %dma_wait3A_1154] : memref<2x512x32xf32, #tpu.memory_space<vmem>> -> memref<1x512x32xf32, #tpu.memory_space<vmem>>
    %dma_wait3A_1156 = tpu.memref_squeeze %dma_wait3A_1155 : memref<1x512x32xf32, #tpu.memory_space<vmem>> -> memref<512x32xf32, #tpu.memory_space<vmem>>
    %dma_wait3A_1157 = tpu.memref_slice %arg4[%dma_wait3A_1152, %mul3A_13, %mul3A_36] : memref<26x4096x128xf32, #tpu.memory_space<hbm>> -> memref<1x512x32xf32, #tpu.memory_space<hbm>>
    %dma_wait3A_1158 = tpu.memref_squeeze %dma_wait3A_1157 : memref<1x512x32xf32, #tpu.memory_space<hbm>> -> memref<512x32xf32, #tpu.memory_space<hbm>>
    %dma_wait3A_1159 = tpu.memref_slice %arg4[%dma_wait3A_1152, %mul3A_13, %mul3A_36] : memref<26x4096x128xf32, #tpu.memory_space<hbm>> -> memref<1x512x32xf32, #tpu.memory_space<hbm>>
    %dma_wait3A_1160 = tpu.memref_squeeze %dma_wait3A_1159 : memref<1x512x32xf32, #tpu.memory_space<hbm>> -> memref<512x32xf32, #tpu.memory_space<hbm>>
    %dma_wait3A_1161 = arith.constant 0 : i32
    %dma_wait3A_1162 = arith.constant 0 : i32
    %dma_wait3A_1163 = tpu.memref_slice %arg6[%dma_wait3A_1151, %dma_wait3A_1161, %dma_wait3A_1162] : memref<2x512x32xf32, #tpu.memory_space<vmem>> -> memref<1x512x32xf32, #tpu.memory_space<vmem>>
    %dma_wait3A_1164 = tpu.memref_squeeze %dma_wait3A_1163 : memref<1x512x32xf32, #tpu.memory_space<vmem>> -> memref<512x32xf32, #tpu.memory_space<vmem>>
    tpu.wait_dma2 semaphore(%arg9 : memref<!tpu.dma_semaphore, #tpu.memory_space<semaphore_mem>>) src(%dma_wait3A_1164 : memref<512x32xf32, #tpu.memory_space<vmem>>) dst(%dma_wait3A_1160 : memref<512x32xf32, #tpu.memory_space<hbm>>)
    %dma_start3A_1165 = arith.constant 22 : i32
    %dma_start3A_1166 = arith.constant 0 : i32
    %dma_start3A_1167 = arith.constant 0 : i32
    %dma_start3A_1168 = arith.constant 0 : i32
    %dma_start3A_1169 = tpu.memref_slice %arg6[%dma_start3A_1166, %dma_start3A_1167, %dma_start3A_1168] : memref<2x512x32xf32, #tpu.memory_space<vmem>> -> memref<1x512x32xf32, #tpu.memory_space<vmem>>
    %dma_start3A_1170 = tpu.memref_squeeze %dma_start3A_1169 : memref<1x512x32xf32, #tpu.memory_space<vmem>> -> memref<512x32xf32, #tpu.memory_space<vmem>>
    %dma_start3A_1171 = arith.constant 0 : i32
    %dma_start3A_1172 = tpu.memref_slice %arg5[%dma_start3A_1165, %dma_start3A_1171] : memref<26x512xi32, #tpu.memory_space<vmem>> -> memref<1x512xi32, #tpu.memory_space<vmem>>
    %dma_start3A_1173 = tpu.memref_squeeze %dma_start3A_1172 : memref<1x512xi32, #tpu.memory_space<vmem>> -> memref<512xi32, #tpu.memory_space<vmem>>
    %dma_start3A_1174 = arith.constant 0 : i32
    %dma_start3A_1175 = arith.constant 0 : i32
    %dma_start3A_1176 = tpu.memref_slice %arg3[%dma_start3A_1174, %dma_start3A_1175] : memref<1015808x32xf32, #tpu.memory_space<hbm>> -> memref<1015808x32xf32, #tpu.memory_space<hbm>>
    tpu.enqueue_indirect_dma source(%dma_start3A_1176 : memref<1015808x32xf32, #tpu.memory_space<hbm>>) target(%dma_start3A_1170 : memref<512x32xf32, #tpu.memory_space<vmem>>) offsets(%dma_start3A_1173 : memref<512xi32, #tpu.memory_space<vmem>>) semaphore(%arg7 : memref<!tpu.dma_semaphore, #tpu.memory_space<semaphore_mem>>)
    %dma_wait3A_1177 = arith.constant 22 : i32
    %dma_wait3A_1178 = arith.constant 0 : i32
    %dma_wait3A_1179 = arith.constant 0 : i32
    %dma_wait3A_1180 = arith.constant 0 : i32
    %dma_wait3A_1181 = tpu.memref_slice %arg6[%dma_wait3A_1178, %dma_wait3A_1179, %dma_wait3A_1180] : memref<2x512x32xf32, #tpu.memory_space<vmem>> -> memref<1x512x32xf32, #tpu.memory_space<vmem>>
    %dma_wait3A_1182 = tpu.memref_squeeze %dma_wait3A_1181 : memref<1x512x32xf32, #tpu.memory_space<vmem>> -> memref<512x32xf32, #tpu.memory_space<vmem>>
    %dma_wait3A_1183 = arith.constant 0 : i32
    %dma_wait3A_1184 = tpu.memref_slice %arg5[%dma_wait3A_1177, %dma_wait3A_1183] : memref<26x512xi32, #tpu.memory_space<vmem>> -> memref<1x512xi32, #tpu.memory_space<vmem>>
    %dma_wait3A_1185 = tpu.memref_squeeze %dma_wait3A_1184 : memref<1x512xi32, #tpu.memory_space<vmem>> -> memref<512xi32, #tpu.memory_space<vmem>>
    %dma_wait3A_1186 = arith.constant 0 : i32
    %dma_wait3A_1187 = arith.constant 0 : i32
    %dma_wait3A_1188 = tpu.memref_slice %arg3[%dma_wait3A_1186, %dma_wait3A_1187] : memref<1015808x32xf32, #tpu.memory_space<hbm>> -> memref<1015808x32xf32, #tpu.memory_space<hbm>>
    tpu.wait_indirect_dma semaphore(%arg7 : memref<!tpu.dma_semaphore, #tpu.memory_space<semaphore_mem>>) src(%dma_wait3A_1188 : memref<1015808x32xf32, #tpu.memory_space<hbm>>) dst(%dma_wait3A_1182 : memref<512x32xf32, #tpu.memory_space<vmem>>)
    %dma_start3A_1189 = arith.constant 0 : i32
    %dma_start3A_1190 = arith.constant 22 : i32
    %dma_start3A_1191 = arith.constant 0 : i32
    %dma_start3A_1192 = arith.constant 0 : i32
    %dma_start3A_1193 = tpu.memref_slice %arg6[%dma_start3A_1189, %dma_start3A_1191, %dma_start3A_1192] : memref<2x512x32xf32, #tpu.memory_space<vmem>> -> memref<1x512x32xf32, #tpu.memory_space<vmem>>
    %dma_start3A_1194 = tpu.memref_squeeze %dma_start3A_1193 : memref<1x512x32xf32, #tpu.memory_space<vmem>> -> memref<512x32xf32, #tpu.memory_space<vmem>>
    %dma_start3A_1195 = tpu.memref_slice %arg4[%dma_start3A_1190, %mul3A_13, %mul3A_36] : memref<26x4096x128xf32, #tpu.memory_space<hbm>> -> memref<1x512x32xf32, #tpu.memory_space<hbm>>
    %dma_start3A_1196 = tpu.memref_squeeze %dma_start3A_1195 : memref<1x512x32xf32, #tpu.memory_space<hbm>> -> memref<512x32xf32, #tpu.memory_space<hbm>>
    %dma_start3A_1197 = tpu.memref_slice %arg4[%dma_start3A_1190, %mul3A_13, %mul3A_36] : memref<26x4096x128xf32, #tpu.memory_space<hbm>> -> memref<1x512x32xf32, #tpu.memory_space<hbm>>
    %dma_start3A_1198 = tpu.memref_squeeze %dma_start3A_1197 : memref<1x512x32xf32, #tpu.memory_space<hbm>> -> memref<512x32xf32, #tpu.memory_space<hbm>>
    %dma_start3A_1199 = arith.constant 0 : i32
    %dma_start3A_1200 = arith.constant 0 : i32
    %dma_start3A_1201 = tpu.memref_slice %arg6[%dma_start3A_1189, %dma_start3A_1199, %dma_start3A_1200] : memref<2x512x32xf32, #tpu.memory_space<vmem>> -> memref<1x512x32xf32, #tpu.memory_space<vmem>>
    %dma_start3A_1202 = tpu.memref_squeeze %dma_start3A_1201 : memref<1x512x32xf32, #tpu.memory_space<vmem>> -> memref<512x32xf32, #tpu.memory_space<vmem>>
    tpu.enqueue_dma source(%dma_start3A_1202 : memref<512x32xf32, #tpu.memory_space<vmem>>) target(%dma_start3A_1198 : memref<512x32xf32, #tpu.memory_space<hbm>>) target_semaphore(%arg9 : memref<!tpu.dma_semaphore, #tpu.memory_space<semaphore_mem>>)
    %dma_wait3A_1203 = arith.constant 1 : i32
    %dma_wait3A_1204 = arith.constant 21 : i32
    %dma_wait3A_1205 = arith.constant 0 : i32
    %dma_wait3A_1206 = arith.constant 0 : i32
    %dma_wait3A_1207 = tpu.memref_slice %arg6[%dma_wait3A_1203, %dma_wait3A_1205, %dma_wait3A_1206] : memref<2x512x32xf32, #tpu.memory_space<vmem>> -> memref<1x512x32xf32, #tpu.memory_space<vmem>>
    %dma_wait3A_1208 = tpu.memref_squeeze %dma_wait3A_1207 : memref<1x512x32xf32, #tpu.memory_space<vmem>> -> memref<512x32xf32, #tpu.memory_space<vmem>>
    %dma_wait3A_1209 = tpu.memref_slice %arg4[%dma_wait3A_1204, %mul3A_13, %mul3A_36] : memref<26x4096x128xf32, #tpu.memory_space<hbm>> -> memref<1x512x32xf32, #tpu.memory_space<hbm>>
    %dma_wait3A_1210 = tpu.memref_squeeze %dma_wait3A_1209 : memref<1x512x32xf32, #tpu.memory_space<hbm>> -> memref<512x32xf32, #tpu.memory_space<hbm>>
    %dma_wait3A_1211 = tpu.memref_slice %arg4[%dma_wait3A_1204, %mul3A_13, %mul3A_36] : memref<26x4096x128xf32, #tpu.memory_space<hbm>> -> memref<1x512x32xf32, #tpu.memory_space<hbm>>
    %dma_wait3A_1212 = tpu.memref_squeeze %dma_wait3A_1211 : memref<1x512x32xf32, #tpu.memory_space<hbm>> -> memref<512x32xf32, #tpu.memory_space<hbm>>
    %dma_wait3A_1213 = arith.constant 0 : i32
    %dma_wait3A_1214 = arith.constant 0 : i32
    %dma_wait3A_1215 = tpu.memref_slice %arg6[%dma_wait3A_1203, %dma_wait3A_1213, %dma_wait3A_1214] : memref<2x512x32xf32, #tpu.memory_space<vmem>> -> memref<1x512x32xf32, #tpu.memory_space<vmem>>
    %dma_wait3A_1216 = tpu.memref_squeeze %dma_wait3A_1215 : memref<1x512x32xf32, #tpu.memory_space<vmem>> -> memref<512x32xf32, #tpu.memory_space<vmem>>
    tpu.wait_dma2 semaphore(%arg10 : memref<!tpu.dma_semaphore, #tpu.memory_space<semaphore_mem>>) src(%dma_wait3A_1216 : memref<512x32xf32, #tpu.memory_space<vmem>>) dst(%dma_wait3A_1212 : memref<512x32xf32, #tpu.memory_space<hbm>>)
    %dma_start3A_1217 = arith.constant 23 : i32
    %dma_start3A_1218 = arith.constant 1 : i32
    %dma_start3A_1219 = arith.constant 0 : i32
    %dma_start3A_1220 = arith.constant 0 : i32
    %dma_start3A_1221 = tpu.memref_slice %arg6[%dma_start3A_1218, %dma_start3A_1219, %dma_start3A_1220] : memref<2x512x32xf32, #tpu.memory_space<vmem>> -> memref<1x512x32xf32, #tpu.memory_space<vmem>>
    %dma_start3A_1222 = tpu.memref_squeeze %dma_start3A_1221 : memref<1x512x32xf32, #tpu.memory_space<vmem>> -> memref<512x32xf32, #tpu.memory_space<vmem>>
    %dma_start3A_1223 = arith.constant 0 : i32
    %dma_start3A_1224 = tpu.memref_slice %arg5[%dma_start3A_1217, %dma_start3A_1223] : memref<26x512xi32, #tpu.memory_space<vmem>> -> memref<1x512xi32, #tpu.memory_space<vmem>>
    %dma_start3A_1225 = tpu.memref_squeeze %dma_start3A_1224 : memref<1x512xi32, #tpu.memory_space<vmem>> -> memref<512xi32, #tpu.memory_space<vmem>>
    %dma_start3A_1226 = arith.constant 0 : i32
    %dma_start3A_1227 = arith.constant 0 : i32
    %dma_start3A_1228 = tpu.memref_slice %arg3[%dma_start3A_1226, %dma_start3A_1227] : memref<1015808x32xf32, #tpu.memory_space<hbm>> -> memref<1015808x32xf32, #tpu.memory_space<hbm>>
    tpu.enqueue_indirect_dma source(%dma_start3A_1228 : memref<1015808x32xf32, #tpu.memory_space<hbm>>) target(%dma_start3A_1222 : memref<512x32xf32, #tpu.memory_space<vmem>>) offsets(%dma_start3A_1225 : memref<512xi32, #tpu.memory_space<vmem>>) semaphore(%arg8 : memref<!tpu.dma_semaphore, #tpu.memory_space<semaphore_mem>>)
    %dma_wait3A_1229 = arith.constant 23 : i32
    %dma_wait3A_1230 = arith.constant 1 : i32
    %dma_wait3A_1231 = arith.constant 0 : i32
    %dma_wait3A_1232 = arith.constant 0 : i32
    %dma_wait3A_1233 = tpu.memref_slice %arg6[%dma_wait3A_1230, %dma_wait3A_1231, %dma_wait3A_1232] : memref<2x512x32xf32, #tpu.memory_space<vmem>> -> memref<1x512x32xf32, #tpu.memory_space<vmem>>
    %dma_wait3A_1234 = tpu.memref_squeeze %dma_wait3A_1233 : memref<1x512x32xf32, #tpu.memory_space<vmem>> -> memref<512x32xf32, #tpu.memory_space<vmem>>
    %dma_wait3A_1235 = arith.constant 0 : i32
    %dma_wait3A_1236 = tpu.memref_slice %arg5[%dma_wait3A_1229, %dma_wait3A_1235] : memref<26x512xi32, #tpu.memory_space<vmem>> -> memref<1x512xi32, #tpu.memory_space<vmem>>
    %dma_wait3A_1237 = tpu.memref_squeeze %dma_wait3A_1236 : memref<1x512xi32, #tpu.memory_space<vmem>> -> memref<512xi32, #tpu.memory_space<vmem>>
    %dma_wait3A_1238 = arith.constant 0 : i32
    %dma_wait3A_1239 = arith.constant 0 : i32
    %dma_wait3A_1240 = tpu.memref_slice %arg3[%dma_wait3A_1238, %dma_wait3A_1239] : memref<1015808x32xf32, #tpu.memory_space<hbm>> -> memref<1015808x32xf32, #tpu.memory_space<hbm>>
    tpu.wait_indirect_dma semaphore(%arg8 : memref<!tpu.dma_semaphore, #tpu.memory_space<semaphore_mem>>) src(%dma_wait3A_1240 : memref<1015808x32xf32, #tpu.memory_space<hbm>>) dst(%dma_wait3A_1234 : memref<512x32xf32, #tpu.memory_space<vmem>>)
    %dma_start3A_1241 = arith.constant 1 : i32
    %dma_start3A_1242 = arith.constant 23 : i32
    %dma_start3A_1243 = arith.constant 0 : i32
    %dma_start3A_1244 = arith.constant 0 : i32
    %dma_start3A_1245 = tpu.memref_slice %arg6[%dma_start3A_1241, %dma_start3A_1243, %dma_start3A_1244] : memref<2x512x32xf32, #tpu.memory_space<vmem>> -> memref<1x512x32xf32, #tpu.memory_space<vmem>>
    %dma_start3A_1246 = tpu.memref_squeeze %dma_start3A_1245 : memref<1x512x32xf32, #tpu.memory_space<vmem>> -> memref<512x32xf32, #tpu.memory_space<vmem>>
    %dma_start3A_1247 = tpu.memref_slice %arg4[%dma_start3A_1242, %mul3A_13, %mul3A_36] : memref<26x4096x128xf32, #tpu.memory_space<hbm>> -> memref<1x512x32xf32, #tpu.memory_space<hbm>>
    %dma_start3A_1248 = tpu.memref_squeeze %dma_start3A_1247 : memref<1x512x32xf32, #tpu.memory_space<hbm>> -> memref<512x32xf32, #tpu.memory_space<hbm>>
    %dma_start3A_1249 = tpu.memref_slice %arg4[%dma_start3A_1242, %mul3A_13, %mul3A_36] : memref<26x4096x128xf32, #tpu.memory_space<hbm>> -> memref<1x512x32xf32, #tpu.memory_space<hbm>>
    %dma_start3A_1250 = tpu.memref_squeeze %dma_start3A_1249 : memref<1x512x32xf32, #tpu.memory_space<hbm>> -> memref<512x32xf32, #tpu.memory_space<hbm>>
    %dma_start3A_1251 = arith.constant 0 : i32
    %dma_start3A_1252 = arith.constant 0 : i32
    %dma_start3A_1253 = tpu.memref_slice %arg6[%dma_start3A_1241, %dma_start3A_1251, %dma_start3A_1252] : memref<2x512x32xf32, #tpu.memory_space<vmem>> -> memref<1x512x32xf32, #tpu.memory_space<vmem>>
    %dma_start3A_1254 = tpu.memref_squeeze %dma_start3A_1253 : memref<1x512x32xf32, #tpu.memory_space<vmem>> -> memref<512x32xf32, #tpu.memory_space<vmem>>
    tpu.enqueue_dma source(%dma_start3A_1254 : memref<512x32xf32, #tpu.memory_space<vmem>>) target(%dma_start3A_1250 : memref<512x32xf32, #tpu.memory_space<hbm>>) target_semaphore(%arg10 : memref<!tpu.dma_semaphore, #tpu.memory_space<semaphore_mem>>)
    %dma_wait3A_1255 = arith.constant 0 : i32
    %dma_wait3A_1256 = arith.constant 22 : i32
    %dma_wait3A_1257 = arith.constant 0 : i32
    %dma_wait3A_1258 = arith.constant 0 : i32
    %dma_wait3A_1259 = tpu.memref_slice %arg6[%dma_wait3A_1255, %dma_wait3A_1257, %dma_wait3A_1258] : memref<2x512x32xf32, #tpu.memory_space<vmem>> -> memref<1x512x32xf32, #tpu.memory_space<vmem>>
    %dma_wait3A_1260 = tpu.memref_squeeze %dma_wait3A_1259 : memref<1x512x32xf32, #tpu.memory_space<vmem>> -> memref<512x32xf32, #tpu.memory_space<vmem>>
    %dma_wait3A_1261 = tpu.memref_slice %arg4[%dma_wait3A_1256, %mul3A_13, %mul3A_36] : memref<26x4096x128xf32, #tpu.memory_space<hbm>> -> memref<1x512x32xf32, #tpu.memory_space<hbm>>
    %dma_wait3A_1262 = tpu.memref_squeeze %dma_wait3A_1261 : memref<1x512x32xf32, #tpu.memory_space<hbm>> -> memref<512x32xf32, #tpu.memory_space<hbm>>
    %dma_wait3A_1263 = tpu.memref_slice %arg4[%dma_wait3A_1256, %mul3A_13, %mul3A_36] : memref<26x4096x128xf32, #tpu.memory_space<hbm>> -> memref<1x512x32xf32, #tpu.memory_space<hbm>>
    %dma_wait3A_1264 = tpu.memref_squeeze %dma_wait3A_1263 : memref<1x512x32xf32, #tpu.memory_space<hbm>> -> memref<512x32xf32, #tpu.memory_space<hbm>>
    %dma_wait3A_1265 = arith.constant 0 : i32
    %dma_wait3A_1266 = arith.constant 0 : i32
    %dma_wait3A_1267 = tpu.memref_slice %arg6[%dma_wait3A_1255, %dma_wait3A_1265, %dma_wait3A_1266] : memref<2x512x32xf32, #tpu.memory_space<vmem>> -> memref<1x512x32xf32, #tpu.memory_space<vmem>>
    %dma_wait3A_1268 = tpu.memref_squeeze %dma_wait3A_1267 : memref<1x512x32xf32, #tpu.memory_space<vmem>> -> memref<512x32xf32, #tpu.memory_space<vmem>>
    tpu.wait_dma2 semaphore(%arg9 : memref<!tpu.dma_semaphore, #tpu.memory_space<semaphore_mem>>) src(%dma_wait3A_1268 : memref<512x32xf32, #tpu.memory_space<vmem>>) dst(%dma_wait3A_1264 : memref<512x32xf32, #tpu.memory_space<hbm>>)
    %dma_start3A_1269 = arith.constant 24 : i32
    %dma_start3A_1270 = arith.constant 0 : i32
    %dma_start3A_1271 = arith.constant 0 : i32
    %dma_start3A_1272 = arith.constant 0 : i32
    %dma_start3A_1273 = tpu.memref_slice %arg6[%dma_start3A_1270, %dma_start3A_1271, %dma_start3A_1272] : memref<2x512x32xf32, #tpu.memory_space<vmem>> -> memref<1x512x32xf32, #tpu.memory_space<vmem>>
    %dma_start3A_1274 = tpu.memref_squeeze %dma_start3A_1273 : memref<1x512x32xf32, #tpu.memory_space<vmem>> -> memref<512x32xf32, #tpu.memory_space<vmem>>
    %dma_start3A_1275 = arith.constant 0 : i32
    %dma_start3A_1276 = tpu.memref_slice %arg5[%dma_start3A_1269, %dma_start3A_1275] : memref<26x512xi32, #tpu.memory_space<vmem>> -> memref<1x512xi32, #tpu.memory_space<vmem>>
    %dma_start3A_1277 = tpu.memref_squeeze %dma_start3A_1276 : memref<1x512xi32, #tpu.memory_space<vmem>> -> memref<512xi32, #tpu.memory_space<vmem>>
    %dma_start3A_1278 = arith.constant 0 : i32
    %dma_start3A_1279 = arith.constant 0 : i32
    %dma_start3A_1280 = tpu.memref_slice %arg3[%dma_start3A_1278, %dma_start3A_1279] : memref<1015808x32xf32, #tpu.memory_space<hbm>> -> memref<1015808x32xf32, #tpu.memory_space<hbm>>
    tpu.enqueue_indirect_dma source(%dma_start3A_1280 : memref<1015808x32xf32, #tpu.memory_space<hbm>>) target(%dma_start3A_1274 : memref<512x32xf32, #tpu.memory_space<vmem>>) offsets(%dma_start3A_1277 : memref<512xi32, #tpu.memory_space<vmem>>) semaphore(%arg7 : memref<!tpu.dma_semaphore, #tpu.memory_space<semaphore_mem>>)
    %dma_wait3A_1281 = arith.constant 24 : i32
    %dma_wait3A_1282 = arith.constant 0 : i32
    %dma_wait3A_1283 = arith.constant 0 : i32
    %dma_wait3A_1284 = arith.constant 0 : i32
    %dma_wait3A_1285 = tpu.memref_slice %arg6[%dma_wait3A_1282, %dma_wait3A_1283, %dma_wait3A_1284] : memref<2x512x32xf32, #tpu.memory_space<vmem>> -> memref<1x512x32xf32, #tpu.memory_space<vmem>>
    %dma_wait3A_1286 = tpu.memref_squeeze %dma_wait3A_1285 : memref<1x512x32xf32, #tpu.memory_space<vmem>> -> memref<512x32xf32, #tpu.memory_space<vmem>>
    %dma_wait3A_1287 = arith.constant 0 : i32
    %dma_wait3A_1288 = tpu.memref_slice %arg5[%dma_wait3A_1281, %dma_wait3A_1287] : memref<26x512xi32, #tpu.memory_space<vmem>> -> memref<1x512xi32, #tpu.memory_space<vmem>>
    %dma_wait3A_1289 = tpu.memref_squeeze %dma_wait3A_1288 : memref<1x512xi32, #tpu.memory_space<vmem>> -> memref<512xi32, #tpu.memory_space<vmem>>
    %dma_wait3A_1290 = arith.constant 0 : i32
    %dma_wait3A_1291 = arith.constant 0 : i32
    %dma_wait3A_1292 = tpu.memref_slice %arg3[%dma_wait3A_1290, %dma_wait3A_1291] : memref<1015808x32xf32, #tpu.memory_space<hbm>> -> memref<1015808x32xf32, #tpu.memory_space<hbm>>
    tpu.wait_indirect_dma semaphore(%arg7 : memref<!tpu.dma_semaphore, #tpu.memory_space<semaphore_mem>>) src(%dma_wait3A_1292 : memref<1015808x32xf32, #tpu.memory_space<hbm>>) dst(%dma_wait3A_1286 : memref<512x32xf32, #tpu.memory_space<vmem>>)
    %dma_start3A_1293 = arith.constant 0 : i32
    %dma_start3A_1294 = arith.constant 24 : i32
    %dma_start3A_1295 = arith.constant 0 : i32
    %dma_start3A_1296 = arith.constant 0 : i32
    %dma_start3A_1297 = tpu.memref_slice %arg6[%dma_start3A_1293, %dma_start3A_1295, %dma_start3A_1296] : memref<2x512x32xf32, #tpu.memory_space<vmem>> -> memref<1x512x32xf32, #tpu.memory_space<vmem>>
    %dma_start3A_1298 = tpu.memref_squeeze %dma_start3A_1297 : memref<1x512x32xf32, #tpu.memory_space<vmem>> -> memref<512x32xf32, #tpu.memory_space<vmem>>
    %dma_start3A_1299 = tpu.memref_slice %arg4[%dma_start3A_1294, %mul3A_13, %mul3A_36] : memref<26x4096x128xf32, #tpu.memory_space<hbm>> -> memref<1x512x32xf32, #tpu.memory_space<hbm>>
    %dma_start3A_1300 = tpu.memref_squeeze %dma_start3A_1299 : memref<1x512x32xf32, #tpu.memory_space<hbm>> -> memref<512x32xf32, #tpu.memory_space<hbm>>
    %dma_start3A_1301 = tpu.memref_slice %arg4[%dma_start3A_1294, %mul3A_13, %mul3A_36] : memref<26x4096x128xf32, #tpu.memory_space<hbm>> -> memref<1x512x32xf32, #tpu.memory_space<hbm>>
    %dma_start3A_1302 = tpu.memref_squeeze %dma_start3A_1301 : memref<1x512x32xf32, #tpu.memory_space<hbm>> -> memref<512x32xf32, #tpu.memory_space<hbm>>
    %dma_start3A_1303 = arith.constant 0 : i32
    %dma_start3A_1304 = arith.constant 0 : i32
    %dma_start3A_1305 = tpu.memref_slice %arg6[%dma_start3A_1293, %dma_start3A_1303, %dma_start3A_1304] : memref<2x512x32xf32, #tpu.memory_space<vmem>> -> memref<1x512x32xf32, #tpu.memory_space<vmem>>
    %dma_start3A_1306 = tpu.memref_squeeze %dma_start3A_1305 : memref<1x512x32xf32, #tpu.memory_space<vmem>> -> memref<512x32xf32, #tpu.memory_space<vmem>>
    tpu.enqueue_dma source(%dma_start3A_1306 : memref<512x32xf32, #tpu.memory_space<vmem>>) target(%dma_start3A_1302 : memref<512x32xf32, #tpu.memory_space<hbm>>) target_semaphore(%arg9 : memref<!tpu.dma_semaphore, #tpu.memory_space<semaphore_mem>>)
    %dma_wait3A_1307 = arith.constant 1 : i32
    %dma_wait3A_1308 = arith.constant 23 : i32
    %dma_wait3A_1309 = arith.constant 0 : i32
    %dma_wait3A_1310 = arith.constant 0 : i32
    %dma_wait3A_1311 = tpu.memref_slice %arg6[%dma_wait3A_1307, %dma_wait3A_1309, %dma_wait3A_1310] : memref<2x512x32xf32, #tpu.memory_space<vmem>> -> memref<1x512x32xf32, #tpu.memory_space<vmem>>
    %dma_wait3A_1312 = tpu.memref_squeeze %dma_wait3A_1311 : memref<1x512x32xf32, #tpu.memory_space<vmem>> -> memref<512x32xf32, #tpu.memory_space<vmem>>
    %dma_wait3A_1313 = tpu.memref_slice %arg4[%dma_wait3A_1308, %mul3A_13, %mul3A_36] : memref<26x4096x128xf32, #tpu.memory_space<hbm>> -> memref<1x512x32xf32, #tpu.memory_space<hbm>>
    %dma_wait3A_1314 = tpu.memref_squeeze %dma_wait3A_1313 : memref<1x512x32xf32, #tpu.memory_space<hbm>> -> memref<512x32xf32, #tpu.memory_space<hbm>>
    %dma_wait3A_1315 = tpu.memref_slice %arg4[%dma_wait3A_1308, %mul3A_13, %mul3A_36] : memref<26x4096x128xf32, #tpu.memory_space<hbm>> -> memref<1x512x32xf32, #tpu.memory_space<hbm>>
    %dma_wait3A_1316 = tpu.memref_squeeze %dma_wait3A_1315 : memref<1x512x32xf32, #tpu.memory_space<hbm>> -> memref<512x32xf32, #tpu.memory_space<hbm>>
    %dma_wait3A_1317 = arith.constant 0 : i32
    %dma_wait3A_1318 = arith.constant 0 : i32
    %dma_wait3A_1319 = tpu.memref_slice %arg6[%dma_wait3A_1307, %dma_wait3A_1317, %dma_wait3A_1318] : memref<2x512x32xf32, #tpu.memory_space<vmem>> -> memref<1x512x32xf32, #tpu.memory_space<vmem>>
    %dma_wait3A_1320 = tpu.memref_squeeze %dma_wait3A_1319 : memref<1x512x32xf32, #tpu.memory_space<vmem>> -> memref<512x32xf32, #tpu.memory_space<vmem>>
    tpu.wait_dma2 semaphore(%arg10 : memref<!tpu.dma_semaphore, #tpu.memory_space<semaphore_mem>>) src(%dma_wait3A_1320 : memref<512x32xf32, #tpu.memory_space<vmem>>) dst(%dma_wait3A_1316 : memref<512x32xf32, #tpu.memory_space<hbm>>)
    %dma_start3A_1321 = arith.constant 25 : i32
    %dma_start3A_1322 = arith.constant 1 : i32
    %dma_start3A_1323 = arith.constant 0 : i32
    %dma_start3A_1324 = arith.constant 0 : i32
    %dma_start3A_1325 = tpu.memref_slice %arg6[%dma_start3A_1322, %dma_start3A_1323, %dma_start3A_1324] : memref<2x512x32xf32, #tpu.memory_space<vmem>> -> memref<1x512x32xf32, #tpu.memory_space<vmem>>
    %dma_start3A_1326 = tpu.memref_squeeze %dma_start3A_1325 : memref<1x512x32xf32, #tpu.memory_space<vmem>> -> memref<512x32xf32, #tpu.memory_space<vmem>>
    %dma_start3A_1327 = arith.constant 0 : i32
    %dma_start3A_1328 = tpu.memref_slice %arg5[%dma_start3A_1321, %dma_start3A_1327] : memref<26x512xi32, #tpu.memory_space<vmem>> -> memref<1x512xi32, #tpu.memory_space<vmem>>
    %dma_start3A_1329 = tpu.memref_squeeze %dma_start3A_1328 : memref<1x512xi32, #tpu.memory_space<vmem>> -> memref<512xi32, #tpu.memory_space<vmem>>
    %dma_start3A_1330 = arith.constant 0 : i32
    %dma_start3A_1331 = arith.constant 0 : i32
    %dma_start3A_1332 = tpu.memref_slice %arg3[%dma_start3A_1330, %dma_start3A_1331] : memref<1015808x32xf32, #tpu.memory_space<hbm>> -> memref<1015808x32xf32, #tpu.memory_space<hbm>>
    tpu.enqueue_indirect_dma source(%dma_start3A_1332 : memref<1015808x32xf32, #tpu.memory_space<hbm>>) target(%dma_start3A_1326 : memref<512x32xf32, #tpu.memory_space<vmem>>) offsets(%dma_start3A_1329 : memref<512xi32, #tpu.memory_space<vmem>>) semaphore(%arg8 : memref<!tpu.dma_semaphore, #tpu.memory_space<semaphore_mem>>)
    %dma_wait3A_1333 = arith.constant 25 : i32
    %dma_wait3A_1334 = arith.constant 1 : i32
    %dma_wait3A_1335 = arith.constant 0 : i32
    %dma_wait3A_1336 = arith.constant 0 : i32
    %dma_wait3A_1337 = tpu.memref_slice %arg6[%dma_wait3A_1334, %dma_wait3A_1335, %dma_wait3A_1336] : memref<2x512x32xf32, #tpu.memory_space<vmem>> -> memref<1x512x32xf32, #tpu.memory_space<vmem>>
    %dma_wait3A_1338 = tpu.memref_squeeze %dma_wait3A_1337 : memref<1x512x32xf32, #tpu.memory_space<vmem>> -> memref<512x32xf32, #tpu.memory_space<vmem>>
    %dma_wait3A_1339 = arith.constant 0 : i32
    %dma_wait3A_1340 = tpu.memref_slice %arg5[%dma_wait3A_1333, %dma_wait3A_1339] : memref<26x512xi32, #tpu.memory_space<vmem>> -> memref<1x512xi32, #tpu.memory_space<vmem>>
    %dma_wait3A_1341 = tpu.memref_squeeze %dma_wait3A_1340 : memref<1x512xi32, #tpu.memory_space<vmem>> -> memref<512xi32, #tpu.memory_space<vmem>>
    %dma_wait3A_1342 = arith.constant 0 : i32
    %dma_wait3A_1343 = arith.constant 0 : i32
    %dma_wait3A_1344 = tpu.memref_slice %arg3[%dma_wait3A_1342, %dma_wait3A_1343] : memref<1015808x32xf32, #tpu.memory_space<hbm>> -> memref<1015808x32xf32, #tpu.memory_space<hbm>>
    tpu.wait_indirect_dma semaphore(%arg8 : memref<!tpu.dma_semaphore, #tpu.memory_space<semaphore_mem>>) src(%dma_wait3A_1344 : memref<1015808x32xf32, #tpu.memory_space<hbm>>) dst(%dma_wait3A_1338 : memref<512x32xf32, #tpu.memory_space<vmem>>)
    %dma_start3A_1345 = arith.constant 1 : i32
    %dma_start3A_1346 = arith.constant 25 : i32
    %dma_start3A_1347 = arith.constant 0 : i32
    %dma_start3A_1348 = arith.constant 0 : i32
    %dma_start3A_1349 = tpu.memref_slice %arg6[%dma_start3A_1345, %dma_start3A_1347, %dma_start3A_1348] : memref<2x512x32xf32, #tpu.memory_space<vmem>> -> memref<1x512x32xf32, #tpu.memory_space<vmem>>
    %dma_start3A_1350 = tpu.memref_squeeze %dma_start3A_1349 : memref<1x512x32xf32, #tpu.memory_space<vmem>> -> memref<512x32xf32, #tpu.memory_space<vmem>>
    %dma_start3A_1351 = tpu.memref_slice %arg4[%dma_start3A_1346, %mul3A_13, %mul3A_36] : memref<26x4096x128xf32, #tpu.memory_space<hbm>> -> memref<1x512x32xf32, #tpu.memory_space<hbm>>
    %dma_start3A_1352 = tpu.memref_squeeze %dma_start3A_1351 : memref<1x512x32xf32, #tpu.memory_space<hbm>> -> memref<512x32xf32, #tpu.memory_space<hbm>>
    %dma_start3A_1353 = tpu.memref_slice %arg4[%dma_start3A_1346, %mul3A_13, %mul3A_36] : memref<26x4096x128xf32, #tpu.memory_space<hbm>> -> memref<1x512x32xf32, #tpu.memory_space<hbm>>
    %dma_start3A_1354 = tpu.memref_squeeze %dma_start3A_1353 : memref<1x512x32xf32, #tpu.memory_space<hbm>> -> memref<512x32xf32, #tpu.memory_space<hbm>>
    %dma_start3A_1355 = arith.constant 0 : i32
    %dma_start3A_1356 = arith.constant 0 : i32
    %dma_start3A_1357 = tpu.memref_slice %arg6[%dma_start3A_1345, %dma_start3A_1355, %dma_start3A_1356] : memref<2x512x32xf32, #tpu.memory_space<vmem>> -> memref<1x512x32xf32, #tpu.memory_space<vmem>>
    %dma_start3A_1358 = tpu.memref_squeeze %dma_start3A_1357 : memref<1x512x32xf32, #tpu.memory_space<vmem>> -> memref<512x32xf32, #tpu.memory_space<vmem>>
    tpu.enqueue_dma source(%dma_start3A_1358 : memref<512x32xf32, #tpu.memory_space<vmem>>) target(%dma_start3A_1354 : memref<512x32xf32, #tpu.memory_space<hbm>>) target_semaphore(%arg10 : memref<!tpu.dma_semaphore, #tpu.memory_space<semaphore_mem>>)
    %dma_wait3A_1359 = arith.constant 0 : i32
    %dma_wait3A_1360 = arith.constant 24 : i32
    %dma_wait3A_1361 = arith.constant 0 : i32
    %dma_wait3A_1362 = arith.constant 0 : i32
    %dma_wait3A_1363 = tpu.memref_slice %arg6[%dma_wait3A_1359, %dma_wait3A_1361, %dma_wait3A_1362] : memref<2x512x32xf32, #tpu.memory_space<vmem>> -> memref<1x512x32xf32, #tpu.memory_space<vmem>>
    %dma_wait3A_1364 = tpu.memref_squeeze %dma_wait3A_1363 : memref<1x512x32xf32, #tpu.memory_space<vmem>> -> memref<512x32xf32, #tpu.memory_space<vmem>>
    %dma_wait3A_1365 = tpu.memref_slice %arg4[%dma_wait3A_1360, %mul3A_13, %mul3A_36] : memref<26x4096x128xf32, #tpu.memory_space<hbm>> -> memref<1x512x32xf32, #tpu.memory_space<hbm>>
    %dma_wait3A_1366 = tpu.memref_squeeze %dma_wait3A_1365 : memref<1x512x32xf32, #tpu.memory_space<hbm>> -> memref<512x32xf32, #tpu.memory_space<hbm>>
    %dma_wait3A_1367 = tpu.memref_slice %arg4[%dma_wait3A_1360, %mul3A_13, %mul3A_36] : memref<26x4096x128xf32, #tpu.memory_space<hbm>> -> memref<1x512x32xf32, #tpu.memory_space<hbm>>
    %dma_wait3A_1368 = tpu.memref_squeeze %dma_wait3A_1367 : memref<1x512x32xf32, #tpu.memory_space<hbm>> -> memref<512x32xf32, #tpu.memory_space<hbm>>
    %dma_wait3A_1369 = arith.constant 0 : i32
    %dma_wait3A_1370 = arith.constant 0 : i32
    %dma_wait3A_1371 = tpu.memref_slice %arg6[%dma_wait3A_1359, %dma_wait3A_1369, %dma_wait3A_1370] : memref<2x512x32xf32, #tpu.memory_space<vmem>> -> memref<1x512x32xf32, #tpu.memory_space<vmem>>
    %dma_wait3A_1372 = tpu.memref_squeeze %dma_wait3A_1371 : memref<1x512x32xf32, #tpu.memory_space<vmem>> -> memref<512x32xf32, #tpu.memory_space<vmem>>
    tpu.wait_dma2 semaphore(%arg9 : memref<!tpu.dma_semaphore, #tpu.memory_space<semaphore_mem>>) src(%dma_wait3A_1372 : memref<512x32xf32, #tpu.memory_space<vmem>>) dst(%dma_wait3A_1368 : memref<512x32xf32, #tpu.memory_space<hbm>>)
    %dma_wait3A_1373 = arith.constant 1 : i32
    %dma_wait3A_1374 = arith.constant 25 : i32
    %dma_wait3A_1375 = arith.constant 0 : i32
    %dma_wait3A_1376 = arith.constant 0 : i32
    %dma_wait3A_1377 = tpu.memref_slice %arg6[%dma_wait3A_1373, %dma_wait3A_1375, %dma_wait3A_1376] : memref<2x512x32xf32, #tpu.memory_space<vmem>> -> memref<1x512x32xf32, #tpu.memory_space<vmem>>
    %dma_wait3A_1378 = tpu.memref_squeeze %dma_wait3A_1377 : memref<1x512x32xf32, #tpu.memory_space<vmem>> -> memref<512x32xf32, #tpu.memory_space<vmem>>
    %dma_wait3A_1379 = tpu.memref_slice %arg4[%dma_wait3A_1374, %mul3A_13, %mul3A_36] : memref<26x4096x128xf32, #tpu.memory_space<hbm>> -> memref<1x512x32xf32, #tpu.memory_space<hbm>>
    %dma_wait3A_1380 = tpu.memref_squeeze %dma_wait3A_1379 : memref<1x512x32xf32, #tpu.memory_space<hbm>> -> memref<512x32xf32, #tpu.memory_space<hbm>>
    %dma_wait3A_1381 = tpu.memref_slice %arg4[%dma_wait3A_1374, %mul3A_13, %mul3A_36] : memref<26x4096x128xf32, #tpu.memory_space<hbm>> -> memref<1x512x32xf32, #tpu.memory_space<hbm>>
    %dma_wait3A_1382 = tpu.memref_squeeze %dma_wait3A_1381 : memref<1x512x32xf32, #tpu.memory_space<hbm>> -> memref<512x32xf32, #tpu.memory_space<hbm>>
    %dma_wait3A_1383 = arith.constant 0 : i32
    %dma_wait3A_1384 = arith.constant 0 : i32
    %dma_wait3A_1385 = tpu.memref_slice %arg6[%dma_wait3A_1373, %dma_wait3A_1383, %dma_wait3A_1384] : memref<2x512x32xf32, #tpu.memory_space<vmem>> -> memref<1x512x32xf32, #tpu.memory_space<vmem>>
    %dma_wait3A_1386 = tpu.memref_squeeze %dma_wait3A_1385 : memref<1x512x32xf32, #tpu.memory_space<vmem>> -> memref<512x32xf32, #tpu.memory_space<vmem>>
    tpu.wait_dma2 semaphore(%arg10 : memref<!tpu.dma_semaphore, #tpu.memory_space<semaphore_mem>>) src(%dma_wait3A_1386 : memref<512x32xf32, #tpu.memory_space<vmem>>) dst(%dma_wait3A_1382 : memref<512x32xf32, #tpu.memory_space<hbm>>)
    return
  }
}

module attributes {stable_mosaic.version = 14 : i64} {
  func.func @_t3_body(%arg0: i32, %arg1: memref<1x4096x128xf32, #tpu.memory_space<vmem>>, %arg2: memref<1x32x16384xf32, #tpu.memory_space<vmem>>) attributes {dimension_semantics = [#tpu.dimension_semantics<arbitrary>], iteration_bounds = array<i64: 26>, scalar_prefetch = 0 : i64, scratch_operands = 0 : i64, tpu.core_type = #tpu.core_type<tc>, window_params = [{transform_indices = @transform_0, window_bounds = array<i64: 1, 4096, 128>}, {transform_indices = @transform_1, window_bounds = array<i64: 1, 32, 16384>}]} {
    %get3A = arith.constant 0 : index
    %get3A_0 = arith.constant 0 : index
    %get3A_1 = arith.constant 0 : index
    %get3A_2 = vector.load %arg1[%get3A, %get3A_0, %get3A_1] : memref<1x4096x128xf32, #tpu.memory_space<vmem>>, vector<1x4096x128xf32>
    %get3A_3 = vector.shape_cast %get3A_2 : vector<1x4096x128xf32> to vector<4096x128xf32>
    %slice3A = vector.extract_strided_slice %get3A_3 {offsets = [0, 0], sizes = [4096, 32], strides = [1, 1]} : vector<4096x128xf32> to vector<4096x32xf32>
    %transpose3A = tpu.transpose %slice3A, [1, 0] : vector<4096x32xf32> -> vector<32x4096xf32>
    %slice3A_4 = vector.extract_strided_slice %get3A_3 {offsets = [0, 32], sizes = [4096, 32], strides = [1, 1]} : vector<4096x128xf32> to vector<4096x32xf32>
    %transpose3A_5 = tpu.transpose %slice3A_4, [1, 0] : vector<4096x32xf32> -> vector<32x4096xf32>
    %slice3A_6 = vector.extract_strided_slice %get3A_3 {offsets = [0, 64], sizes = [4096, 32], strides = [1, 1]} : vector<4096x128xf32> to vector<4096x32xf32>
    %transpose3A_7 = tpu.transpose %slice3A_6, [1, 0] : vector<4096x32xf32> -> vector<32x4096xf32>
    %slice3A_8 = vector.extract_strided_slice %get3A_3 {offsets = [0, 96], sizes = [4096, 32], strides = [1, 1]} : vector<4096x128xf32> to vector<4096x32xf32>
    %transpose3A_9 = tpu.transpose %slice3A_8, [1, 0] : vector<4096x32xf32> -> vector<32x4096xf32>
    %concatenate3A = tpu.concatenate %transpose3A, %transpose3A_5, %transpose3A_7, %transpose3A_9 in 1 : vector<32x4096xf32>, vector<32x4096xf32>, vector<32x4096xf32>, vector<32x4096xf32> -> vector<32x16384xf32>
    %swap3A = arith.constant 0 : index
    %swap3A_10 = arith.constant 0 : index
    %swap3A_11 = arith.constant 0 : index
    %swap3A_12 = vector.load %arg2[%swap3A, %swap3A_10, %swap3A_11] : memref<1x32x16384xf32, #tpu.memory_space<vmem>>, vector<1x32x16384xf32>
    %swap3A_13 = vector.shape_cast %swap3A_12 : vector<1x32x16384xf32> to vector<32x16384xf32>
    %swap3A_14 = vector.shape_cast %concatenate3A : vector<32x16384xf32> to vector<1x32x16384xf32>
    tpu.vector_store %arg2[%swap3A, %swap3A_10, %swap3A_11], %swap3A_14 {strides = array<i32>} : memref<1x32x16384xf32, #tpu.memory_space<vmem>>, vector<1x32x16384xf32>,
    return
  }
  func.func @transform_0(%arg0: i32) -> (i32, i32, i32) {
    %c0_i32 = arith.constant 0 : i32
    %c0_i32_0 = arith.constant 0 : i32
    %c0_i32_1 = arith.constant 0 : i32
    return %arg0, %c0_i32, %c0_i32_0 : i32, i32, i32
  }
  func.func @transform_1(%arg0: i32) -> (i32, i32, i32) {
    %c0_i32 = arith.constant 0 : i32
    %c0_i32_0 = arith.constant 0 : i32
    %c0_i32_1 = arith.constant 0 : i32
    return %arg0, %c0_i32, %c0_i32_0 : i32, i32, i32
  }
}

module attributes {stable_mosaic.version = 14 : i64} {
  func.func @_t1_body(%arg0: i32, %arg1: memref<32x32768xf32, #tpu.memory_space<vmem>>, %arg2: memref<8192x128xf32, #tpu.memory_space<vmem>>) attributes {dimension_semantics = [#tpu.dimension_semantics<arbitrary>], iteration_bounds = array<i64: 31>, scalar_prefetch = 0 : i64, scratch_operands = 0 : i64, tpu.core_type = #tpu.core_type<tc>, window_params = [{transform_indices = @transform_0, window_bounds = array<i64: 32, 32768>}, {transform_indices = @transform_1, window_bounds = array<i64: 8192, 128>}]} {
    %get3A = arith.constant 0 : index
    %get3A_0 = arith.constant 0 : index
    %get3A_1 = vector.load %arg1[%get3A, %get3A_0] : memref<32x32768xf32, #tpu.memory_space<vmem>>, vector<32x32768xf32>
    %slice3A = vector.extract_strided_slice %get3A_1 {offsets = [0, 0], sizes = [32, 8192], strides = [1, 1]} : vector<32x32768xf32> to vector<32x8192xf32>
    %transpose3A = tpu.transpose %slice3A, [1, 0] : vector<32x8192xf32> -> vector<8192x32xf32>
    %slice3A_2 = vector.extract_strided_slice %get3A_1 {offsets = [0, 8192], sizes = [32, 8192], strides = [1, 1]} : vector<32x32768xf32> to vector<32x8192xf32>
    %transpose3A_3 = tpu.transpose %slice3A_2, [1, 0] : vector<32x8192xf32> -> vector<8192x32xf32>
    %slice3A_4 = vector.extract_strided_slice %get3A_1 {offsets = [0, 16384], sizes = [32, 8192], strides = [1, 1]} : vector<32x32768xf32> to vector<32x8192xf32>
    %transpose3A_5 = tpu.transpose %slice3A_4, [1, 0] : vector<32x8192xf32> -> vector<8192x32xf32>
    %slice3A_6 = vector.extract_strided_slice %get3A_1 {offsets = [0, 24576], sizes = [32, 8192], strides = [1, 1]} : vector<32x32768xf32> to vector<32x8192xf32>
    %transpose3A_7 = tpu.transpose %slice3A_6, [1, 0] : vector<32x8192xf32> -> vector<8192x32xf32>
    %concatenate3A = tpu.concatenate %transpose3A, %transpose3A_3, %transpose3A_5, %transpose3A_7 in 1 : vector<8192x32xf32>, vector<8192x32xf32>, vector<8192x32xf32>, vector<8192x32xf32> -> vector<8192x128xf32>
    %swap3A = arith.constant 0 : index
    %swap3A_8 = arith.constant 0 : index
    %swap3A_9 = vector.load %arg2[%swap3A, %swap3A_8] : memref<8192x128xf32, #tpu.memory_space<vmem>>, vector<8192x128xf32>
    tpu.vector_store %arg2[%swap3A, %swap3A_8], %concatenate3A {strides = array<i32>} : memref<8192x128xf32, #tpu.memory_space<vmem>>, vector<8192x128xf32>,
    return
  }
  func.func @transform_0(%arg0: i32) -> (i32, i32) {
    %c0_i32 = arith.constant 0 : i32
    %c0_i32_0 = arith.constant 0 : i32
    return %c0_i32, %arg0 : i32, i32
  }
  func.func @transform_1(%arg0: i32) -> (i32, i32) {
    %c0_i32 = arith.constant 0 : i32
    %c0_i32_0 = arith.constant 0 : i32
    return %arg0, %c0_i32 : i32, i32
  }
}

</mosaic_0001>

<sc_bundles>
// kernel: kernel.5.cloned.1.call-start
scs
__scs_entry_jumppad:
0x0: {  	(pc) =	sbr.rel $0x88, $3  }
0x1: {  	(tag) =	ssettag $0x0;
	lr =	simm.s32 $0x1  }
0x2: {  	[smem:$0x3F9F] =	sst lr;
	_ =	strace $0xD0000000  }
0x3: {  	_ = 	snop  }
0x4: {  	_ = 	snop  }
0x5: {  	_ = 	snop  }
0x6: {  	_ = 	snop  }
0x7: {  	_ = 	snop  }
__scs_overlays_trampoline_lowered:
0x8: {  	[smem:$0x3FAE] =	sst s0  }
0x9: {  	[smem:$0x3FAF] =	sst s1  }
0xa: {  	[smem:$0x3FB0] =	sst s2  }
0xb: {  	[smem:$0x3FB1] =	sst s3  }
0xc: {  	[smem:$0x3FB2] =	sst s4  }
0xd: {  	[smem:$0x3FB3] =	sst s5  }
0xe: {  	[smem:$0x3FB4] =	sst s6  }
0xf: {  	[smem:$0x3FB5] =	sst s7  }
0x10: {  	[smem:$0x3FB6] =	sst s8  }
0x11: {  	[smem:$0x3FB7] =	sst s9;
	s0 =	simm.s32 @!p0 $0x0  }
0x12: {  	s1 =	sld [smem:$0x3F9D];
	s0 =	simm.s32 @p0 $0x1  }
0x13: {  	[smem:$0x3FB8] =	sst s0;
	s0 =	simm.s32 @!p1 $0x0  }
0x14: {  	s2 =	sld [smem:$0x3F9C];
	s0 =	simm.s32 @p1 $0x1  }
0x15: {  	[smem:$0x3FB9] =	sst s0;
	s0 =	simm.s32 @!p2 $0x0  }
0x16: {  	s3 =	sld [smem:$0x3FDB];
	s0 =	simm.s32 @p2 $0x1  }
0x17: {  	s4 =	simm.s32 $0x1BF5;
	[smem:$0x3FBB] =	sst s0  }
0x18: {  	s0 =	sld [smem:$0x3F9E];
	_ =	swait.ge [sflag:s4], $0x0  }
0x19: {  	s7 =	sld [smem:$0x3F9F]  }
0x1a: {  	s8 =	sadd.s32 $0xFFFFE003, lr  }
0x1b: {  	s9 =	sadd.s32 $0xFFFFFEF7, lr;
	s5 =	simm.s32 $0xFFFFFFFF;
	p2 =	slt.u32 s8, $0xFFFFF086  }
0x1c: {  	p1 =	slt.u32 s9, $0xF7A;
	s5 =	simm.s32 @!p2 $0x0  }
0x1d: {  	s5 =	simm.s32 @p1 $0x1;
	p0 =	seq.s32 s7, s2  }
0x1e: {  	s7 =	smul.u32 @!p0 $0xF7A, s2;
	p2 =	seq.s32 @!p0 s5, $0x0  }
0x1f: {  	s9 =	smul.u32 $0xF7A, s1;
	s8 =	simm.s32 @!p0 $0x1BF5;
	p2 =	por !p2, p0  }
0x20: {  	[sflag:s8] =	ssyncset.s32 @!p0 $0xFFFFF086;
	s6 =	sadd.s32 @!p0 s3, s7;
	s7 =	simm.s32 @!p0 $0x108  }
0x21: {  	s3 =	sadd.s32 s3, s9;
	s6 =	sadd.s32 @!p0 $0x88, s6;
	s7 =	simm.s32 @p2 $0x1082  }
0x22: {  	[simem:s7], [sflag:s8] =	dma.local @!p0 [hbm:s6], $0xF7A  }
0x23: {  	s9 =	sor.u32 $0xD0000000, s2;
	s6 =	simm.s32 $0x108;
	_ =	swait.ge @!p0 [sflag:s8], $0x0  }
0x24: {  	s3 =	sadd.s32 $0x88, s3;
	s6 =	simm.s32 @!p1 $0x1082;
	[sflag:s4] =	ssyncset.s32 $0xFFFFF086  }
0x25: {  	[simem:s6], [sflag:s4] =	dma.local [hbm:s3], $0xF7A  }
0x26: {  	[smem:$0x3F9F] =	sst s1;
	(tag) =	ssettag s2;
	_ =	strace s9  }
0x27: {  	s1 =	sld [smem:$0x3FAF]  }
0x28: {  	s2 =	sld [smem:$0x3FB0]  }
0x29: {  	s4 =	sld [smem:$0x3FB2]  }
0x2a: {  	p0 =	seq.s32 s5, $0x0;
	s5 =	sld [smem:$0x3FB3]  }
0x2b: {  	s6 =	sld [smem:$0x3FB4]  }
0x2c: {  	s7 =	sld [smem:$0x3FB5]  }
0x2d: {  	s3 =	simm.s32 $0x108;
	s8 =	sld [smem:$0x3FB6]  }
0x2e: {  	s3 =	simm.s32 @!p0 $0x1082;
	s9 =	sld [smem:$0x3FB7]  }
0x2f: {  	lr =	sadd.s32 s0, s3;
	s0 =	sld [smem:$0x3FAE]  }
0x30: {  	s3 =	sld [smem:$0x3FB1]  }
0x31: {  	[smem:$0x3FBA] =	sst s10  }
0x32: {  	s10 =	sld [smem:$0x3FB8];
	_ =	sdelay $0x3  }
0x33: {  	p0 =	seq.s32 s10, $0x1;
	s10 =	sld [smem:$0x3FBA];
	_ =	sdelay $0x3  }
0x34: {  	[smem:$0x3FBA] =	sst s10  }
0x35: {  	s10 =	sld [smem:$0x3FB9];
	_ =	sdelay $0x3  }
0x36: {  	p1 =	seq.s32 s10, $0x1;
	s10 =	sld [smem:$0x3FBA];
	_ =	sdelay $0x3  }
0x37: {  	[smem:$0x3FBA] =	sst s10  }
0x38: {  	s10 =	sld [smem:$0x3FBB]  }
0x39: {  	_ = 	snop;
	(pc) =	sbr.ind lr, $3  }
0x3a: {  	_ = 	snop  }
0x3b: {  	_ = 	snop  }
0x3c: {  	p2 =	seq.s32 s10, $0x1;
	s10 =	sld [smem:$0x3FBA]  }
0x3d: {  	_ =	shalt  }
0x3e: {  	_ =	shalt  }
0x3f: {  	_ =	shalt  }
0x40: {  	_ =	shalt  }
0x41: {  	_ =	shalt  }
0x42: {  	_ =	shalt  }
0x43: {  	_ =	shalt  }
0x44: {  	_ =	shalt  }
0x45: {  	_ =	shalt  }
0x46: {  	_ =	shalt  }
0x47: {  	_ =	shalt  }
0x48: {  	_ =	shalt  }
0x49: {  	_ =	shalt  }
0x4a: {  	_ =	shalt  }
0x4b: {  	_ =	shalt  }
0x4c: {  	_ =	shalt  }
0x4d: {  	_ =	shalt  }
0x4e: {  	_ =	shalt  }
0x4f: {  	_ =	shalt  }
0x50: {  	_ =	shalt  }
0x51: {  	_ =	shalt  }
0x52: {  	_ =	shalt  }
0x53: {  	_ =	shalt  }
0x54: {  	_ =	shalt  }
0x55: {  	_ =	shalt  }
0x56: {  	_ =	shalt  }
0x57: {  	_ =	shalt  }
0x58: {  	_ =	shalt  }
0x59: {  	_ =	shalt  }
0x5a: {  	_ =	shalt  }
0x5b: {  	_ =	shalt  }
0x5c: {  	_ =	shalt  }
0x5d: {  	_ =	shalt  }
0x5e: {  	_ =	shalt  }
0x5f: {  	_ =	shalt  }
0x60: {  	_ =	shalt  }
0x61: {  	_ =	shalt  }
0x62: {  	_ =	shalt  }
0x63: {  	_ =	shalt  }
0x64: {  	_ =	shalt  }
0x65: {  	_ =	shalt  }
0x66: {  	_ =	shalt  }
0x67: {  	_ =	shalt  }
0x68: {  	_ =	shalt  }
0x69: {  	_ =	shalt  }
0x6a: {  	_ =	shalt  }
0x6b: {  	_ =	shalt  }
0x6c: {  	_ =	shalt  }
0x6d: {  	_ =	shalt  }
0x6e: {  	_ =	shalt  }
0x6f: {  	_ =	shalt  }
0x70: {  	_ =	shalt  }
0x71: {  	_ =	shalt  }
0x72: {  	_ =	shalt  }
0x73: {  	_ =	shalt  }
0x74: {  	_ =	shalt  }
0x75: {  	_ =	shalt  }
0x76: {  	_ =	shalt  }
0x77: {  	_ =	shalt  }
0x78: {  	_ =	shalt  }
0x79: {  	_ =	shalt  }
0x7a: {  	_ =	shalt  }
0x7b: {  	_ =	shalt  }
0x7c: {  	_ =	shalt  }
0x7d: {  	_ =	shalt  }
0x7e: {  	_ =	shalt  }
0x7f: {  	_ =	shalt  }
0x80: {  	_ =	shalt  }
0x81: {  	_ =	shalt  }
0x82: {  	_ =	shalt  }
0x83: {  	_ =	shalt  }
0x84: {  	_ =	shalt  }
0x85: {  	_ =	shalt  }
0x86: {  	_ =	shalt  }
0x87: {  	_ =	shalt  }
.Lfunc_end0:
.L_simem_size_0:
called_computation_lowered:
.L_overlay_start_0:
0x88: {  	s2 =	sld [smem:$0x3FD9]  }
0x89: {  	s3 =	sld [smem:$0x3FFE];
	_ =	sdelay $0x1  }
0x8a: {  	s1 =	srdreg.scid  }
0x8b: {  	s0 =	sand.u32 $0x1, s1  }
0x8c: {  	s17 =	sshll.u32 s0, $0xA;
	s2 =	sadd.s32 s3, s2  }
0x8d: {  	s2 =	sadd.s32 s2, s17  }
0x8e: {  	[smem:$0x3FC6] =	sst s2  }
0x8f: {  	_ = 	snop  }
0x90: {  	s2 =	sld [smem:$0x3FD0];
	(tm) =	ssettm $0x1  }
0x91: {  	s18 =	sld [smem:$0x3FFB];
	_ =	sdelay $0x3  }
0x92: {  	_ =	strace s18  }
0x93: {  	s3 =	sld [smem:$0x3FFC];
	_ =	sdelay $0x3  }
0x94: {  	_ =	strace s3  }
0x95: {  	s3 =	sld [smem:$0x3FFD];
	_ =	sdelay $0x3  }
0x96: {  	_ =	strace s3  }
0x97: {  	_ =	strace $0x8FFFFFFF  }
0x98: {  	s19 =	sld [smem:$0x3FDB];
	_ =	sdelay $0x1  }
0x99: {  	s4 =	simm.s32 $_scs_section_size  }
0x9a: {  	s5 =	simm.s32 $_size__tile_overlayer_lowered;
	s6 =	simm.s32 $_tile_overlayer_lowered  }
0x9b: {  	s22 =	simm.s32 $0x1BFF;
	s21 =	sshll.u32 s6, $0x1;
	s3 =	sadd.s32 s4, s19  }
0x9c: {  	s7 =	simm.s32 $0x0;
	s20 =	sshll.u32 s5, $0x1;
	s5 =	sadd.s32 s21, s3  }
0x9d: {  	[timem:s7], [sflag:s22] =	dma.local [hbm:s5], s20  }
0x9e: {  	_ =	swait.ge [sflag:s22], s20  }
0x9f: {  	s4 =	ssub.s32 $0x0, s20;
	[sflag:s22] =	ssyncset.done $0x0  }
0xa0: {  	[sflag:s22] =	ssyncadd.s32 s4;
	_ =	sdelay $0x1  }
0xa1: {  	s23 =	simm.s32 $0x1B8B  }
0xa2: {  	_ =	swait.ge [sflag:s23], $0x1  }
0xa3: {  	[sflag:s23] =	ssyncset.done $0x0  }
0xa4: {  	s25 =	simm.s32 $0x1B8E;
	s24 =	sld [smem:$0x3FFE];
	[sflag:s23] =	ssyncadd.s32 $0xFFFFFFFF  }
0xa5: {  	s26 =	simm.s32 $execute0_lowered;
	[smem:$0x3FD2] =	sst s25  }
0xa6: {  	s5 =	sshll.u32 s26, $0x1;
	_ =	strace $0x80000046;
	[dreg:$0x1] =	wrdreg $0xFFFFFFFF  }
0xa7: {  	s28 =	simm.s32 $_size_execute0_lowered;
	s3 =	sadd.s32 s3, s5;
	[dreg:$0x0] =	wrdreg $0x0  }
0xa8: {  	s5 =	sshll.u32 s28, $0x1;
	[dreg:$0x2] =	wrdreg s3  }
0xa9: {  	[dreg:$0x3] =	wrdreg s5  }
0xaa: {  	[dreg:$0x4] =	wrdreg $0xC0  }
0xab: {  	_ =	task [dreg:s7], $0x5FFFF  }
0xac: {  	[dreg:$0x1] =	wrdreg $0xFFFFFFFF  }
0xad: {  	[dreg:$0x0] =	wrdreg $0x60  }
0xae: {  	[dreg:$0x2] =	wrdreg s2  }
0xaf: {  	[dreg:$0x3] =	wrdreg s24  }
0xb0: {  	[dreg:$0x4] =	wrdreg $0x9  }
0xb1: {  	_ =	task.clear_ibuf [dreg:s7], $0x5FFFF;
	_ =	strace $0x90000046  }
0xb2: {  	s29 =	simm.s32 $0x9;
	_ =	strace $0x80000048  }
0xb3: {  	_ =	swait.ge [sflag:s29], $0x1  }
0xb4: {  	[sflag:s29] =	ssyncadd.s32 $0xFFFFFFFF  }
0xb5: {  	_ =	strace $0x90000048  }
0xb6: {  	_ =	sfence  }
0xb7: {  	s30 =	sld [smem:$0x0];
	_ =	sdelay $0x2  }
0xb8: {  	s31 =	sshll.u32 s1, $0xD;
	s1 =	sshrl.u32 s1, $0x2  }
0xb9: {  	s3 =	sand.u32 $0x4000, s31;
	s1 =	sadd.s32 s1, s30  }
0xba: {  	s0 =	sor.u32 s3, s0;
	s1 =	sshll.u32 s1, $0x11  }
0xbb: {  	s0 =	sor.u32 s1, s0  }
0xbc: {  	s0 =	sadd.s32 $0x8F2B, s0  }
0xbd: {  	[sflag:s0] =	ssyncadd.remote.s32 $0x1  }
0xbe: {  	_ =	sfence.sel $0xFFFF  }
0xbf: {  	[dreg:$0x0] =	wrdreg $0xFFFFFFFF;
	(pc) =	sbr.abs _section_cstart, $3  }
0xc0: {  	[dreg:$0x1] =	wrdreg $0xFFFFFFFF  }
0xc1: {  	_ =	task.clear_ibuf [dreg:s7], $0x2FFFF;
	_ =	strace $0x9FFFFFFF  }
0xc2: {  	(tm) =	ssettm $0x7FFFFFFF  }
0xc3: {  	_ =	shalt  }
tec
execute0_lowered:
.L_overlay_start_1:
0x0: {  	(tag) =	ssettag $0x1  }
0x1: {  	s0 =	srdreg.scid;
	s12 =	stileid.u32  }
0x2: {  	s2 =	sand.u32 $0x1, s0;
	s10 =	sshll.u32 s12, $0x1  }
0x3: {  	s3 =	rddreg [dreg:$0x0];
	s0 =	sor.u32 s2, s10  }
0x4: {  	s1 =	rddreg [dreg:$0x1];
	s4 =	sshll.u32 s0, $0xD  }
0x5: {  	s29 =	simm.s32 $0x0;
	s0 =	sshll.u32 s0, $0x6;
	s4 =	sor.u32 s12, s4  }
0x6: {  	[smem:$0x7FF] =	sst s29;
	s0 =	sadd.s32 s3, s0;
	s4 =	sand.u32 $0xE00C, s4  }
0x7: {  	_ =	strace $0x80000047;
	[dreg:$0x3] =	wrdreg s0;
	s4 =	sadd.s32 s4, s1  }
0x8: {  	s0 =	rddreg [dreg:$0x3];
	s11 =	sadd.s32 $0x3E0400, s4  }
0x9: {  	s13 =	sadd.s32 $0x3F0400, s4;
	[dreg:$0x4] =	wrdreg s11  }
0xa: {  	s14 =	sadd.s32 $0x400400, s4;
	[dreg:$0x5] =	wrdreg s13  }
0xb: {  	s15 =	sadd.s32 $0x410400, s4;
	[dreg:$0x6] =	wrdreg s14  }
0xc: {  	s16 =	sadd.s32 $0x420400, s4;
	[dreg:$0x7] =	wrdreg s15  }
0xd: {  	s17 =	sadd.s32 $0x430400, s4;
	[dreg:$0x8] =	wrdreg s16  }
0xe: {  	s18 =	sadd.s32 $0x440400, s4;
	[dreg:$0x9] =	wrdreg s17  }
0xf: {  	s19 =	sadd.s32 $0x450400, s4;
	[dreg:$0xa] =	wrdreg s18  }
0x10: {  	s20 =	sadd.s32 $0x460400, s4;
	[dreg:$0xb] =	wrdreg s19  }
0x11: {  	s21 =	sadd.s32 $0x470400, s4;
	[dreg:$0xc] =	wrdreg s20  }
0x12: {  	s22 =	sadd.s32 $0x480400, s4;
	[dreg:$0xd] =	wrdreg s21  }
0x13: {  	s23 =	sadd.s32 $0x490400, s4;
	[dreg:$0xe] =	wrdreg s22  }
0x14: {  	s24 =	sadd.s32 $0x4A0400, s4;
	[dreg:$0xf] =	wrdreg s23  }
0x15: {  	s25 =	sadd.s32 $0x4B0400, s4;
	[dreg:$0x10] =	wrdreg s24  }
0x16: {  	s26 =	sadd.s32 $0x4C0400, s4;
	[dreg:$0x11] =	wrdreg s25  }
0x17: {  	s3 =	sadd.s32 $0x4D0400, s4;
	[dreg:$0x12] =	wrdreg s26  }
0x18: {  	s5 =	sadd.s32 $0x4E0400, s4;
	[dreg:$0x13] =	wrdreg s3  }
0x19: {  	s6 =	sadd.s32 $0x4F0400, s4;
	[dreg:$0x14] =	wrdreg s5  }
0x1a: {  	s7 =	sadd.s32 $0x500400, s4;
	[dreg:$0x15] =	wrdreg s6  }
0x1b: {  	s31 =	simm.s32 $0x5;
	s8 =	sadd.s32 $0x510400, s4;
	[dreg:$0x16] =	wrdreg s7  }
0x1c: {  	s30 =	simm.s32 $0x1400;
	s9 =	sadd.s32 $0x520400, s4;
	[dreg:$0x17] =	wrdreg s8  }
0x1d: {  	s28 =	simm.s32 $0x1600;
	s10 =	sadd.s32 $0x530400, s4;
	[dreg:$0x18] =	wrdreg s9  }
0x1e: {  	p0 =	por $0x0, $0x0;
	[dreg:$0x19] =	wrdreg s10;
	s11 =	sadd.s32 $0x540400, s4  }
0x1f: {  	s13 =	sadd.s32 $0x550400, s4;
	s14 =	ssub.s32 $0x2, s2;
	[dreg:$0x1a] =	wrdreg s11  }
0x20: {  	s15 =	sadd.s32 $0x560400, s4;
	s16 =	sadd.s32 $0x570400, s4;
	[dreg:$0x1b] =	wrdreg s13  }
0x21: {  	s2 =	sadd.s32 $0x400, s1;
	s3 =	simm.s32 $0x200;
	[dreg:$0x1c] =	wrdreg s15  }
0x22: {  	s19 =	simm.s32 $0x4000;
	s20 =	simm.s32 $0x400;
	[dreg:$0x1d] =	wrdreg s16  }
0x23: {  	s21 =	simm.s32 $0x600;
	s8 =	simm.s32 $0x1;
	[dreg:$0x1e] =	wrdreg s19  }
0x24: {  	s22 =	simm.s32 $0x800;
	s4 =	simm.s32 $0x20;
	[dreg:$0x1f] =	wrdreg s20  }
0x25: {  	s23 =	simm.s32 $0xA00;
	s6 =	simm.s32 $0x80;
	[smem:$0x7F8] =	sst s21  }
0x26: {  	s24 =	simm.s32 $0xC00;
	s7 =	simm.s32 $0x7400;
	[smem:$0x7F9] =	sst s22  }
0x27: {  	s25 =	simm.s32 $0xE00;
	s26 =	simm.s32 $0x1000;
	[smem:$0x7FA] =	sst s23  }
0x28: {  	s10 =	simm.s32 $0x3;
	s5 =	sshrl.u32 s14, $0x1;
	[smem:$0x7FB] =	sst s24  }
0x29: {  	s9 =	simm.s32 $0x4;
	[smem:$0x7FC] =	sst s25;
	s17 =	ssub.s32 s14, s5  }
0x2a: {  	s11 =	simm.s32 $0x2;
	[smem:$0x7FD] =	sst s26;
	s18 =	smax.u32 s17, $0x1  }
0x2b: {  	s26 =	simm.s32 $0x1800;
	s25 =	simm.s32 $0x1A00;
	p1 =	sne.s32 s18, $0x1  }
.Ltmp0:
0x2c: {  	s24 =	simm.s32 $0x1C00;
	s23 =	simm.s32 $0x1E00;
	(pc) =	sbr.rel @!p1 .LBB2_1-.Ltmp0, $4  }
0x2d: {  	s22 =	simm.s32 $0x2000;
	s21 =	simm.s32 $0x2200;
	s20 =	simm.s32 $0x2400  }
0x2e: {  	s19 =	simm.s32 $0x2600;
	s16 =	simm.s32 $0x2C00;
	s15 =	simm.s32 $0x2E00  }
0x2f: {  	s13 =	simm.s32 $0x3200;
	s5 =	simm.s32 $0x3400;
	s14 =	simm.s32 $0x3000  }
0x30: {  	s17 =	simm.s32 $0x2A00;
	s1 =	sadd.s32 $0xFFFFFFFF, s18;
	s18 =	simm.s32 $0x2800  }
0x31: {  	s12 =	smov.u32 s1;
	s1 =	rddreg [dreg:$0x1e]  }
0x32: {  	[tilespmem:s29], [sflag:$0x5] =	stream.strided.gather [hbm4b:s0+s3], $0x3400, s1, s3, $0x38;
	[tilespmem:$0xB400] =	vst v63  }
0x33: {  	_ =	swait.ge [sflag:s31], $0x3400  }
0x34: {  	[sflag:s31] =	ssyncset.done $0x0  }
0x35: {  	[sflag:s31] =	ssyncadd.s32 $0xFFFFCC00  }
0x36: {  	[tilespmem:s5], [sflag:$0x1] =	stream.indirect.gather [hbm4b:s2+s3], $0x20, s29, s3, $0xb8;
	[tilespmem:$0xB400] =	vst v63  }
0x37: {  	_ =	swait.ge [sflag:s8], $0x4000  }
0x38: {  	[sflag:s8] =	ssyncset.done $0x0  }
0x39: {  	s1 =	rddreg [dreg:$0x4];
	[sflag:s8] =	ssyncadd.s32 $0xFFFFC000  }
0x3a: {  	[hbm4b:s1+s4] =	stream.strided.scatter [tilespmem:s5], [sflag:$0x3], $0x4000, s6, s4, $0x38;
	[tilespmem:$0xB400] =	vst v63  }
0x3b: {  	_ = 	snop  }
0x3c: {  	[tilespmem:s7], [sflag:$0x2] =	stream.indirect.gather [hbm4b:s2+s3], $0x20, s3, s3, $0xb8;
	[tilespmem:$0xB400] =	vst v63  }
0x3d: {  	_ =	swait.ge [sflag:s11], $0x4000  }
0x3e: {  	[sflag:s11] =	ssyncset.done $0x0  }
0x3f: {  	s1 =	rddreg [dreg:$0x5];
	[sflag:s11] =	ssyncadd.s32 $0xFFFFC000  }
0x40: {  	[hbm4b:s1+s4] =	stream.strided.scatter [tilespmem:s7], [sflag:$0x4], $0x4000, s6, s4, $0x38;
	[tilespmem:$0xB400] =	vst v63  }
0x41: {  	_ =	swait.ge [sflag:s10], $0x4000  }
0x42: {  	[sflag:s10] =	ssyncset.done $0x0  }
0x43: {  	s1 =	rddreg [dreg:$0x1f];
	[sflag:s10] =	ssyncadd.s32 $0xFFFFC000  }
0x44: {  	[tilespmem:s5], [sflag:$0x1] =	stream.indirect.gather [hbm4b:s2+s3], $0x20, s1, s3, $0xb8;
	[tilespmem:$0xB400] =	vst v63  }
0x45: {  	_ =	swait.ge [sflag:s8], $0x4000  }
0x46: {  	[sflag:s8] =	ssyncset.done $0x0  }
0x47: {  	s1 =	rddreg [dreg:$0x6];
	[sflag:s8] =	ssyncadd.s32 $0xFFFFC000  }
0x48: {  	[hbm4b:s1+s4] =	stream.strided.scatter [tilespmem:s5], [sflag:$0x3], $0x4000, s6, s4, $0x38;
	[tilespmem:$0xB400] =	vst v63  }
0x49: {  	_ =	swait.ge [sflag:s9], $0x4000  }
0x4a: {  	s1 =	sld [smem:$0x7F8]  }
0x4b: {  	[sflag:s9] =	ssyncset.done $0x0  }
0x4c: {  	[sflag:s9] =	ssyncadd.s32 $0xFFFFC000  }
0x4d: {  	[tilespmem:s7], [sflag:$0x2] =	stream.indirect.gather [hbm4b:s2+s3], $0x20, s1, s3, $0xb8;
	[tilespmem:$0xB400] =	vst v63  }
0x4e: {  	_ =	swait.ge [sflag:s11], $0x4000  }
0x4f: {  	[sflag:s11] =	ssyncset.done $0x0  }
0x50: {  	s1 =	rddreg [dreg:$0x7];
	[sflag:s11] =	ssyncadd.s32 $0xFFFFC000  }
0x51: {  	[hbm4b:s1+s4] =	stream.strided.scatter [tilespmem:s7], [sflag:$0x4], $0x4000, s6, s4, $0x38;
	[tilespmem:$0xB400] =	vst v63  }
0x52: {  	_ =	swait.ge [sflag:s10], $0x4000  }
0x53: {  	s1 =	sld [smem:$0x7F9]  }
0x54: {  	[sflag:s10] =	ssyncset.done $0x0  }
0x55: {  	[sflag:s10] =	ssyncadd.s32 $0xFFFFC000  }
0x56: {  	[tilespmem:s5], [sflag:$0x1] =	stream.indirect.gather [hbm4b:s2+s3], $0x20, s1, s3, $0xb8;
	[tilespmem:$0xB400] =	vst v63  }
0x57: {  	_ =	swait.ge [sflag:s8], $0x4000  }
0x58: {  	[sflag:s8] =	ssyncset.done $0x0  }
0x59: {  	s1 =	rddreg [dreg:$0x8];
	[sflag:s8] =	ssyncadd.s32 $0xFFFFC000  }
0x5a: {  	[hbm4b:s1+s4] =	stream.strided.scatter [tilespmem:s5], [sflag:$0x3], $0x4000, s6, s4, $0x38;
	[tilespmem:$0xB400] =	vst v63  }
0x5b: {  	_ =	swait.ge [sflag:s9], $0x4000  }
0x5c: {  	s1 =	sld [smem:$0x7FA]  }
0x5d: {  	[sflag:s9] =	ssyncset.done $0x0  }
0x5e: {  	[sflag:s9] =	ssyncadd.s32 $0xFFFFC000  }
0x5f: {  	[tilespmem:s7], [sflag:$0x2] =	stream.indirect.gather [hbm4b:s2+s3], $0x20, s1, s3, $0xb8;
	[tilespmem:$0xB400] =	vst v63  }
0x60: {  	_ =	swait.ge [sflag:s11], $0x4000  }
0x61: {  	[sflag:s11] =	ssyncset.done $0x0  }
0x62: {  	s1 =	rddreg [dreg:$0x9];
	[sflag:s11] =	ssyncadd.s32 $0xFFFFC000  }
0x63: {  	[hbm4b:s1+s4] =	stream.strided.scatter [tilespmem:s7], [sflag:$0x4], $0x4000, s6, s4, $0x38;
	[tilespmem:$0xB400] =	vst v63  }
0x64: {  	_ =	swait.ge [sflag:s10], $0x4000  }
0x65: {  	s1 =	sld [smem:$0x7FB]  }
0x66: {  	[sflag:s10] =	ssyncset.done $0x0  }
0x67: {  	[sflag:s10] =	ssyncadd.s32 $0xFFFFC000  }
0x68: {  	[tilespmem:s5], [sflag:$0x1] =	stream.indirect.gather [hbm4b:s2+s3], $0x20, s1, s3, $0xb8;
	[tilespmem:$0xB400] =	vst v63  }
0x69: {  	_ =	swait.ge [sflag:s8], $0x4000  }
0x6a: {  	[sflag:s8] =	ssyncset.done $0x0  }
0x6b: {  	s1 =	rddreg [dreg:$0xa];
	[sflag:s8] =	ssyncadd.s32 $0xFFFFC000  }
0x6c: {  	[hbm4b:s1+s4] =	stream.strided.scatter [tilespmem:s5], [sflag:$0x3], $0x4000, s6, s4, $0x38;
	[tilespmem:$0xB400] =	vst v63  }
0x6d: {  	_ =	swait.ge [sflag:s9], $0x4000  }
0x6e: {  	s1 =	sld [smem:$0x7FC]  }
0x6f: {  	[sflag:s9] =	ssyncset.done $0x0  }
0x70: {  	[sflag:s9] =	ssyncadd.s32 $0xFFFFC000  }
0x71: {  	[tilespmem:s7], [sflag:$0x2] =	stream.indirect.gather [hbm4b:s2+s3], $0x20, s1, s3, $0xb8;
	[tilespmem:$0xB400] =	vst v63  }
0x72: {  	_ =	swait.ge [sflag:s11], $0x4000  }
0x73: {  	[sflag:s11] =	ssyncset.done $0x0  }
0x74: {  	s1 =	rddreg [dreg:$0xb];
	[sflag:s11] =	ssyncadd.s32 $0xFFFFC000  }
0x75: {  	[hbm4b:s1+s4] =	stream.strided.scatter [tilespmem:s7], [sflag:$0x4], $0x4000, s6, s4, $0x38;
	[tilespmem:$0xB400] =	vst v63  }
0x76: {  	_ =	swait.ge [sflag:s10], $0x4000  }
0x77: {  	s1 =	sld [smem:$0x7FD]  }
0x78: {  	[sflag:s10] =	ssyncset.done $0x0  }
0x79: {  	[sflag:s10] =	ssyncadd.s32 $0xFFFFC000  }
0x7a: {  	[tilespmem:s5], [sflag:$0x1] =	stream.indirect.gather [hbm4b:s2+s3], $0x20, s1, s3, $0xb8;
	[tilespmem:$0xB400] =	vst v63  }
0x7b: {  	_ =	swait.ge [sflag:s8], $0x4000  }
0x7c: {  	[sflag:s8] =	ssyncset.done $0x0  }
0x7d: {  	s1 =	rddreg [dreg:$0xc];
	[sflag:s8] =	ssyncadd.s32 $0xFFFFC000  }
0x7e: {  	[hbm4b:s1+s4] =	stream.strided.scatter [tilespmem:s5], [sflag:$0x3], $0x4000, s6, s4, $0x38;
	[tilespmem:$0xB400] =	vst v63  }
0x7f: {  	_ =	swait.ge [sflag:s9], $0x4000  }
0x80: {  	[sflag:s9] =	ssyncset.done $0x0  }
0x81: {  	s1 =	simm.s32 $0x1200;
	[sflag:s9] =	ssyncadd.s32 $0xFFFFC000  }
0x82: {  	[tilespmem:s7], [sflag:$0x2] =	stream.indirect.gather [hbm4b:s2+s3], $0x20, s1, s3, $0xb8;
	[tilespmem:$0xB400] =	vst v63  }
0x83: {  	_ =	swait.ge [sflag:s11], $0x4000  }
0x84: {  	[sflag:s11] =	ssyncset.done $0x0  }
0x85: {  	s1 =	rddreg [dreg:$0xd];
	[sflag:s11] =	ssyncadd.s32 $0xFFFFC000  }
0x86: {  	[hbm4b:s1+s4] =	stream.strided.scatter [tilespmem:s7], [sflag:$0x4], $0x4000, s6, s4, $0x38;
	[tilespmem:$0xB400] =	vst v63  }
0x87: {  	_ =	swait.ge [sflag:s10], $0x4000  }
0x88: {  	[sflag:s10] =	ssyncset.done $0x0  }
0x89: {  	[sflag:s10] =	ssyncadd.s32 $0xFFFFC000  }
0x8a: {  	[tilespmem:s5], [sflag:$0x1] =	stream.indirect.gather [hbm4b:s2+s3], $0x20, s30, s3, $0xb8;
	[tilespmem:$0xB400] =	vst v63  }
0x8b: {  	_ =	swait.ge [sflag:s8], $0x4000  }
0x8c: {  	[sflag:s8] =	ssyncset.done $0x0  }
0x8d: {  	s1 =	rddreg [dreg:$0xe];
	[sflag:s8] =	ssyncadd.s32 $0xFFFFC000  }
0x8e: {  	[hbm4b:s1+s4] =	stream.strided.scatter [tilespmem:s5], [sflag:$0x3], $0x4000, s6, s4, $0x38;
	[tilespmem:$0xB400] =	vst v63  }
0x8f: {  	_ =	swait.ge [sflag:s9], $0x4000  }
0x90: {  	[sflag:s9] =	ssyncset.done $0x0  }
0x91: {  	[sflag:s9] =	ssyncadd.s32 $0xFFFFC000  }
0x92: {  	[tilespmem:s7], [sflag:$0x2] =	stream.indirect.gather [hbm4b:s2+s3], $0x20, s28, s3, $0xb8;
	[tilespmem:$0xB400] =	vst v63  }
0x93: {  	_ =	swait.ge [sflag:s11], $0x4000  }
0x94: {  	[sflag:s11] =	ssyncset.done $0x0  }
0x95: {  	s1 =	rddreg [dreg:$0xf];
	[sflag:s11] =	ssyncadd.s32 $0xFFFFC000  }
0x96: {  	[hbm4b:s1+s4] =	stream.strided.scatter [tilespmem:s7], [sflag:$0x4], $0x4000, s6, s4, $0x38;
	[tilespmem:$0xB400] =	vst v63  }
0x97: {  	_ =	swait.ge [sflag:s10], $0x4000  }
0x98: {  	[sflag:s10] =	ssyncset.done $0x0  }
0x99: {  	[sflag:s10] =	ssyncadd.s32 $0xFFFFC000  }
0x9a: {  	[tilespmem:s5], [sflag:$0x1] =	stream.indirect.gather [hbm4b:s2+s3], $0x20, s26, s3, $0xb8;
	[tilespmem:$0xB400] =	vst v63  }
0x9b: {  	_ =	swait.ge [sflag:s8], $0x4000  }
0x9c: {  	[sflag:s8] =	ssyncset.done $0x0  }
0x9d: {  	s1 =	rddreg [dreg:$0x10];
	[sflag:s8] =	ssyncadd.s32 $0xFFFFC000  }
0x9e: {  	[hbm4b:s1+s4] =	stream.strided.scatter [tilespmem:s5], [sflag:$0x3], $0x4000, s6, s4, $0x38;
	[tilespmem:$0xB400] =	vst v63  }
0x9f: {  	_ =	swait.ge [sflag:s9], $0x4000  }
0xa0: {  	[sflag:s9] =	ssyncset.done $0x0  }
0xa1: {  	[sflag:s9] =	ssyncadd.s32 $0xFFFFC000  }
0xa2: {  	[tilespmem:s7], [sflag:$0x2] =	stream.indirect.gather [hbm4b:s2+s3], $0x20, s25, s3, $0xb8;
	[tilespmem:$0xB400] =	vst v63  }
0xa3: {  	_ =	swait.ge [sflag:s11], $0x4000  }
0xa4: {  	[sflag:s11] =	ssyncset.done $0x0  }
0xa5: {  	s1 =	rddreg [dreg:$0x11];
	[sflag:s11] =	ssyncadd.s32 $0xFFFFC000  }
0xa6: {  	[hbm4b:s1+s4] =	stream.strided.scatter [tilespmem:s7], [sflag:$0x4], $0x4000, s6, s4, $0x38;
	[tilespmem:$0xB400] =	vst v63  }
0xa7: {  	_ =	swait.ge [sflag:s10], $0x4000  }
0xa8: {  	[sflag:s10] =	ssyncset.done $0x0  }
0xa9: {  	[sflag:s10] =	ssyncadd.s32 $0xFFFFC000  }
0xaa: {  	[tilespmem:s5], [sflag:$0x1] =	stream.indirect.gather [hbm4b:s2+s3], $0x20, s24, s3, $0xb8;
	[tilespmem:$0xB400] =	vst v63  }
0xab: {  	_ =	swait.ge [sflag:s8], $0x4000  }
0xac: {  	[sflag:s8] =	ssyncset.done $0x0  }
0xad: {  	s1 =	rddreg [dreg:$0x12];
	[sflag:s8] =	ssyncadd.s32 $0xFFFFC000  }
0xae: {  	[hbm4b:s1+s4] =	stream.strided.scatter [tilespmem:s5], [sflag:$0x3], $0x4000, s6, s4, $0x38;
	[tilespmem:$0xB400] =	vst v63  }
0xaf: {  	_ =	swait.ge [sflag:s9], $0x4000  }
0xb0: {  	[sflag:s9] =	ssyncset.done $0x0  }
0xb1: {  	[sflag:s9] =	ssyncadd.s32 $0xFFFFC000  }
0xb2: {  	[tilespmem:s7], [sflag:$0x2] =	stream.indirect.gather [hbm4b:s2+s3], $0x20, s23, s3, $0xb8;
	[tilespmem:$0xB400] =	vst v63  }
0xb3: {  	_ =	swait.ge [sflag:s11], $0x4000  }
0xb4: {  	[sflag:s11] =	ssyncset.done $0x0  }
0xb5: {  	s1 =	rddreg [dreg:$0x13];
	[sflag:s11] =	ssyncadd.s32 $0xFFFFC000  }
0xb6: {  	[hbm4b:s1+s4] =	stream.strided.scatter [tilespmem:s7], [sflag:$0x4], $0x4000, s6, s4, $0x38;
	[tilespmem:$0xB400] =	vst v63  }
0xb7: {  	_ =	swait.ge [sflag:s10], $0x4000  }
0xb8: {  	[sflag:s10] =	ssyncset.done $0x0  }
0xb9: {  	[sflag:s10] =	ssyncadd.s32 $0xFFFFC000  }
0xba: {  	[tilespmem:s5], [sflag:$0x1] =	stream.indirect.gather [hbm4b:s2+s3], $0x20, s22, s3, $0xb8;
	[tilespmem:$0xB400] =	vst v63  }
0xbb: {  	_ =	swait.ge [sflag:s8], $0x4000  }
0xbc: {  	[sflag:s8] =	ssyncset.done $0x0  }
0xbd: {  	s1 =	rddreg [dreg:$0x14];
	[sflag:s8] =	ssyncadd.s32 $0xFFFFC000  }
0xbe: {  	[hbm4b:s1+s4] =	stream.strided.scatter [tilespmem:s5], [sflag:$0x3], $0x4000, s6, s4, $0x38;
	[tilespmem:$0xB400] =	vst v63  }
0xbf: {  	_ =	swait.ge [sflag:s9], $0x4000  }
0xc0: {  	[sflag:s9] =	ssyncset.done $0x0  }
0xc1: {  	[sflag:s9] =	ssyncadd.s32 $0xFFFFC000  }
0xc2: {  	[tilespmem:s7], [sflag:$0x2] =	stream.indirect.gather [hbm4b:s2+s3], $0x20, s21, s3, $0xb8;
	[tilespmem:$0xB400] =	vst v63  }
0xc3: {  	_ =	swait.ge [sflag:s11], $0x4000  }
0xc4: {  	[sflag:s11] =	ssyncset.done $0x0  }
0xc5: {  	s1 =	rddreg [dreg:$0x15];
	[sflag:s11] =	ssyncadd.s32 $0xFFFFC000  }
0xc6: {  	[hbm4b:s1+s4] =	stream.strided.scatter [tilespmem:s7], [sflag:$0x4], $0x4000, s6, s4, $0x38;
	[tilespmem:$0xB400] =	vst v63  }
0xc7: {  	_ =	swait.ge [sflag:s10], $0x4000  }
0xc8: {  	[sflag:s10] =	ssyncset.done $0x0  }
0xc9: {  	[sflag:s10] =	ssyncadd.s32 $0xFFFFC000  }
0xca: {  	[tilespmem:s5], [sflag:$0x1] =	stream.indirect.gather [hbm4b:s2+s3], $0x20, s20, s3, $0xb8;
	[tilespmem:$0xB400] =	vst v63  }
0xcb: {  	_ =	swait.ge [sflag:s8], $0x4000  }
0xcc: {  	[sflag:s8] =	ssyncset.done $0x0  }
0xcd: {  	s1 =	rddreg [dreg:$0x16];
	[sflag:s8] =	ssyncadd.s32 $0xFFFFC000  }
0xce: {  	[hbm4b:s1+s4] =	stream.strided.scatter [tilespmem:s5], [sflag:$0x3], $0x4000, s6, s4, $0x38;
	[tilespmem:$0xB400] =	vst v63  }
0xcf: {  	_ =	swait.ge [sflag:s9], $0x4000  }
0xd0: {  	[sflag:s9] =	ssyncset.done $0x0  }
0xd1: {  	[sflag:s9] =	ssyncadd.s32 $0xFFFFC000  }
0xd2: {  	[tilespmem:s7], [sflag:$0x2] =	stream.indirect.gather [hbm4b:s2+s3], $0x20, s19, s3, $0xb8;
	[tilespmem:$0xB400] =	vst v63  }
0xd3: {  	_ =	swait.ge [sflag:s11], $0x4000  }
0xd4: {  	[sflag:s11] =	ssyncset.done $0x0  }
0xd5: {  	s1 =	rddreg [dreg:$0x17];
	[sflag:s11] =	ssyncadd.s32 $0xFFFFC000  }
0xd6: {  	[hbm4b:s1+s4] =	stream.strided.scatter [tilespmem:s7], [sflag:$0x4], $0x4000, s6, s4, $0x38;
	[tilespmem:$0xB400] =	vst v63  }
0xd7: {  	_ =	swait.ge [sflag:s10], $0x4000  }
0xd8: {  	[sflag:s10] =	ssyncset.done $0x0  }
0xd9: {  	[sflag:s10] =	ssyncadd.s32 $0xFFFFC000  }
0xda: {  	[tilespmem:s5], [sflag:$0x1] =	stream.indirect.gather [hbm4b:s2+s3], $0x20, s18, s3, $0xb8;
	[tilespmem:$0xB400] =	vst v63  }
0xdb: {  	_ =	swait.ge [sflag:s8], $0x4000  }
0xdc: {  	[sflag:s8] =	ssyncset.done $0x0  }
0xdd: {  	s1 =	rddreg [dreg:$0x18];
	[sflag:s8] =	ssyncadd.s32 $0xFFFFC000  }
0xde: {  	[hbm4b:s1+s4] =	stream.strided.scatter [tilespmem:s5], [sflag:$0x3], $0x4000, s6, s4, $0x38;
	[tilespmem:$0xB400] =	vst v63  }
0xdf: {  	_ =	swait.ge [sflag:s9], $0x4000  }
0xe0: {  	[sflag:s9] =	ssyncset.done $0x0  }
0xe1: {  	[sflag:s9] =	ssyncadd.s32 $0xFFFFC000  }
0xe2: {  	[tilespmem:s7], [sflag:$0x2] =	stream.indirect.gather [hbm4b:s2+s3], $0x20, s17, s3, $0xb8;
	[tilespmem:$0xB400] =	vst v63  }
0xe3: {  	_ =	swait.ge [sflag:s11], $0x4000  }
0xe4: {  	[sflag:s11] =	ssyncset.done $0x0  }
0xe5: {  	s1 =	rddreg [dreg:$0x19];
	[sflag:s11] =	ssyncadd.s32 $0xFFFFC000  }
0xe6: {  	[hbm4b:s1+s4] =	stream.strided.scatter [tilespmem:s7], [sflag:$0x4], $0x4000, s6, s4, $0x38;
	[tilespmem:$0xB400] =	vst v63  }
0xe7: {  	_ =	swait.ge [sflag:s10], $0x4000  }
0xe8: {  	[sflag:s10] =	ssyncset.done $0x0  }
0xe9: {  	[sflag:s10] =	ssyncadd.s32 $0xFFFFC000  }
0xea: {  	[tilespmem:s5], [sflag:$0x1] =	stream.indirect.gather [hbm4b:s2+s3], $0x20, s16, s3, $0xb8;
	[tilespmem:$0xB400] =	vst v63  }
0xeb: {  	_ =	swait.ge [sflag:s8], $0x4000  }
0xec: {  	[sflag:s8] =	ssyncset.done $0x0  }
0xed: {  	s1 =	rddreg [dreg:$0x1a];
	[sflag:s8] =	ssyncadd.s32 $0xFFFFC000  }
0xee: {  	[hbm4b:s1+s4] =	stream.strided.scatter [tilespmem:s5], [sflag:$0x3], $0x4000, s6, s4, $0x38;
	[tilespmem:$0xB400] =	vst v63  }
0xef: {  	_ =	swait.ge [sflag:s9], $0x4000  }
0xf0: {  	[sflag:s9] =	ssyncset.done $0x0  }
0xf1: {  	[sflag:s9] =	ssyncadd.s32 $0xFFFFC000  }
0xf2: {  	[tilespmem:s7], [sflag:$0x2] =	stream.indirect.gather [hbm4b:s2+s3], $0x20, s15, s3, $0xb8;
	[tilespmem:$0xB400] =	vst v63  }
0xf3: {  	_ =	swait.ge [sflag:s11], $0x4000  }
0xf4: {  	[sflag:s11] =	ssyncset.done $0x0  }
0xf5: {  	s1 =	rddreg [dreg:$0x1b];
	[sflag:s11] =	ssyncadd.s32 $0xFFFFC000  }
0xf6: {  	[hbm4b:s1+s4] =	stream.strided.scatter [tilespmem:s7], [sflag:$0x4], $0x4000, s6, s4, $0x38;
	[tilespmem:$0xB400] =	vst v63  }
0xf7: {  	_ =	swait.ge [sflag:s10], $0x4000  }
0xf8: {  	[sflag:s10] =	ssyncset.done $0x0  }
0xf9: {  	[sflag:s10] =	ssyncadd.s32 $0xFFFFC000  }
0xfa: {  	[tilespmem:s5], [sflag:$0x1] =	stream.indirect.gather [hbm4b:s2+s3], $0x20, s14, s3, $0xb8;
	[tilespmem:$0xB400] =	vst v63  }
0xfb: {  	_ =	swait.ge [sflag:s8], $0x4000  }
0xfc: {  	[sflag:s8] =	ssyncset.done $0x0  }
0xfd: {  	s1 =	rddreg [dreg:$0x1c];
	[sflag:s8] =	ssyncadd.s32 $0xFFFFC000  }
0xfe: {  	[hbm4b:s1+s4] =	stream.strided.scatter [tilespmem:s5], [sflag:$0x3], $0x4000, s6, s4, $0x38;
	[tilespmem:$0xB400] =	vst v63  }
0xff: {  	_ =	swait.ge [sflag:s9], $0x4000  }
0x100: {  	[sflag:s9] =	ssyncset.done $0x0  }
0x101: {  	[sflag:s9] =	ssyncadd.s32 $0xFFFFC000  }
0x102: {  	[tilespmem:s7], [sflag:$0x2] =	stream.indirect.gather [hbm4b:s2+s3], $0x20, s13, s3, $0xb8;
	[tilespmem:$0xB400] =	vst v63  }
0x103: {  	_ =	swait.ge [sflag:s11], $0x4000  }
0x104: {  	[sflag:s11] =	ssyncset.done $0x0  }
0x105: {  	p1 =	sne.s32 s12, $0x1;
	s1 =	rddreg [dreg:$0x1d];
	[sflag:s11] =	ssyncadd.s32 $0xFFFFC000  }
0x106: {  	[hbm4b:s1+s4] =	stream.strided.scatter [tilespmem:s7], [sflag:$0x4], $0x4000, s6, s4, $0x38;
	[tilespmem:$0xB400] =	vst v63  }
.Ltmp1:
0x107: {  	_ =	swait.ge [sflag:s10], $0x4000;
	(pc) =	sbr.rel @!p1 .LBB2_3-.Ltmp1, $4  }
0x108: {  	[sflag:s10] =	ssyncset.done $0x0  }
0x109: {  	[sflag:s10] =	ssyncadd.s32 $0xFFFFC000  }
0x10a: {  	p0 =	por $0x1, $0x1;
	_ =	swait.ge [sflag:s9], $0x4000  }
0x10b: {  	s1 =	sadd.s32 $0xFFFFFFFF, s12;
	s0 =	rddreg [dreg:$0x3];
	[sflag:s9] =	ssyncset.done $0x0  }
.LBB2_4:
0x10c: {  	s12 =	rddreg [dreg:$0x1e];
	[sflag:s9] =	ssyncadd.s32 $0xFFFFC000  }
0x10d: {  	[tilespmem:s29], [sflag:$0x5] =	stream.strided.gather [hbm4b:s0+s3], $0x3400, s12, s3, $0x38;
	[tilespmem:$0xB400] =	vst v63  }
0x10e: {  	_ =	swait.ge [sflag:s31], $0x3400  }
0x10f: {  	[sflag:s31] =	ssyncset.done $0x0  }
0x110: {  	[sflag:s31] =	ssyncadd.s32 $0xFFFFCC00  }
0x111: {  	[tilespmem:s5], [sflag:$0x1] =	stream.indirect.gather [hbm4b:s2+s3], $0x20, s29, s3, $0xb8;
	[tilespmem:$0xB400] =	vst v63  }
0x112: {  	_ =	swait.ge [sflag:s8], $0x4000  }
0x113: {  	[sflag:s8] =	ssyncset.done $0x0  }
0x114: {  	s12 =	rddreg [dreg:$0x4];
	[sflag:s8] =	ssyncadd.s32 $0xFFFFC000  }
0x115: {  	[hbm4b:s12+s4] =	stream.strided.scatter [tilespmem:s5], [sflag:$0x3], $0x4000, s6, s4, $0x38;
	[tilespmem:$0xB400] =	vst v63  }
0x116: {  	_ = 	snop  }
0x117: {  	[tilespmem:s7], [sflag:$0x2] =	stream.indirect.gather [hbm4b:s2+s3], $0x20, s3, s3, $0xb8;
	[tilespmem:$0xB400] =	vst v63  }
0x118: {  	_ =	swait.ge [sflag:s11], $0x4000  }
0x119: {  	[sflag:s11] =	ssyncset.done $0x0  }
0x11a: {  	s12 =	rddreg [dreg:$0x5];
	[sflag:s11] =	ssyncadd.s32 $0xFFFFC000  }
0x11b: {  	[hbm4b:s12+s4] =	stream.strided.scatter [tilespmem:s7], [sflag:$0x4], $0x4000, s6, s4, $0x38;
	[tilespmem:$0xB400] =	vst v63  }
0x11c: {  	_ =	swait.ge [sflag:s10], $0x4000  }
0x11d: {  	[sflag:s10] =	ssyncset.done $0x0  }
0x11e: {  	s12 =	rddreg [dreg:$0x1f];
	[sflag:s10] =	ssyncadd.s32 $0xFFFFC000  }
0x11f: {  	[tilespmem:s5], [sflag:$0x1] =	stream.indirect.gather [hbm4b:s2+s3], $0x20, s12, s3, $0xb8;
	[tilespmem:$0xB400] =	vst v63  }
0x120: {  	_ =	swait.ge [sflag:s8], $0x4000  }
0x121: {  	[sflag:s8] =	ssyncset.done $0x0  }
0x122: {  	s12 =	rddreg [dreg:$0x6];
	[sflag:s8] =	ssyncadd.s32 $0xFFFFC000  }
0x123: {  	[hbm4b:s12+s4] =	stream.strided.scatter [tilespmem:s5], [sflag:$0x3], $0x4000, s6, s4, $0x38;
	[tilespmem:$0xB400] =	vst v63  }
0x124: {  	_ =	swait.ge [sflag:s9], $0x4000  }
0x125: {  	s12 =	sld [smem:$0x7F8]  }
0x126: {  	[sflag:s9] =	ssyncset.done $0x0  }
0x127: {  	[sflag:s9] =	ssyncadd.s32 $0xFFFFC000  }
0x128: {  	[tilespmem:s7], [sflag:$0x2] =	stream.indirect.gather [hbm4b:s2+s3], $0x20, s12, s3, $0xb8;
	[tilespmem:$0xB400] =	vst v63  }
0x129: {  	_ =	swait.ge [sflag:s11], $0x4000  }
0x12a: {  	[sflag:s11] =	ssyncset.done $0x0  }
0x12b: {  	s12 =	rddreg [dreg:$0x7];
	[sflag:s11] =	ssyncadd.s32 $0xFFFFC000  }
0x12c: {  	[hbm4b:s12+s4] =	stream.strided.scatter [tilespmem:s7], [sflag:$0x4], $0x4000, s6, s4, $0x38;
	[tilespmem:$0xB400] =	vst v63  }
0x12d: {  	_ =	swait.ge [sflag:s10], $0x4000  }
0x12e: {  	s12 =	sld [smem:$0x7F9]  }
0x12f: {  	[sflag:s10] =	ssyncset.done $0x0  }
0x130: {  	[sflag:s10] =	ssyncadd.s32 $0xFFFFC000  }
0x131: {  	[tilespmem:s5], [sflag:$0x1] =	stream.indirect.gather [hbm4b:s2+s3], $0x20, s12, s3, $0xb8;
	[tilespmem:$0xB400] =	vst v63  }
0x132: {  	_ =	swait.ge [sflag:s8], $0x4000  }
0x133: {  	[sflag:s8] =	ssyncset.done $0x0  }
0x134: {  	s12 =	rddreg [dreg:$0x8];
	[sflag:s8] =	ssyncadd.s32 $0xFFFFC000  }
0x135: {  	[hbm4b:s12+s4] =	stream.strided.scatter [tilespmem:s5], [sflag:$0x3], $0x4000, s6, s4, $0x38;
	[tilespmem:$0xB400] =	vst v63  }
0x136: {  	_ =	swait.ge [sflag:s9], $0x4000  }
0x137: {  	s12 =	sld [smem:$0x7FA]  }
0x138: {  	[sflag:s9] =	ssyncset.done $0x0  }
0x139: {  	[sflag:s9] =	ssyncadd.s32 $0xFFFFC000  }
0x13a: {  	[tilespmem:s7], [sflag:$0x2] =	stream.indirect.gather [hbm4b:s2+s3], $0x20, s12, s3, $0xb8;
	[tilespmem:$0xB400] =	vst v63  }
0x13b: {  	_ =	swait.ge [sflag:s11], $0x4000  }
0x13c: {  	[sflag:s11] =	ssyncset.done $0x0  }
0x13d: {  	s12 =	rddreg [dreg:$0x9];
	[sflag:s11] =	ssyncadd.s32 $0xFFFFC000  }
0x13e: {  	[hbm4b:s12+s4] =	stream.strided.scatter [tilespmem:s7], [sflag:$0x4], $0x4000, s6, s4, $0x38;
	[tilespmem:$0xB400] =	vst v63  }
0x13f: {  	_ =	swait.ge [sflag:s10], $0x4000  }
0x140: {  	s12 =	sld [smem:$0x7FB]  }
0x141: {  	[sflag:s10] =	ssyncset.done $0x0  }
0x142: {  	[sflag:s10] =	ssyncadd.s32 $0xFFFFC000  }
0x143: {  	[tilespmem:s5], [sflag:$0x1] =	stream.indirect.gather [hbm4b:s2+s3], $0x20, s12, s3, $0xb8;
	[tilespmem:$0xB400] =	vst v63  }
0x144: {  	_ =	swait.ge [sflag:s8], $0x4000  }
0x145: {  	[sflag:s8] =	ssyncset.done $0x0  }
0x146: {  	s12 =	rddreg [dreg:$0xa];
	[sflag:s8] =	ssyncadd.s32 $0xFFFFC000  }
0x147: {  	[hbm4b:s12+s4] =	stream.strided.scatter [tilespmem:s5], [sflag:$0x3], $0x4000, s6, s4, $0x38;
	[tilespmem:$0xB400] =	vst v63  }
0x148: {  	_ =	swait.ge [sflag:s9], $0x4000  }
0x149: {  	s12 =	sld [smem:$0x7FC]  }
0x14a: {  	[sflag:s9] =	ssyncset.done $0x0  }
0x14b: {  	[sflag:s9] =	ssyncadd.s32 $0xFFFFC000  }
0x14c: {  	[tilespmem:s7], [sflag:$0x2] =	stream.indirect.gather [hbm4b:s2+s3], $0x20, s12, s3, $0xb8;
	[tilespmem:$0xB400] =	vst v63  }
0x14d: {  	_ =	swait.ge [sflag:s11], $0x4000  }
0x14e: {  	[sflag:s11] =	ssyncset.done $0x0  }
0x14f: {  	s12 =	rddreg [dreg:$0xb];
	[sflag:s11] =	ssyncadd.s32 $0xFFFFC000  }
0x150: {  	[hbm4b:s12+s4] =	stream.strided.scatter [tilespmem:s7], [sflag:$0x4], $0x4000, s6, s4, $0x38;
	[tilespmem:$0xB400] =	vst v63  }
0x151: {  	_ =	swait.ge [sflag:s10], $0x4000  }
0x152: {  	s12 =	sld [smem:$0x7FD]  }
0x153: {  	[sflag:s10] =	ssyncset.done $0x0  }
0x154: {  	[sflag:s10] =	ssyncadd.s32 $0xFFFFC000  }
0x155: {  	[tilespmem:s5], [sflag:$0x1] =	stream.indirect.gather [hbm4b:s2+s3], $0x20, s12, s3, $0xb8;
	[tilespmem:$0xB400] =	vst v63  }
0x156: {  	_ =	swait.ge [sflag:s8], $0x4000  }
0x157: {  	[sflag:s8] =	ssyncset.done $0x0  }
0x158: {  	s12 =	rddreg [dreg:$0xc];
	[sflag:s8] =	ssyncadd.s32 $0xFFFFC000  }
0x159: {  	[hbm4b:s12+s4] =	stream.strided.scatter [tilespmem:s5], [sflag:$0x3], $0x4000, s6, s4, $0x38;
	[tilespmem:$0xB400] =	vst v63  }
0x15a: {  	_ =	swait.ge [sflag:s9], $0x4000  }
0x15b: {  	[sflag:s9] =	ssyncset.done $0x0  }
0x15c: {  	s12 =	simm.s32 $0x1200;
	[sflag:s9] =	ssyncadd.s32 $0xFFFFC000  }
0x15d: {  	[tilespmem:s7], [sflag:$0x2] =	stream.indirect.gather [hbm4b:s2+s3], $0x20, s12, s3, $0xb8;
	[tilespmem:$0xB400] =	vst v63  }
0x15e: {  	_ =	swait.ge [sflag:s11], $0x4000  }
0x15f: {  	[sflag:s11] =	ssyncset.done $0x0  }
0x160: {  	s12 =	rddreg [dreg:$0xd];
	[sflag:s11] =	ssyncadd.s32 $0xFFFFC000  }
0x161: {  	[hbm4b:s12+s4] =	stream.strided.scatter [tilespmem:s7], [sflag:$0x4], $0x4000, s6, s4, $0x38;
	[tilespmem:$0xB400] =	vst v63  }
0x162: {  	_ =	swait.ge [sflag:s10], $0x4000  }
0x163: {  	[sflag:s10] =	ssyncset.done $0x0  }
0x164: {  	[sflag:s10] =	ssyncadd.s32 $0xFFFFC000  }
0x165: {  	[tilespmem:s5], [sflag:$0x1] =	stream.indirect.gather [hbm4b:s2+s3], $0x20, s30, s3, $0xb8;
	[tilespmem:$0xB400] =	vst v63  }
0x166: {  	_ =	swait.ge [sflag:s8], $0x4000  }
0x167: {  	[sflag:s8] =	ssyncset.done $0x0  }
0x168: {  	s12 =	rddreg [dreg:$0xe];
	[sflag:s8] =	ssyncadd.s32 $0xFFFFC000  }
0x169: {  	[hbm4b:s12+s4] =	stream.strided.scatter [tilespmem:s5], [sflag:$0x3], $0x4000, s6, s4, $0x38;
	[tilespmem:$0xB400] =	vst v63  }
0x16a: {  	_ =	swait.ge [sflag:s9], $0x4000  }
0x16b: {  	[sflag:s9] =	ssyncset.done $0x0  }
0x16c: {  	[sflag:s9] =	ssyncadd.s32 $0xFFFFC000  }
0x16d: {  	[tilespmem:s7], [sflag:$0x2] =	stream.indirect.gather [hbm4b:s2+s3], $0x20, s28, s3, $0xb8;
	[tilespmem:$0xB400] =	vst v63  }
0x16e: {  	_ =	swait.ge [sflag:s11], $0x4000  }
0x16f: {  	[sflag:s11] =	ssyncset.done $0x0  }
0x170: {  	s12 =	rddreg [dreg:$0xf];
	[sflag:s11] =	ssyncadd.s32 $0xFFFFC000  }
0x171: {  	[hbm4b:s12+s4] =	stream.strided.scatter [tilespmem:s7], [sflag:$0x4], $0x4000, s6, s4, $0x38;
	[tilespmem:$0xB400] =	vst v63  }
0x172: {  	_ =	swait.ge [sflag:s10], $0x4000  }
0x173: {  	[sflag:s10] =	ssyncset.done $0x0  }
0x174: {  	[sflag:s10] =	ssyncadd.s32 $0xFFFFC000  }
0x175: {  	[tilespmem:s5], [sflag:$0x1] =	stream.indirect.gather [hbm4b:s2+s3], $0x20, s26, s3, $0xb8;
	[tilespmem:$0xB400] =	vst v63  }
0x176: {  	_ =	swait.ge [sflag:s8], $0x4000  }
0x177: {  	[sflag:s8] =	ssyncset.done $0x0  }
0x178: {  	s12 =	rddreg [dreg:$0x10];
	[sflag:s8] =	ssyncadd.s32 $0xFFFFC000  }
0x179: {  	[hbm4b:s12+s4] =	stream.strided.scatter [tilespmem:s5], [sflag:$0x3], $0x4000, s6, s4, $0x38;
	[tilespmem:$0xB400] =	vst v63  }
0x17a: {  	_ =	swait.ge [sflag:s9], $0x4000  }
0x17b: {  	[sflag:s9] =	ssyncset.done $0x0  }
0x17c: {  	[sflag:s9] =	ssyncadd.s32 $0xFFFFC000  }
0x17d: {  	[tilespmem:s7], [sflag:$0x2] =	stream.indirect.gather [hbm4b:s2+s3], $0x20, s25, s3, $0xb8;
	[tilespmem:$0xB400] =	vst v63  }
0x17e: {  	_ =	swait.ge [sflag:s11], $0x4000  }
0x17f: {  	[sflag:s11] =	ssyncset.done $0x0  }
0x180: {  	s12 =	rddreg [dreg:$0x11];
	[sflag:s11] =	ssyncadd.s32 $0xFFFFC000  }
0x181: {  	[hbm4b:s12+s4] =	stream.strided.scatter [tilespmem:s7], [sflag:$0x4], $0x4000, s6, s4, $0x38;
	[tilespmem:$0xB400] =	vst v63  }
0x182: {  	_ =	swait.ge [sflag:s10], $0x4000  }
0x183: {  	[sflag:s10] =	ssyncset.done $0x0  }
0x184: {  	[sflag:s10] =	ssyncadd.s32 $0xFFFFC000  }
0x185: {  	[tilespmem:s5], [sflag:$0x1] =	stream.indirect.gather [hbm4b:s2+s3], $0x20, s24, s3, $0xb8;
	[tilespmem:$0xB400] =	vst v63  }
0x186: {  	_ =	swait.ge [sflag:s8], $0x4000  }
0x187: {  	[sflag:s8] =	ssyncset.done $0x0  }
0x188: {  	s12 =	rddreg [dreg:$0x12];
	[sflag:s8] =	ssyncadd.s32 $0xFFFFC000  }
0x189: {  	[hbm4b:s12+s4] =	stream.strided.scatter [tilespmem:s5], [sflag:$0x3], $0x4000, s6, s4, $0x38;
	[tilespmem:$0xB400] =	vst v63  }
0x18a: {  	_ =	swait.ge [sflag:s9], $0x4000  }
0x18b: {  	[sflag:s9] =	ssyncset.done $0x0  }
0x18c: {  	[sflag:s9] =	ssyncadd.s32 $0xFFFFC000  }
0x18d: {  	[tilespmem:s7], [sflag:$0x2] =	stream.indirect.gather [hbm4b:s2+s3], $0x20, s23, s3, $0xb8;
	[tilespmem:$0xB400] =	vst v63  }
0x18e: {  	_ =	swait.ge [sflag:s11], $0x4000  }
0x18f: {  	[sflag:s11] =	ssyncset.done $0x0  }
0x190: {  	s12 =	rddreg [dreg:$0x13];
	[sflag:s11] =	ssyncadd.s32 $0xFFFFC000  }
0x191: {  	[hbm4b:s12+s4] =	stream.strided.scatter [tilespmem:s7], [sflag:$0x4], $0x4000, s6, s4, $0x38;
	[tilespmem:$0xB400] =	vst v63  }
0x192: {  	_ =	swait.ge [sflag:s10], $0x4000  }
0x193: {  	[sflag:s10] =	ssyncset.done $0x0  }
0x194: {  	[sflag:s10] =	ssyncadd.s32 $0xFFFFC000  }
0x195: {  	[tilespmem:s5], [sflag:$0x1] =	stream.indirect.gather [hbm4b:s2+s3], $0x20, s22, s3, $0xb8;
	[tilespmem:$0xB400] =	vst v63  }
0x196: {  	_ =	swait.ge [sflag:s8], $0x4000  }
0x197: {  	[sflag:s8] =	ssyncset.done $0x0  }
0x198: {  	s12 =	rddreg [dreg:$0x14];
	[sflag:s8] =	ssyncadd.s32 $0xFFFFC000  }
0x199: {  	[hbm4b:s12+s4] =	stream.strided.scatter [tilespmem:s5], [sflag:$0x3], $0x4000, s6, s4, $0x38;
	[tilespmem:$0xB400] =	vst v63  }
0x19a: {  	_ =	swait.ge [sflag:s9], $0x4000  }
0x19b: {  	[sflag:s9] =	ssyncset.done $0x0  }
0x19c: {  	[sflag:s9] =	ssyncadd.s32 $0xFFFFC000  }
0x19d: {  	[tilespmem:s7], [sflag:$0x2] =	stream.indirect.gather [hbm4b:s2+s3], $0x20, s21, s3, $0xb8;
	[tilespmem:$0xB400] =	vst v63  }
0x19e: {  	_ =	swait.ge [sflag:s11], $0x4000  }
0x19f: {  	[sflag:s11] =	ssyncset.done $0x0  }
0x1a0: {  	s12 =	rddreg [dreg:$0x15];
	[sflag:s11] =	ssyncadd.s32 $0xFFFFC000  }
0x1a1: {  	[hbm4b:s12+s4] =	stream.strided.scatter [tilespmem:s7], [sflag:$0x4], $0x4000, s6, s4, $0x38;
	[tilespmem:$0xB400] =	vst v63  }
0x1a2: {  	_ =	swait.ge [sflag:s10], $0x4000  }
0x1a3: {  	[sflag:s10] =	ssyncset.done $0x0  }
0x1a4: {  	[sflag:s10] =	ssyncadd.s32 $0xFFFFC000  }
0x1a5: {  	[tilespmem:s5], [sflag:$0x1] =	stream.indirect.gather [hbm4b:s2+s3], $0x20, s20, s3, $0xb8;
	[tilespmem:$0xB400] =	vst v63  }
0x1a6: {  	_ =	swait.ge [sflag:s8], $0x4000  }
0x1a7: {  	[sflag:s8] =	ssyncset.done $0x0  }
0x1a8: {  	s12 =	rddreg [dreg:$0x16];
	[sflag:s8] =	ssyncadd.s32 $0xFFFFC000  }
0x1a9: {  	[hbm4b:s12+s4] =	stream.strided.scatter [tilespmem:s5], [sflag:$0x3], $0x4000, s6, s4, $0x38;
	[tilespmem:$0xB400] =	vst v63  }
0x1aa: {  	_ =	swait.ge [sflag:s9], $0x4000  }
0x1ab: {  	[sflag:s9] =	ssyncset.done $0x0  }
0x1ac: {  	[sflag:s9] =	ssyncadd.s32 $0xFFFFC000  }
0x1ad: {  	[tilespmem:s7], [sflag:$0x2] =	stream.indirect.gather [hbm4b:s2+s3], $0x20, s19, s3, $0xb8;
	[tilespmem:$0xB400] =	vst v63  }
0x1ae: {  	_ =	swait.ge [sflag:s11], $0x4000  }
0x1af: {  	[sflag:s11] =	ssyncset.done $0x0  }
0x1b0: {  	s12 =	rddreg [dreg:$0x17];
	[sflag:s11] =	ssyncadd.s32 $0xFFFFC000  }
0x1b1: {  	[hbm4b:s12+s4] =	stream.strided.scatter [tilespmem:s7], [sflag:$0x4], $0x4000, s6, s4, $0x38;
	[tilespmem:$0xB400] =	vst v63  }
0x1b2: {  	_ =	swait.ge [sflag:s10], $0x4000  }
0x1b3: {  	[sflag:s10] =	ssyncset.done $0x0  }
0x1b4: {  	[sflag:s10] =	ssyncadd.s32 $0xFFFFC000  }
0x1b5: {  	[tilespmem:s5], [sflag:$0x1] =	stream.indirect.gather [hbm4b:s2+s3], $0x20, s18, s3, $0xb8;
	[tilespmem:$0xB400] =	vst v63  }
0x1b6: {  	_ =	swait.ge [sflag:s8], $0x4000  }
0x1b7: {  	[sflag:s8] =	ssyncset.done $0x0  }
0x1b8: {  	s12 =	rddreg [dreg:$0x18];
	[sflag:s8] =	ssyncadd.s32 $0xFFFFC000  }
0x1b9: {  	[hbm4b:s12+s4] =	stream.strided.scatter [tilespmem:s5], [sflag:$0x3], $0x4000, s6, s4, $0x38;
	[tilespmem:$0xB400] =	vst v63  }
0x1ba: {  	_ =	swait.ge [sflag:s9], $0x4000  }
0x1bb: {  	[sflag:s9] =	ssyncset.done $0x0  }
0x1bc: {  	[sflag:s9] =	ssyncadd.s32 $0xFFFFC000  }
0x1bd: {  	[tilespmem:s7], [sflag:$0x2] =	stream.indirect.gather [hbm4b:s2+s3], $0x20, s17, s3, $0xb8;
	[tilespmem:$0xB400] =	vst v63  }
0x1be: {  	_ =	swait.ge [sflag:s11], $0x4000  }
0x1bf: {  	[sflag:s11] =	ssyncset.done $0x0  }
0x1c0: {  	s12 =	rddreg [dreg:$0x19];
	[sflag:s11] =	ssyncadd.s32 $0xFFFFC000  }
0x1c1: {  	[hbm4b:s12+s4] =	stream.strided.scatter [tilespmem:s7], [sflag:$0x4], $0x4000, s6, s4, $0x38;
	[tilespmem:$0xB400] =	vst v63  }
0x1c2: {  	_ =	swait.ge [sflag:s10], $0x4000  }
0x1c3: {  	[sflag:s10] =	ssyncset.done $0x0  }
0x1c4: {  	[sflag:s10] =	ssyncadd.s32 $0xFFFFC000  }
0x1c5: {  	[tilespmem:s5], [sflag:$0x1] =	stream.indirect.gather [hbm4b:s2+s3], $0x20, s16, s3, $0xb8;
	[tilespmem:$0xB400] =	vst v63  }
0x1c6: {  	_ =	swait.ge [sflag:s8], $0x4000  }
0x1c7: {  	[sflag:s8] =	ssyncset.done $0x0  }
0x1c8: {  	s12 =	rddreg [dreg:$0x1a];
	[sflag:s8] =	ssyncadd.s32 $0xFFFFC000  }
0x1c9: {  	[hbm4b:s12+s4] =	stream.strided.scatter [tilespmem:s5], [sflag:$0x3], $0x4000, s6, s4, $0x38;
	[tilespmem:$0xB400] =	vst v63  }
0x1ca: {  	_ =	swait.ge [sflag:s9], $0x4000  }
0x1cb: {  	[sflag:s9] =	ssyncset.done $0x0  }
0x1cc: {  	[sflag:s9] =	ssyncadd.s32 $0xFFFFC000  }
0x1cd: {  	[tilespmem:s7], [sflag:$0x2] =	stream.indirect.gather [hbm4b:s2+s3], $0x20, s15, s3, $0xb8;
	[tilespmem:$0xB400] =	vst v63  }
0x1ce: {  	_ =	swait.ge [sflag:s11], $0x4000  }
0x1cf: {  	[sflag:s11] =	ssyncset.done $0x0  }
0x1d0: {  	s12 =	rddreg [dreg:$0x1b];
	[sflag:s11] =	ssyncadd.s32 $0xFFFFC000  }
0x1d1: {  	[hbm4b:s12+s4] =	stream.strided.scatter [tilespmem:s7], [sflag:$0x4], $0x4000, s6, s4, $0x38;
	[tilespmem:$0xB400] =	vst v63  }
0x1d2: {  	_ =	swait.ge [sflag:s10], $0x4000  }
0x1d3: {  	[sflag:s10] =	ssyncset.done $0x0  }
0x1d4: {  	[sflag:s10] =	ssyncadd.s32 $0xFFFFC000  }
0x1d5: {  	[tilespmem:s5], [sflag:$0x1] =	stream.indirect.gather [hbm4b:s2+s3], $0x20, s14, s3, $0xb8;
	[tilespmem:$0xB400] =	vst v63  }
0x1d6: {  	_ =	swait.ge [sflag:s8], $0x4000  }
0x1d7: {  	[sflag:s8] =	ssyncset.done $0x0  }
0x1d8: {  	s12 =	rddreg [dreg:$0x1c];
	[sflag:s8] =	ssyncadd.s32 $0xFFFFC000  }
0x1d9: {  	[hbm4b:s12+s4] =	stream.strided.scatter [tilespmem:s5], [sflag:$0x3], $0x4000, s6, s4, $0x38;
	[tilespmem:$0xB400] =	vst v63  }
0x1da: {  	_ =	swait.ge [sflag:s9], $0x4000  }
0x1db: {  	[sflag:s9] =	ssyncset.done $0x0  }
0x1dc: {  	[sflag:s9] =	ssyncadd.s32 $0xFFFFC000  }
0x1dd: {  	[tilespmem:s7], [sflag:$0x2] =	stream.indirect.gather [hbm4b:s2+s3], $0x20, s13, s3, $0xb8;
	[tilespmem:$0xB400] =	vst v63  }
0x1de: {  	_ =	swait.ge [sflag:s11], $0x4000  }
0x1df: {  	[sflag:s11] =	ssyncset.done $0x0  }
0x1e0: {  	p1 =	sne.s32 s1, $0x1;
	s12 =	rddreg [dreg:$0x1d];
	[sflag:s11] =	ssyncadd.s32 $0xFFFFC000  }
0x1e1: {  	[hbm4b:s12+s4] =	stream.strided.scatter [tilespmem:s7], [sflag:$0x4], $0x4000, s6, s4, $0x38;
	[tilespmem:$0xB400] =	vst v63  }
.Ltmp2:
0x1e2: {  	_ =	swait.ge [sflag:s10], $0x4000;
	(pc) =	sbr.rel @p1 .LBB2_4-.Ltmp2, $4  }
0x1e3: {  	[sflag:s10] =	ssyncset.done $0x0  }
0x1e4: {  	[sflag:s10] =	ssyncadd.s32 $0xFFFFC000  }
0x1e5: {  	_ =	swait.ge [sflag:s9], $0x4000  }
0x1e6: {  	s1 =	sadd.s32 $0xFFFFFFFF, s1;
	s0 =	rddreg [dreg:$0x3];
	[sflag:s9] =	ssyncset.done $0x0  }
0x1e7: {  	s13 =	simm.s32 $0x1200;
	s30 =	simm.s32 $0x1400  }
0x1e8: {  	s28 =	simm.s32 $0x1600;
	s26 =	simm.s32 $0x1800;
	s25 =	simm.s32 $0x1A00  }
0x1e9: {  	s24 =	simm.s32 $0x1C00;
	s23 =	simm.s32 $0x1E00;
	s22 =	simm.s32 $0x2000  }
0x1ea: {  	s21 =	simm.s32 $0x2200;
	s20 =	simm.s32 $0x2400;
	s19 =	simm.s32 $0x2600  }
0x1eb: {  	s18 =	simm.s32 $0x2800;
	s17 =	simm.s32 $0x2A00;
	s16 =	simm.s32 $0x2C00  }
0x1ec: {  	s15 =	simm.s32 $0x2E00;
	s14 =	simm.s32 $0x3000;
	s12 =	stileid.u32  }
.LBB2_6:
0x1ed: {  	s1 =	rddreg [dreg:$0x1e];
	[sflag:s9] =	ssyncadd.s32 @p0 $0xFFFFC000  }
0x1ee: {  	[tilespmem:s29], [sflag:$0x5] =	stream.strided.gather [hbm4b:s0+s3], $0x3400, s1, s3, $0x38;
	[tilespmem:$0xB400] =	vst v63  }
0x1ef: {  	_ =	swait.ge [sflag:s31], $0x3400  }
0x1f0: {  	[sflag:s31] =	ssyncset.done $0x0  }
0x1f1: {  	[sflag:s31] =	ssyncadd.s32 $0xFFFFCC00  }
0x1f2: {  	[tilespmem:s5], [sflag:$0x1] =	stream.indirect.gather [hbm4b:s2+s3], $0x20, s29, s3, $0xb8;
	[tilespmem:$0xB400] =	vst v63  }
0x1f3: {  	_ =	swait.ge [sflag:s8], $0x4000  }
0x1f4: {  	[sflag:s8] =	ssyncset.done $0x0  }
0x1f5: {  	s31 =	rddreg [dreg:$0x4];
	[sflag:s8] =	ssyncadd.s32 $0xFFFFC000  }
0x1f6: {  	[hbm4b:s31+s4] =	stream.strided.scatter [tilespmem:s5], [sflag:$0x3], $0x4000, s6, s4, $0x38;
	[tilespmem:$0xB400] =	vst v63  }
0x1f7: {  	_ = 	snop  }
0x1f8: {  	[tilespmem:s7], [sflag:$0x2] =	stream.indirect.gather [hbm4b:s2+s3], $0x20, s3, s3, $0xb8;
	[tilespmem:$0xB400] =	vst v63  }
0x1f9: {  	_ =	swait.ge [sflag:s11], $0x4000  }
0x1fa: {  	[sflag:s11] =	ssyncset.done $0x0  }
0x1fb: {  	s1 =	rddreg [dreg:$0x5];
	[sflag:s11] =	ssyncadd.s32 $0xFFFFC000  }
0x1fc: {  	[hbm4b:s1+s4] =	stream.strided.scatter [tilespmem:s7], [sflag:$0x4], $0x4000, s6, s4, $0x38;
	[tilespmem:$0xB400] =	vst v63  }
0x1fd: {  	_ =	swait.ge [sflag:s10], $0x4000  }
0x1fe: {  	[sflag:s10] =	ssyncset.done $0x0  }
0x1ff: {  	s29 =	rddreg [dreg:$0x1f];
	[sflag:s10] =	ssyncadd.s32 $0xFFFFC000  }
0x200: {  	[tilespmem:s5], [sflag:$0x1] =	stream.indirect.gather [hbm4b:s2+s3], $0x20, s29, s3, $0xb8;
	[tilespmem:$0xB400] =	vst v63  }
0x201: {  	_ =	swait.ge [sflag:s8], $0x4000  }
0x202: {  	[sflag:s8] =	ssyncset.done $0x0  }
0x203: {  	s31 =	rddreg [dreg:$0x6];
	[sflag:s8] =	ssyncadd.s32 $0xFFFFC000  }
0x204: {  	[hbm4b:s31+s4] =	stream.strided.scatter [tilespmem:s5], [sflag:$0x3], $0x4000, s6, s4, $0x38;
	[tilespmem:$0xB400] =	vst v63  }
0x205: {  	_ =	swait.ge [sflag:s9], $0x4000  }
0x206: {  	s1 =	sld [smem:$0x7F8]  }
0x207: {  	[sflag:s9] =	ssyncset.done $0x0  }
0x208: {  	[sflag:s9] =	ssyncadd.s32 $0xFFFFC000  }
0x209: {  	[tilespmem:s7], [sflag:$0x2] =	stream.indirect.gather [hbm4b:s2+s3], $0x20, s1, s3, $0xb8;
	[tilespmem:$0xB400] =	vst v63  }
0x20a: {  	_ =	swait.ge [sflag:s11], $0x4000  }
0x20b: {  	[sflag:s11] =	ssyncset.done $0x0  }
0x20c: {  	s29 =	rddreg [dreg:$0x7];
	[sflag:s11] =	ssyncadd.s32 $0xFFFFC000  }
0x20d: {  	[hbm4b:s29+s4] =	stream.strided.scatter [tilespmem:s7], [sflag:$0x4], $0x4000, s6, s4, $0x38;
	[tilespmem:$0xB400] =	vst v63  }
0x20e: {  	_ =	swait.ge [sflag:s10], $0x4000  }
0x20f: {  	s31 =	sld [smem:$0x7F9]  }
0x210: {  	[sflag:s10] =	ssyncset.done $0x0  }
0x211: {  	[sflag:s10] =	ssyncadd.s32 $0xFFFFC000  }
0x212: {  	[tilespmem:s5], [sflag:$0x1] =	stream.indirect.gather [hbm4b:s2+s3], $0x20, s31, s3, $0xb8;
	[tilespmem:$0xB400] =	vst v63  }
0x213: {  	_ =	swait.ge [sflag:s8], $0x4000  }
0x214: {  	[sflag:s8] =	ssyncset.done $0x0  }
0x215: {  	s1 =	rddreg [dreg:$0x8];
	[sflag:s8] =	ssyncadd.s32 $0xFFFFC000  }
0x216: {  	[hbm4b:s1+s4] =	stream.strided.scatter [tilespmem:s5], [sflag:$0x3], $0x4000, s6, s4, $0x38;
	[tilespmem:$0xB400] =	vst v63  }
0x217: {  	_ =	swait.ge [sflag:s9], $0x4000  }
0x218: {  	s29 =	sld [smem:$0x7FA]  }
0x219: {  	[sflag:s9] =	ssyncset.done $0x0  }
0x21a: {  	[sflag:s9] =	ssyncadd.s32 $0xFFFFC000  }
0x21b: {  	[tilespmem:s7], [sflag:$0x2] =	stream.indirect.gather [hbm4b:s2+s3], $0x20, s29, s3, $0xb8;
	[tilespmem:$0xB400] =	vst v63  }
0x21c: {  	_ =	swait.ge [sflag:s11], $0x4000  }
0x21d: {  	[sflag:s11] =	ssyncset.done $0x0  }
0x21e: {  	s31 =	rddreg [dreg:$0x9];
	[sflag:s11] =	ssyncadd.s32 $0xFFFFC000  }
0x21f: {  	[hbm4b:s31+s4] =	stream.strided.scatter [tilespmem:s7], [sflag:$0x4], $0x4000, s6, s4, $0x38;
	[tilespmem:$0xB400] =	vst v63  }
0x220: {  	_ =	swait.ge [sflag:s10], $0x4000  }
0x221: {  	s1 =	sld [smem:$0x7FB]  }
0x222: {  	[sflag:s10] =	ssyncset.done $0x0  }
0x223: {  	[sflag:s10] =	ssyncadd.s32 $0xFFFFC000  }
0x224: {  	[tilespmem:s5], [sflag:$0x1] =	stream.indirect.gather [hbm4b:s2+s3], $0x20, s1, s3, $0xb8;
	[tilespmem:$0xB400] =	vst v63  }
0x225: {  	_ =	swait.ge [sflag:s8], $0x4000  }
0x226: {  	[sflag:s8] =	ssyncset.done $0x0  }
0x227: {  	s29 =	rddreg [dreg:$0xa];
	[sflag:s8] =	ssyncadd.s32 $0xFFFFC000  }
0x228: {  	[hbm4b:s29+s4] =	stream.strided.scatter [tilespmem:s5], [sflag:$0x3], $0x4000, s6, s4, $0x38;
	[tilespmem:$0xB400] =	vst v63  }
0x229: {  	_ =	swait.ge [sflag:s9], $0x4000  }
0x22a: {  	s31 =	sld [smem:$0x7FC]  }
0x22b: {  	[sflag:s9] =	ssyncset.done $0x0  }
0x22c: {  	[sflag:s9] =	ssyncadd.s32 $0xFFFFC000  }
0x22d: {  	[tilespmem:s7], [sflag:$0x2] =	stream.indirect.gather [hbm4b:s2+s3], $0x20, s31, s3, $0xb8;
	[tilespmem:$0xB400] =	vst v63  }
0x22e: {  	_ =	swait.ge [sflag:s11], $0x4000  }
0x22f: {  	[sflag:s11] =	ssyncset.done $0x0  }
0x230: {  	s1 =	rddreg [dreg:$0xb];
	[sflag:s11] =	ssyncadd.s32 $0xFFFFC000  }
0x231: {  	[hbm4b:s1+s4] =	stream.strided.scatter [tilespmem:s7], [sflag:$0x4], $0x4000, s6, s4, $0x38;
	[tilespmem:$0xB400] =	vst v63  }
0x232: {  	_ =	swait.ge [sflag:s10], $0x4000  }
0x233: {  	s29 =	sld [smem:$0x7FD]  }
0x234: {  	[sflag:s10] =	ssyncset.done $0x0  }
0x235: {  	[sflag:s10] =	ssyncadd.s32 $0xFFFFC000  }
0x236: {  	[tilespmem:s5], [sflag:$0x1] =	stream.indirect.gather [hbm4b:s2+s3], $0x20, s29, s3, $0xb8;
	[tilespmem:$0xB400] =	vst v63  }
0x237: {  	_ =	swait.ge [sflag:s8], $0x4000  }
0x238: {  	[sflag:s8] =	ssyncset.done $0x0  }
0x239: {  	s31 =	rddreg [dreg:$0xc];
	[sflag:s8] =	ssyncadd.s32 $0xFFFFC000  }
0x23a: {  	[hbm4b:s31+s4] =	stream.strided.scatter [tilespmem:s5], [sflag:$0x3], $0x4000, s6, s4, $0x38;
	[tilespmem:$0xB400] =	vst v63  }
0x23b: {  	_ =	swait.ge [sflag:s9], $0x4000  }
0x23c: {  	[sflag:s9] =	ssyncset.done $0x0  }
0x23d: {  	[sflag:s9] =	ssyncadd.s32 $0xFFFFC000  }
0x23e: {  	[tilespmem:s7], [sflag:$0x2] =	stream.indirect.gather [hbm4b:s2+s3], $0x20, s13, s3, $0xb8;
	[tilespmem:$0xB400] =	vst v63  }
0x23f: {  	_ =	swait.ge [sflag:s11], $0x4000  }
0x240: {  	[sflag:s11] =	ssyncset.done $0x0  }
0x241: {  	s1 =	rddreg [dreg:$0xd];
	[sflag:s11] =	ssyncadd.s32 $0xFFFFC000  }
0x242: {  	[hbm4b:s1+s4] =	stream.strided.scatter [tilespmem:s7], [sflag:$0x4], $0x4000, s6, s4, $0x38;
	[tilespmem:$0xB400] =	vst v63  }
0x243: {  	_ =	swait.ge [sflag:s10], $0x4000  }
0x244: {  	[sflag:s10] =	ssyncset.done $0x0  }
0x245: {  	[sflag:s10] =	ssyncadd.s32 $0xFFFFC000  }
0x246: {  	[tilespmem:s5], [sflag:$0x1] =	stream.indirect.gather [hbm4b:s2+s3], $0x20, s30, s3, $0xb8;
	[tilespmem:$0xB400] =	vst v63  }
0x247: {  	_ =	swait.ge [sflag:s8], $0x4000  }
0x248: {  	[sflag:s8] =	ssyncset.done $0x0  }
0x249: {  	s13 =	rddreg [dreg:$0xe];
	[sflag:s8] =	ssyncadd.s32 $0xFFFFC000  }
0x24a: {  	[hbm4b:s13+s4] =	stream.strided.scatter [tilespmem:s5], [sflag:$0x3], $0x4000, s6, s4, $0x38;
	[tilespmem:$0xB400] =	vst v63  }
0x24b: {  	_ =	swait.ge [sflag:s9], $0x4000  }
0x24c: {  	[sflag:s9] =	ssyncset.done $0x0  }
0x24d: {  	[sflag:s9] =	ssyncadd.s32 $0xFFFFC000  }
0x24e: {  	[tilespmem:s7], [sflag:$0x2] =	stream.indirect.gather [hbm4b:s2+s3], $0x20, s28, s3, $0xb8;
	[tilespmem:$0xB400] =	vst v63  }
0x24f: {  	_ =	swait.ge [sflag:s11], $0x4000  }
0x250: {  	[sflag:s11] =	ssyncset.done $0x0  }
0x251: {  	s28 =	rddreg [dreg:$0xf];
	[sflag:s11] =	ssyncadd.s32 $0xFFFFC000  }
0x252: {  	[hbm4b:s28+s4] =	stream.strided.scatter [tilespmem:s7], [sflag:$0x4], $0x4000, s6, s4, $0x38;
	[tilespmem:$0xB400] =	vst v63  }
0x253: {  	_ =	swait.ge [sflag:s10], $0x4000  }
0x254: {  	[sflag:s10] =	ssyncset.done $0x0  }
0x255: {  	[sflag:s10] =	ssyncadd.s32 $0xFFFFC000  }
0x256: {  	[tilespmem:s5], [sflag:$0x1] =	stream.indirect.gather [hbm4b:s2+s3], $0x20, s26, s3, $0xb8;
	[tilespmem:$0xB400] =	vst v63  }
0x257: {  	_ =	swait.ge [sflag:s8], $0x4000  }
0x258: {  	[sflag:s8] =	ssyncset.done $0x0  }
0x259: {  	s29 =	rddreg [dreg:$0x10];
	[sflag:s8] =	ssyncadd.s32 $0xFFFFC000  }
0x25a: {  	[hbm4b:s29+s4] =	stream.strided.scatter [tilespmem:s5], [sflag:$0x3], $0x4000, s6, s4, $0x38;
	[tilespmem:$0xB400] =	vst v63  }
0x25b: {  	_ =	swait.ge [sflag:s9], $0x4000  }
0x25c: {  	[sflag:s9] =	ssyncset.done $0x0  }
0x25d: {  	[sflag:s9] =	ssyncadd.s32 $0xFFFFC000  }
0x25e: {  	[tilespmem:s7], [sflag:$0x2] =	stream.indirect.gather [hbm4b:s2+s3], $0x20, s25, s3, $0xb8;
	[tilespmem:$0xB400] =	vst v63  }
0x25f: {  	_ =	swait.ge [sflag:s11], $0x4000  }
0x260: {  	[sflag:s11] =	ssyncset.done $0x0  }
0x261: {  	s30 =	rddreg [dreg:$0x11];
	[sflag:s11] =	ssyncadd.s32 $0xFFFFC000  }
0x262: {  	[hbm4b:s30+s4] =	stream.strided.scatter [tilespmem:s7], [sflag:$0x4], $0x4000, s6, s4, $0x38;
	[tilespmem:$0xB400] =	vst v63  }
0x263: {  	_ =	swait.ge [sflag:s10], $0x4000  }
0x264: {  	[sflag:s10] =	ssyncset.done $0x0  }
0x265: {  	[sflag:s10] =	ssyncadd.s32 $0xFFFFC000  }
0x266: {  	[tilespmem:s5], [sflag:$0x1] =	stream.indirect.gather [hbm4b:s2+s3], $0x20, s24, s3, $0xb8;
	[tilespmem:$0xB400] =	vst v63  }
0x267: {  	_ =	swait.ge [sflag:s8], $0x4000  }
0x268: {  	[sflag:s8] =	ssyncset.done $0x0  }
0x269: {  	s31 =	rddreg [dreg:$0x12];
	[sflag:s8] =	ssyncadd.s32 $0xFFFFC000  }
0x26a: {  	[hbm4b:s31+s4] =	stream.strided.scatter [tilespmem:s5], [sflag:$0x3], $0x4000, s6, s4, $0x38;
	[tilespmem:$0xB400] =	vst v63  }
0x26b: {  	_ =	swait.ge [sflag:s9], $0x4000  }
0x26c: {  	[sflag:s9] =	ssyncset.done $0x0  }
0x26d: {  	[sflag:s9] =	ssyncadd.s32 $0xFFFFC000  }
0x26e: {  	[tilespmem:s7], [sflag:$0x2] =	stream.indirect.gather [hbm4b:s2+s3], $0x20, s23, s3, $0xb8;
	[tilespmem:$0xB400] =	vst v63  }
0x26f: {  	_ =	swait.ge [sflag:s11], $0x4000  }
0x270: {  	[sflag:s11] =	ssyncset.done $0x0  }
0x271: {  	s1 =	rddreg [dreg:$0x13];
	[sflag:s11] =	ssyncadd.s32 $0xFFFFC000  }
0x272: {  	[hbm4b:s1+s4] =	stream.strided.scatter [tilespmem:s7], [sflag:$0x4], $0x4000, s6, s4, $0x38;
	[tilespmem:$0xB400] =	vst v63  }
0x273: {  	_ =	swait.ge [sflag:s10], $0x4000  }
0x274: {  	[sflag:s10] =	ssyncset.done $0x0  }
0x275: {  	[sflag:s10] =	ssyncadd.s32 $0xFFFFC000  }
0x276: {  	[tilespmem:s5], [sflag:$0x1] =	stream.indirect.gather [hbm4b:s2+s3], $0x20, s22, s3, $0xb8;
	[tilespmem:$0xB400] =	vst v63  }
0x277: {  	_ =	swait.ge [sflag:s8], $0x4000  }
0x278: {  	[sflag:s8] =	ssyncset.done $0x0  }
0x279: {  	s13 =	rddreg [dreg:$0x14];
	[sflag:s8] =	ssyncadd.s32 $0xFFFFC000  }
0x27a: {  	[hbm4b:s13+s4] =	stream.strided.scatter [tilespmem:s5], [sflag:$0x3], $0x4000, s6, s4, $0x38;
	[tilespmem:$0xB400] =	vst v63  }
0x27b: {  	_ =	swait.ge [sflag:s9], $0x4000  }
0x27c: {  	[sflag:s9] =	ssyncset.done $0x0  }
0x27d: {  	[sflag:s9] =	ssyncadd.s32 $0xFFFFC000  }
0x27e: {  	[tilespmem:s7], [sflag:$0x2] =	stream.indirect.gather [hbm4b:s2+s3], $0x20, s21, s3, $0xb8;
	[tilespmem:$0xB400] =	vst v63  }
0x27f: {  	_ =	swait.ge [sflag:s11], $0x4000  }
0x280: {  	[sflag:s11] =	ssyncset.done $0x0  }
0x281: {  	s21 =	rddreg [dreg:$0x15];
	[sflag:s11] =	ssyncadd.s32 $0xFFFFC000  }
0x282: {  	[hbm4b:s21+s4] =	stream.strided.scatter [tilespmem:s7], [sflag:$0x4], $0x4000, s6, s4, $0x38;
	[tilespmem:$0xB400] =	vst v63  }
0x283: {  	_ =	swait.ge [sflag:s10], $0x4000  }
0x284: {  	[sflag:s10] =	ssyncset.done $0x0  }
0x285: {  	[sflag:s10] =	ssyncadd.s32 $0xFFFFC000  }
0x286: {  	[tilespmem:s5], [sflag:$0x1] =	stream.indirect.gather [hbm4b:s2+s3], $0x20, s20, s3, $0xb8;
	[tilespmem:$0xB400] =	vst v63  }
0x287: {  	_ =	swait.ge [sflag:s8], $0x4000  }
0x288: {  	[sflag:s8] =	ssyncset.done $0x0  }
0x289: {  	s22 =	rddreg [dreg:$0x16];
	[sflag:s8] =	ssyncadd.s32 $0xFFFFC000  }
0x28a: {  	[hbm4b:s22+s4] =	stream.strided.scatter [tilespmem:s5], [sflag:$0x3], $0x4000, s6, s4, $0x38;
	[tilespmem:$0xB400] =	vst v63  }
0x28b: {  	_ =	swait.ge [sflag:s9], $0x4000  }
0x28c: {  	[sflag:s9] =	ssyncset.done $0x0  }
0x28d: {  	[sflag:s9] =	ssyncadd.s32 $0xFFFFC000  }
0x28e: {  	[tilespmem:s7], [sflag:$0x2] =	stream.indirect.gather [hbm4b:s2+s3], $0x20, s19, s3, $0xb8;
	[tilespmem:$0xB400] =	vst v63  }
0x28f: {  	_ =	swait.ge [sflag:s11], $0x4000  }
0x290: {  	[sflag:s11] =	ssyncset.done $0x0  }
0x291: {  	s23 =	rddreg [dreg:$0x17];
	[sflag:s11] =	ssyncadd.s32 $0xFFFFC000  }
0x292: {  	[hbm4b:s23+s4] =	stream.strided.scatter [tilespmem:s7], [sflag:$0x4], $0x4000, s6, s4, $0x38;
	[tilespmem:$0xB400] =	vst v63  }
0x293: {  	_ =	swait.ge [sflag:s10], $0x4000  }
0x294: {  	[sflag:s10] =	ssyncset.done $0x0  }
0x295: {  	[sflag:s10] =	ssyncadd.s32 $0xFFFFC000  }
0x296: {  	[tilespmem:s5], [sflag:$0x1] =	stream.indirect.gather [hbm4b:s2+s3], $0x20, s18, s3, $0xb8;
	[tilespmem:$0xB400] =	vst v63  }
0x297: {  	_ =	swait.ge [sflag:s8], $0x4000  }
0x298: {  	[sflag:s8] =	ssyncset.done $0x0  }
0x299: {  	s24 =	rddreg [dreg:$0x18];
	[sflag:s8] =	ssyncadd.s32 $0xFFFFC000  }
0x29a: {  	[hbm4b:s24+s4] =	stream.strided.scatter [tilespmem:s5], [sflag:$0x3], $0x4000, s6, s4, $0x38;
	[tilespmem:$0xB400] =	vst v63  }
0x29b: {  	_ =	swait.ge [sflag:s9], $0x4000  }
0x29c: {  	[sflag:s9] =	ssyncset.done $0x0  }
0x29d: {  	[sflag:s9] =	ssyncadd.s32 $0xFFFFC000  }
0x29e: {  	[tilespmem:s7], [sflag:$0x2] =	stream.indirect.gather [hbm4b:s2+s3], $0x20, s17, s3, $0xb8;
	[tilespmem:$0xB400] =	vst v63  }
0x29f: {  	_ =	swait.ge [sflag:s11], $0x4000  }
0x2a0: {  	[sflag:s11] =	ssyncset.done $0x0  }
0x2a1: {  	s25 =	rddreg [dreg:$0x19];
	[sflag:s11] =	ssyncadd.s32 $0xFFFFC000  }
0x2a2: {  	[hbm4b:s25+s4] =	stream.strided.scatter [tilespmem:s7], [sflag:$0x4], $0x4000, s6, s4, $0x38;
	[tilespmem:$0xB400] =	vst v63  }
0x2a3: {  	_ =	swait.ge [sflag:s10], $0x4000  }
0x2a4: {  	[sflag:s10] =	ssyncset.done $0x0  }
0x2a5: {  	[sflag:s10] =	ssyncadd.s32 $0xFFFFC000  }
0x2a6: {  	[tilespmem:s5], [sflag:$0x1] =	stream.indirect.gather [hbm4b:s2+s3], $0x20, s16, s3, $0xb8;
	[tilespmem:$0xB400] =	vst v63  }
0x2a7: {  	_ =	swait.ge [sflag:s8], $0x4000  }
0x2a8: {  	[sflag:s8] =	ssyncset.done $0x0  }
0x2a9: {  	s26 =	rddreg [dreg:$0x1a];
	[sflag:s8] =	ssyncadd.s32 $0xFFFFC000  }
0x2aa: {  	[hbm4b:s26+s4] =	stream.strided.scatter [tilespmem:s5], [sflag:$0x3], $0x4000, s6, s4, $0x38;
	[tilespmem:$0xB400] =	vst v63  }
0x2ab: {  	_ =	swait.ge [sflag:s9], $0x4000  }
0x2ac: {  	[sflag:s9] =	ssyncset.done $0x0  }
0x2ad: {  	[sflag:s9] =	ssyncadd.s32 $0xFFFFC000  }
0x2ae: {  	[tilespmem:s7], [sflag:$0x2] =	stream.indirect.gather [hbm4b:s2+s3], $0x20, s15, s3, $0xb8;
	[tilespmem:$0xB400] =	vst v63  }
0x2af: {  	_ =	swait.ge [sflag:s11], $0x4000  }
0x2b0: {  	[sflag:s11] =	ssyncset.done $0x0  }
0x2b1: {  	s28 =	rddreg [dreg:$0x1b];
	[sflag:s11] =	ssyncadd.s32 $0xFFFFC000  }
0x2b2: {  	[hbm4b:s28+s4] =	stream.strided.scatter [tilespmem:s7], [sflag:$0x4], $0x4000, s6, s4, $0x38;
	[tilespmem:$0xB400] =	vst v63  }
0x2b3: {  	_ =	swait.ge [sflag:s10], $0x4000  }
0x2b4: {  	[sflag:s10] =	ssyncset.done $0x0  }
0x2b5: {  	[sflag:s10] =	ssyncadd.s32 $0xFFFFC000  }
0x2b6: {  	[tilespmem:s5], [sflag:$0x1] =	stream.indirect.gather [hbm4b:s2+s3], $0x20, s14, s3, $0xb8;
	[tilespmem:$0xB400] =	vst v63  }
0x2b7: {  	_ =	swait.ge [sflag:s8], $0x4000  }
0x2b8: {  	[sflag:s8] =	ssyncset.done $0x0  }
0x2b9: {  	s29 =	rddreg [dreg:$0x1c];
	[sflag:s8] =	ssyncadd.s32 $0xFFFFC000  }
0x2ba: {  	[hbm4b:s29+s4] =	stream.strided.scatter [tilespmem:s5], [sflag:$0x3], $0x4000, s6, s4, $0x38;
	[tilespmem:$0xB400] =	vst v63  }
0x2bb: {  	_ =	swait.ge [sflag:s9], $0x4000  }
0x2bc: {  	[sflag:s9] =	ssyncset.done $0x0  }
0x2bd: {  	s30 =	simm.s32 $0x3200;
	[sflag:s9] =	ssyncadd.s32 $0xFFFFC000  }
0x2be: {  	[tilespmem:s7], [sflag:$0x2] =	stream.indirect.gather [hbm4b:s2+s3], $0x20, s30, s3, $0xb8;
	[tilespmem:$0xB400] =	vst v63  }
0x2bf: {  	_ =	swait.ge [sflag:s11], $0x4000  }
0x2c0: {  	[sflag:s11] =	ssyncset.done $0x0  }
0x2c1: {  	s31 =	rddreg [dreg:$0x1d];
	[sflag:s11] =	ssyncadd.s32 $0xFFFFC000  }
0x2c2: {  	[hbm4b:s31+s4] =	stream.strided.scatter [tilespmem:s7], [sflag:$0x4], $0x4000, s6, s4, $0x38;
	[tilespmem:$0xB400] =	vst v63  }
0x2c3: {  	_ =	swait.ge [sflag:s10], $0x4000  }
0x2c4: {  	[sflag:s10] =	ssyncset.done $0x0  }
0x2c5: {  	[sflag:s10] =	ssyncadd.s32 $0xFFFFC000  }
0x2c6: {  	_ =	swait.ge [sflag:s9], $0x4000  }
0x2c7: {  	[sflag:s9] =	ssyncset.done $0x0  }
0x2c8: {  	[sflag:s9] =	ssyncadd.s32 $0xFFFFC000  }
0x2c9: {  	_ =	sfence.sel $0x180000  }
0x2ca: {  	[bflag:$0x0] =	sbarrier.arrive $0xFFFF  }
0x2cb: {  	_ =	strace $0x90000047  }
0x2cc: {  	[bflag:$0x2] =	sbarrier.arrive $0xFFFF  }
0x2cd: {  	p0 =	sne.s32 s12, $0x0;
	s0 =	rddreg [dreg:$0x2]  }
0x2ce: {  	s0 =	sadd.s32 @!p0 $0x100000, s0  }
0x2cf: {  	[sflag:s0] =	ssyncadd.tile.s32 @!p0 $0x1;
	_ =	shalt  }
.LBB2_1:
0x2d0: {  	s13 =	simm.s32 $0x1200;
	s30 =	simm.s32 $0x1400  }
.Ltmp3:
0x2d1: {  	s28 =	simm.s32 $0x1600;
	s26 =	simm.s32 $0x1800;
	(pc) =	sbr.rel .LBB2_6-.Ltmp3, $4  }
0x2d2: {  	s25 =	simm.s32 $0x1A00;
	s24 =	simm.s32 $0x1C00;
	s23 =	simm.s32 $0x1E00  }
0x2d3: {  	s22 =	simm.s32 $0x2000;
	s21 =	simm.s32 $0x2200;
	s20 =	simm.s32 $0x2400  }
0x2d4: {  	s19 =	simm.s32 $0x2600;
	s18 =	simm.s32 $0x2800;
	s17 =	simm.s32 $0x2A00  }
0x2d5: {  	s16 =	simm.s32 $0x2C00;
	s15 =	simm.s32 $0x2E00;
	s14 =	simm.s32 $0x3000  }
.LBB2_3:
0x2d6: {  	s13 =	simm.s32 $0x1200;
	s30 =	simm.s32 $0x1400;
	s28 =	simm.s32 $0x1600  }
.Ltmp4:
0x2d7: {  	s26 =	simm.s32 $0x1800;
	s25 =	simm.s32 $0x1A00;
	(pc) =	sbr.rel .LBB2_6-.Ltmp4, $4  }
0x2d8: {  	s24 =	simm.s32 $0x1C00;
	s23 =	simm.s32 $0x1E00;
	s22 =	simm.s32 $0x2000  }
0x2d9: {  	s21 =	simm.s32 $0x2200;
	s20 =	simm.s32 $0x2400;
	s19 =	simm.s32 $0x2600  }
0x2da: {  	s18 =	simm.s32 $0x2800;
	s17 =	simm.s32 $0x2A00;
	s16 =	simm.s32 $0x2C00  }
0x2db: {  	s15 =	simm.s32 $0x2E00;
	s14 =	simm.s32 $0x3000;
	s12 =	stileid.u32  }
.Lfunc_end2:
_tile_overlayer_lowered:
.L_overlay_start_2:
0x2dc: {  	(tag) =	ssettag $0x2  }
0x2dd: {  	s0 =	rddreg [dreg:$0x0];
	s2 =	stileid.u32  }
0x2de: {  	s1 =	rddreg [dreg:$0x1];
	p0 =	sne.s32 s2, $0x0  }
0x2df: {  	s3 =	rddreg [dreg:$0x2];
	[bflag:$0x3] =	sbarrier.arrive $0xFFFF;
	s2 =	simm.s32 @!p0 $0x1C05  }
0x2e0: {  	[timem:s3], [sflag:s2] =	dma.local @!p0 [hbm:s0], s1  }
0x2e1: {  	s0 =	simm.s32 @!p0 $0x5  }
0x2e2: {  	_ =	swait.ge @!p0 [sflag:s0], s1  }
0x2e3: {  	s1 =	ssub.s32 @!p0 $0x0, s1;
	[sflag:s0] =	ssyncset.done @!p0 $0x0  }
0x2e4: {  	[sflag:s0] =	ssyncadd.s32 @!p0 s1  }
0x2e5: {  	[bflag:$0x3] =	sbarrier.arrive $0xFFFF  }
0x2e6: {  	_ =	shalt  }

</sc_bundles>
